<compile_context>
chip_gen: v7x
topology: tpu7x:2x2x1
jax: 0.10.2.dev20260603
libtpu: 0.0.44.dev20260713+nightly
codegen_flags: <defaults>
</compile_context>

<pallas_src>
import jax
import jax.numpy as jnp
from jax import lax
from jax.experimental import pallas as pl
from jax.experimental.pallas import tpu as pltpu, tpu_sc as plsc

C = 3
NLUT = 33 * 33 * 33
NLUT_PAD = NLUT + 7
H, W = 1080, 1920
NPIX = H * W
NW = 32
PIX_PER_W = NPIX // NW
CHUNK = 1296
NCHUNK = PIX_PER_W // CHUNK
VECS = CHUNK // 16


def _interp_body(lut_hbm, img_hbm, out_hbm,
                 lut0, lut1, lut2,
                 bi00, bi01, bi02, bi10, bi11, bi12,
                 bo00, bo01, bo02, bo10, bo11, bo12,
                 sin0, sin1, sout0, sout1):
    bi = ((bi00, bi01, bi02), (bi10, bi11, bi12))
    bo = ((bo00, bo01, bo02), (bo10, bo11, bo12))
    sin = (sin0, sin1)
    sout = (sout0, sout1)

    wid = lax.axis_index("s") * 2 + lax.axis_index("c")
    base_w = wid * PIX_PER_W

    def start_in(ci, k):
        base = base_w + ci * CHUNK
        for c in range(C):
            pltpu.async_copy(img_hbm.at[pl.ds(c * NPIX + base, CHUNK)],
                             bi[k][c], sin[k])

    def wait_in(k):
        for c in range(C):
            pltpu.make_async_copy(img_hbm.at[pl.ds(0, CHUNK)],
                                  bi[k][c], sin[k]).wait()

    def start_out(ci, k):
        base = base_w + ci * CHUNK
        for c in range(C):
            pltpu.async_copy(bo[k][c],
                             out_hbm.at[pl.ds(c * NPIX + base, CHUNK)], sout[k])

    def wait_out(k):
        for c in range(C):
            pltpu.make_async_copy(bo[k][c],
                                  out_hbm.at[pl.ds(0, CHUNK)], sout[k]).wait()

    def compute(k):
        bi0, bi1, bi2 = bi[k]
        bo0, bo1, bo2 = bo[k]

        @plsc.parallel_loop(0, VECS, unroll=4)
        def _vec(v):
            off = v * 16
            sl = pl.ds(off, 16)
            r = bi0[sl]
            g = bi1[sl]
            b = bi2[sl]
            x = jnp.clip(((r - 0.5) * 2.0 + 1.0) * 0.5 * 32.0, 0.0, 32.0)
            y = jnp.clip(((g - 0.5) * 2.0 + 1.0) * 0.5 * 32.0, 0.0, 32.0)
            z = jnp.clip(((b - 0.5) * 2.0 + 1.0) * 0.5 * 32.0, 0.0, 32.0)
            x0 = x.astype(jnp.int32)
            y0 = y.astype(jnp.int32)
            z0 = z.astype(jnp.int32)
            wx = x - x0.astype(jnp.float32)
            wy = y - y0.astype(jnp.float32)
            wz = z - z0.astype(jnp.float32)
            y1 = jnp.minimum(y0 + 1, 32)
            z1 = jnp.minimum(z0 + 1, 32)
            ry0 = y0 * 33
            ry1 = y1 * 33
            rz0 = z0 * 1089
            rz1 = z1 * 1089
            i00 = rz0 + ry0 + x0
            i01 = rz0 + ry1 + x0
            i10 = rz1 + ry0 + x0
            i11 = rz1 + ry1 + x0

            himask = jnp.full((16,), -65536, jnp.int32)

            for lut_c, bo_c in ((lut0, bo0), (lut1, bo1), (lut2, bo2)):
                w00 = plsc.load_gather(lut_c, [i00])
                w01 = plsc.load_gather(lut_c, [i01])
                w10 = plsc.load_gather(lut_c, [i10])
                w11 = plsc.load_gather(lut_c, [i11])

                def pair_lerp(wv):
                    flo = plsc.bitcast(wv << 16, jnp.float32)
                    fhi = plsc.bitcast(wv & himask, jnp.float32)
                    return flo + wx * (fhi - flo)

                c00 = pair_lerp(w00)
                c01 = pair_lerp(w01)
                c10 = pair_lerp(w10)
                c11 = pair_lerp(w11)
                c0 = c00 + wy * (c01 - c00)
                c1 = c10 + wy * (c11 - c10)
                bo_c[sl] = c0 + wz * (c1 - c0)

    pltpu.sync_copy(lut_hbm.at[pl.ds(0 * NLUT_PAD, NLUT_PAD)], lut0)
    pltpu.sync_copy(lut_hbm.at[pl.ds(1 * NLUT_PAD, NLUT_PAD)], lut1)
    pltpu.sync_copy(lut_hbm.at[pl.ds(2 * NLUT_PAD, NLUT_PAD)], lut2)

    start_in(0, 0)

    @pl.loop(0, NCHUNK, step=2)
    def _chunks(ci0):
        for k in range(2):
            ci = ci0 + k

            @pl.when(ci + 1 < NCHUNK)
            def _():
                start_in(ci + 1, 1 - k)

            wait_in(k)

            @pl.when(ci >= 2)
            def _():
                wait_out(k)

            compute(k)
            start_out(ci, k)

    wait_out(0)
    wait_out(1)


_sc_interp = pl.kernel(
    _interp_body,
    out_type=jax.ShapeDtypeStruct((C * NPIX,), jnp.float32),
    mesh=plsc.VectorSubcoreMesh(core_axis_name="c", subcore_axis_name="s"),
    compiler_params=pltpu.CompilerParams(needs_layout_passes=False),
    scratch_types=(
        [pltpu.VMEM((NLUT_PAD,), jnp.int32)] * 3
        + [pltpu.VMEM((CHUNK,), jnp.float32)] * 12
        + [pltpu.SemaphoreType.DMA] * 4
    ),
)


@jax.jit
def kernel(lut, img):
    lut3 = lut.reshape(C, NLUT)
    b = lut3.astype(jnp.bfloat16)
    bn = jnp.concatenate([b[:, 1:], b[:, -1:]], axis=1)
    lo = jax.lax.bitcast_convert_type(b, jnp.uint16).astype(jnp.uint32)
    hi = jax.lax.bitcast_convert_type(bn, jnp.uint16).astype(jnp.uint32)
    packed = jax.lax.bitcast_convert_type(lo | (hi << 16), jnp.int32)
    lut_flat = jnp.pad(packed, ((0, 0), (0, NLUT_PAD - NLUT))).reshape(-1)
    img_flat = img.reshape(-1)
    res = _sc_interp(lut_flat, img_flat)
    return (lut[None], res.reshape(1, C, H, W))

# --- scband reference (transcript-rebuilt; emitter-appended) ---
"""Pipeline reference for scband-trilinear-interpolation-20598663152390 (READ-ONLY COPY).

The authoritative reference and input builder live on the scoring server;
editing this copy changes nothing except your own understanding.
"""

import jax, jax.numpy as jnp
import numpy as np


def setup_inputs(seed: int = 0) -> dict:
    key = jax.random.key(seed)
    k1, k2 = jax.random.split(key)
    lut = jax.random.normal(k1, (3, 33, 33, 33), dtype=jnp.float32)
    img = jax.random.uniform(k2, (1, 3, 1080, 1920), dtype=jnp.float32)
    return {"lut": lut, "img": img}


def _trilinear_sample(vol, gx, gy, gz):
    # vol: [C, D, H, W]; gx, gy, gz: [Hout, Wout] normalized coords in [-1, 1]
    # Matches torch grid_sample(mode='bilinear', padding_mode='border', align_corners=True)
    C, D, H, W = vol.shape
    x = (gx + 1.0) * 0.5 * (W - 1)
    y = (gy + 1.0) * 0.5 * (H - 1)
    z = (gz + 1.0) * 0.5 * (D - 1)
    # border padding: clamp sample coords into the volume
    x = jnp.clip(x, 0.0, W - 1)
    y = jnp.clip(y, 0.0, H - 1)
    z = jnp.clip(z, 0.0, D - 1)
    x0 = jnp.floor(x)
    y0 = jnp.floor(y)
    z0 = jnp.floor(z)
    wx = x - x0
    wy = y - y0
    wz = z - z0
    x0i = jnp.clip(x0.astype(jnp.int32), 0, W - 1)
    y0i = jnp.clip(y0.astype(jnp.int32), 0, H - 1)
    z0i = jnp.clip(z0.astype(jnp.int32), 0, D - 1)
    x1i = jnp.clip(x0i + 1, 0, W - 1)
    y1i = jnp.clip(y0i + 1, 0, H - 1)
    z1i = jnp.clip(z0i + 1, 0, D - 1)

    def g(zi, yi, xi):
        # gather: [C, Hout, Wout]
        return vol[:, zi, yi, xi]

    c000 = g(z0i, y0i, x0i)
    c001 = g(z0i, y0i, x1i)
    c010 = g(z0i, y1i, x0i)
    c011 = g(z0i, y1i, x1i)
    c100 = g(z1i, y0i, x0i)
    c101 = g(z1i, y0i, x1i)
    c110 = g(z1i, y1i, x0i)
    c111 = g(z1i, y1i, x1i)

    out = (c000 * (1 - wz) * (1 - wy) * (1 - wx)
           + c001 * (1 - wz) * (1 - wy) * wx
           + c010 * (1 - wz) * wy * (1 - wx)
           + c011 * (1 - wz) * wy * wx
           + c100 * wz * (1 - wy) * (1 - wx)
           + c101 * wz * (1 - wy) * wx
           + c110 * wz * wy * (1 - wx)
           + c111 * wz * wy * wx)
    return out  # [C, Hout, Wout]


def reference(lut, img):
    # img: [1, 3, H, W] in [0,1] -> normalized grid in [-1,1]
    img_n = (img - 0.5) * 2.0
    grid = jnp.transpose(img_n, (0, 2, 3, 1))  # [1, H, W, 3]
    # torch adds a depth dim: grid[:, None] -> [1, 1, H, W, 3]; lut[None] -> [1, C, D, H, W]
    gx = grid[0, ..., 0]  # indexes W dim of lut
    gy = grid[0, ..., 1]  # indexes H dim of lut
    gz = grid[0, ..., 2]  # indexes D dim of lut
    res = _trilinear_sample(lut, gx, gy, gz)  # [C, H, W]
    result = res[None]  # [1, C, H, W] (torch squeezes the size-1 depth dim)
    return (lut[None], result)

if __name__ == "__main__":
    import jax
    _d = setup_inputs()
    print(jax.jit(kernel)(*tuple(_d.values())))

</pallas_src>

<mosaic_0001>
#map = affine_map<(d0, d1) -> (0)>
module attributes {stable_mosaic.version = 14 : i64} {
  func.func @_interp_body(%arg0: i32, %arg1: i32, %arg2: memref<107832xi32, #tpu.memory_space<hbm>>, %arg3: memref<6220800xf32, #tpu.memory_space<hbm>>, %arg4: memref<6220800xf32, #tpu.memory_space<hbm>>, %arg5: memref<35944xi32, #tpu.memory_space<vmem>>, %arg6: memref<35944xi32, #tpu.memory_space<vmem>>, %arg7: memref<35944xi32, #tpu.memory_space<vmem>>, %arg8: memref<1296xf32, #tpu.memory_space<vmem>>, %arg9: memref<1296xf32, #tpu.memory_space<vmem>>, %arg10: memref<1296xf32, #tpu.memory_space<vmem>>, %arg11: memref<1296xf32, #tpu.memory_space<vmem>>, %arg12: memref<1296xf32, #tpu.memory_space<vmem>>, %arg13: memref<1296xf32, #tpu.memory_space<vmem>>, %arg14: memref<1296xf32, #tpu.memory_space<vmem>>, %arg15: memref<1296xf32, #tpu.memory_space<vmem>>, %arg16: memref<1296xf32, #tpu.memory_space<vmem>>, %arg17: memref<1296xf32, #tpu.memory_space<vmem>>, %arg18: memref<1296xf32, #tpu.memory_space<vmem>>, %arg19: memref<1296xf32, #tpu.memory_space<vmem>>, %arg20: memref<!tpu.dma_semaphore, #tpu.memory_space<semaphore_mem>>, %arg21: memref<!tpu.dma_semaphore, #tpu.memory_space<semaphore_mem>>, %arg22: memref<!tpu.dma_semaphore, #tpu.memory_space<semaphore_mem>>, %arg23: memref<!tpu.dma_semaphore, #tpu.memory_space<semaphore_mem>>) attributes {dimension_semantics = [#tpu.dimension_semantics<core_parallel>, #tpu.dimension_semantics<subcore_parallel>], iteration_bounds = array<i64: 2, 16>, scalar_prefetch = 0 : i64, scratch_operands = 19 : i64, tpu.core_type = #tpu.core_type<sc_vector_subcore>, window_params = [{transform_indices = #map}, {transform_indices = #map}, {transform_indices = #map}]} {
    %mul3A = arith.constant 2 : i32
    %mul3A_0 = arith.muli %arg1, %mul3A : i32
    %add3A = arith.addi %mul3A_0, %arg0 : i32
    %mul3A_1 = arith.constant 64800 : i32
    %mul3A_2 = arith.muli %add3A, %mul3A_1 : i32
    "tpu.region"() ({
      %run_scoped3A = tpu.sem_alloc : memref<!tpu.dma_semaphore, #tpu.memory_space<semaphore_mem>>
      %dma_start3A_43 = arith.constant 0 : i32
      %dma_start3A_44 = tpu.memref_slice %arg2[%dma_start3A_43] : memref<107832xi32, #tpu.memory_space<hbm>> -> memref<35944xi32, #tpu.memory_space<hbm>>
      %dma_start3A_45 = arith.constant 0 : i32
      %dma_start3A_46 = tpu.memref_slice %arg2[%dma_start3A_45] : memref<107832xi32, #tpu.memory_space<hbm>> -> memref<35944xi32, #tpu.memory_space<hbm>>
      tpu.enqueue_dma source(%dma_start3A_46 : memref<35944xi32, #tpu.memory_space<hbm>>) target(%arg5 : memref<35944xi32, #tpu.memory_space<vmem>>) target_semaphore(%run_scoped3A : memref<!tpu.dma_semaphore, #tpu.memory_space<semaphore_mem>>)
      %dma_wait3A_47 = arith.constant 0 : i32
      %dma_wait3A_48 = tpu.memref_slice %arg2[%dma_wait3A_47] : memref<107832xi32, #tpu.memory_space<hbm>> -> memref<35944xi32, #tpu.memory_space<hbm>>
      %dma_wait3A_49 = arith.constant 0 : i32
      %dma_wait3A_50 = tpu.memref_slice %arg2[%dma_wait3A_49] : memref<107832xi32, #tpu.memory_space<hbm>> -> memref<35944xi32, #tpu.memory_space<hbm>>
      tpu.wait_dma2 semaphore(%run_scoped3A : memref<!tpu.dma_semaphore, #tpu.memory_space<semaphore_mem>>) src(%dma_wait3A_50 : memref<35944xi32, #tpu.memory_space<hbm>>) dst(%arg5 : memref<35944xi32, #tpu.memory_space<vmem>>)
      tpu.yield
    }) : () -> ()
    "tpu.region"() ({
      %run_scoped3A = tpu.sem_alloc : memref<!tpu.dma_semaphore, #tpu.memory_space<semaphore_mem>>
      %dma_start3A_43 = arith.constant 35944 : i32
      %dma_start3A_44 = tpu.memref_slice %arg2[%dma_start3A_43] : memref<107832xi32, #tpu.memory_space<hbm>> -> memref<35944xi32, #tpu.memory_space<hbm>>
      %dma_start3A_45 = arith.constant 35944 : i32
      %dma_start3A_46 = tpu.memref_slice %arg2[%dma_start3A_45] : memref<107832xi32, #tpu.memory_space<hbm>> -> memref<35944xi32, #tpu.memory_space<hbm>>
      tpu.enqueue_dma source(%dma_start3A_46 : memref<35944xi32, #tpu.memory_space<hbm>>) target(%arg6 : memref<35944xi32, #tpu.memory_space<vmem>>) target_semaphore(%run_scoped3A : memref<!tpu.dma_semaphore, #tpu.memory_space<semaphore_mem>>)
      %dma_wait3A_47 = arith.constant 35944 : i32
      %dma_wait3A_48 = tpu.memref_slice %arg2[%dma_wait3A_47] : memref<107832xi32, #tpu.memory_space<hbm>> -> memref<35944xi32, #tpu.memory_space<hbm>>
      %dma_wait3A_49 = arith.constant 35944 : i32
      %dma_wait3A_50 = tpu.memref_slice %arg2[%dma_wait3A_49] : memref<107832xi32, #tpu.memory_space<hbm>> -> memref<35944xi32, #tpu.memory_space<hbm>>
      tpu.wait_dma2 semaphore(%run_scoped3A : memref<!tpu.dma_semaphore, #tpu.memory_space<semaphore_mem>>) src(%dma_wait3A_50 : memref<35944xi32, #tpu.memory_space<hbm>>) dst(%arg6 : memref<35944xi32, #tpu.memory_space<vmem>>)
      tpu.yield
    }) : () -> ()
    "tpu.region"() ({
      %run_scoped3A = tpu.sem_alloc : memref<!tpu.dma_semaphore, #tpu.memory_space<semaphore_mem>>
      %dma_start3A_43 = arith.constant 71888 : i32
      %dma_start3A_44 = tpu.memref_slice %arg2[%dma_start3A_43] : memref<107832xi32, #tpu.memory_space<hbm>> -> memref<35944xi32, #tpu.memory_space<hbm>>
      %dma_start3A_45 = arith.constant 71888 : i32
      %dma_start3A_46 = tpu.memref_slice %arg2[%dma_start3A_45] : memref<107832xi32, #tpu.memory_space<hbm>> -> memref<35944xi32, #tpu.memory_space<hbm>>
      tpu.enqueue_dma source(%dma_start3A_46 : memref<35944xi32, #tpu.memory_space<hbm>>) target(%arg7 : memref<35944xi32, #tpu.memory_space<vmem>>) target_semaphore(%run_scoped3A : memref<!tpu.dma_semaphore, #tpu.memory_space<semaphore_mem>>)
      %dma_wait3A_47 = arith.constant 71888 : i32
      %dma_wait3A_48 = tpu.memref_slice %arg2[%dma_wait3A_47] : memref<107832xi32, #tpu.memory_space<hbm>> -> memref<35944xi32, #tpu.memory_space<hbm>>
      %dma_wait3A_49 = arith.constant 71888 : i32
      %dma_wait3A_50 = tpu.memref_slice %arg2[%dma_wait3A_49] : memref<107832xi32, #tpu.memory_space<hbm>> -> memref<35944xi32, #tpu.memory_space<hbm>>
      tpu.wait_dma2 semaphore(%run_scoped3A : memref<!tpu.dma_semaphore, #tpu.memory_space<semaphore_mem>>) src(%dma_wait3A_50 : memref<35944xi32, #tpu.memory_space<hbm>>) dst(%arg7 : memref<35944xi32, #tpu.memory_space<vmem>>)
      tpu.yield
    }) : () -> ()
    %add3A_3 = arith.constant 0 : i32
    %add3A_4 = arith.addi %mul3A_2, %add3A_3 : i32
    %add3A_5 = arith.constant 0 : i32
    %add3A_6 = arith.addi %add3A_5, %add3A_4 : i32
    %dma_start3A = tpu.memref_slice %arg3[%add3A_6] : memref<6220800xf32, #tpu.memory_space<hbm>> -> memref<1296xf32, #tpu.memory_space<hbm>>
    %dma_start3A_7 = tpu.memref_slice %arg3[%add3A_6] : memref<6220800xf32, #tpu.memory_space<hbm>> -> memref<1296xf32, #tpu.memory_space<hbm>>
    tpu.enqueue_dma source(%dma_start3A_7 : memref<1296xf32, #tpu.memory_space<hbm>>) target(%arg8 : memref<1296xf32, #tpu.memory_space<vmem>>) target_semaphore(%arg20 : memref<!tpu.dma_semaphore, #tpu.memory_space<semaphore_mem>>)
    %add3A_8 = arith.constant 2073600 : i32
    %add3A_9 = arith.addi %add3A_8, %add3A_4 : i32
    %dma_start3A_10 = tpu.memref_slice %arg3[%add3A_9] : memref<6220800xf32, #tpu.memory_space<hbm>> -> memref<1296xf32, #tpu.memory_space<hbm>>
    %dma_start3A_11 = tpu.memref_slice %arg3[%add3A_9] : memref<6220800xf32, #tpu.memory_space<hbm>> -> memref<1296xf32, #tpu.memory_space<hbm>>
    tpu.enqueue_dma source(%dma_start3A_11 : memref<1296xf32, #tpu.memory_space<hbm>>) target(%arg9 : memref<1296xf32, #tpu.memory_space<vmem>>) target_semaphore(%arg20 : memref<!tpu.dma_semaphore, #tpu.memory_space<semaphore_mem>>)
    %add3A_12 = arith.constant 4147200 : i32
    %add3A_13 = arith.addi %add3A_12, %add3A_4 : i32
    %dma_start3A_14 = tpu.memref_slice %arg3[%add3A_13] : memref<6220800xf32, #tpu.memory_space<hbm>> -> memref<1296xf32, #tpu.memory_space<hbm>>
    %dma_start3A_15 = tpu.memref_slice %arg3[%add3A_13] : memref<6220800xf32, #tpu.memory_space<hbm>> -> memref<1296xf32, #tpu.memory_space<hbm>>
    tpu.enqueue_dma source(%dma_start3A_15 : memref<1296xf32, #tpu.memory_space<hbm>>) target(%arg10 : memref<1296xf32, #tpu.memory_space<vmem>>) target_semaphore(%arg20 : memref<!tpu.dma_semaphore, #tpu.memory_space<semaphore_mem>>)
    %scan3A = arith.constant 0 : i32
    %scan3A_16 = arith.constant 25 : i32
    %scan3A_17 = arith.addi %scan3A, %scan3A_16 : i32
    %scan3A_18 = arith.constant 1 : i32
    scf.for %scan3A_43 = %scan3A to %scan3A_17 step %scan3A_18  : i32 {
      %mul3A_44 = arith.constant 2 : i32
      %mul3A_45 = arith.muli %scan3A_43, %mul3A_44 : i32
      %add3A_46 = arith.constant 0 : i32
      %add3A_47 = arith.addi %add3A_46, %mul3A_45 : i32
      %add3A_48 = arith.constant 0 : i32
      %add3A_49 = arith.addi %add3A_47, %add3A_48 : i32
      %add3A_50 = arith.constant 1 : i32
      %add3A_51 = arith.addi %add3A_49, %add3A_50 : i32
      %lt3A = arith.constant 50 : i32
      %lt3A_52 = arith.cmpi slt, %add3A_51, %lt3A : i32
      %convert_element_type3A = arith.extui %lt3A_52 : i1 to i32
      %cond3A = arith.constant 0 : i32
      %cond3A_53 = arith.cmpi ne, %convert_element_type3A, %cond3A : i32
      scf.if %cond3A_53 {
        %add3A_131 = arith.constant 1 : i32
        %add3A_132 = arith.addi %add3A_49, %add3A_131 : i32
        %mul3A_133 = arith.constant 1296 : i32
        %mul3A_134 = arith.muli %add3A_132, %mul3A_133 : i32
        %add3A_135 = arith.addi %mul3A_2, %mul3A_134 : i32
        %add3A_136 = arith.constant 0 : i32
        %add3A_137 = arith.addi %add3A_136, %add3A_135 : i32
        %dma_start3A_138 = tpu.memref_slice %arg3[%add3A_137] : memref<6220800xf32, #tpu.memory_space<hbm>> -> memref<1296xf32, #tpu.memory_space<hbm>>
        %dma_start3A_139 = tpu.memref_slice %arg3[%add3A_137] : memref<6220800xf32, #tpu.memory_space<hbm>> -> memref<1296xf32, #tpu.memory_space<hbm>>
        tpu.enqueue_dma source(%dma_start3A_139 : memref<1296xf32, #tpu.memory_space<hbm>>) target(%arg11 : memref<1296xf32, #tpu.memory_space<vmem>>) target_semaphore(%arg21 : memref<!tpu.dma_semaphore, #tpu.memory_space<semaphore_mem>>)
        %add3A_140 = arith.constant 2073600 : i32
        %add3A_141 = arith.addi %add3A_140, %add3A_135 : i32
        %dma_start3A_142 = tpu.memref_slice %arg3[%add3A_141] : memref<6220800xf32, #tpu.memory_space<hbm>> -> memref<1296xf32, #tpu.memory_space<hbm>>
        %dma_start3A_143 = tpu.memref_slice %arg3[%add3A_141] : memref<6220800xf32, #tpu.memory_space<hbm>> -> memref<1296xf32, #tpu.memory_space<hbm>>
        tpu.enqueue_dma source(%dma_start3A_143 : memref<1296xf32, #tpu.memory_space<hbm>>) target(%arg12 : memref<1296xf32, #tpu.memory_space<vmem>>) target_semaphore(%arg21 : memref<!tpu.dma_semaphore, #tpu.memory_space<semaphore_mem>>)
        %add3A_144 = arith.constant 4147200 : i32
        %add3A_145 = arith.addi %add3A_144, %add3A_135 : i32
        %dma_start3A_146 = tpu.memref_slice %arg3[%add3A_145] : memref<6220800xf32, #tpu.memory_space<hbm>> -> memref<1296xf32, #tpu.memory_space<hbm>>
        %dma_start3A_147 = tpu.memref_slice %arg3[%add3A_145] : memref<6220800xf32, #tpu.memory_space<hbm>> -> memref<1296xf32, #tpu.memory_space<hbm>>
        tpu.enqueue_dma source(%dma_start3A_147 : memref<1296xf32, #tpu.memory_space<hbm>>) target(%arg13 : memref<1296xf32, #tpu.memory_space<vmem>>) target_semaphore(%arg21 : memref<!tpu.dma_semaphore, #tpu.memory_space<semaphore_mem>>)
      } else {
      }
      %dma_wait3A_54 = arith.constant 0 : i32
      %dma_wait3A_55 = tpu.memref_slice %arg3[%dma_wait3A_54] : memref<6220800xf32, #tpu.memory_space<hbm>> -> memref<1296xf32, #tpu.memory_space<hbm>>
      %dma_wait3A_56 = arith.constant 0 : i32
      %dma_wait3A_57 = tpu.memref_slice %arg3[%dma_wait3A_56] : memref<6220800xf32, #tpu.memory_space<hbm>> -> memref<1296xf32, #tpu.memory_space<hbm>>
      tpu.wait_dma2 semaphore(%arg20 : memref<!tpu.dma_semaphore, #tpu.memory_space<semaphore_mem>>) src(%dma_wait3A_57 : memref<1296xf32, #tpu.memory_space<hbm>>) dst(%arg8 : memref<1296xf32, #tpu.memory_space<vmem>>)
      %dma_wait3A_58 = arith.constant 0 : i32
      %dma_wait3A_59 = tpu.memref_slice %arg3[%dma_wait3A_58] : memref<6220800xf32, #tpu.memory_space<hbm>> -> memref<1296xf32, #tpu.memory_space<hbm>>
      %dma_wait3A_60 = arith.constant 0 : i32
      %dma_wait3A_61 = tpu.memref_slice %arg3[%dma_wait3A_60] : memref<6220800xf32, #tpu.memory_space<hbm>> -> memref<1296xf32, #tpu.memory_space<hbm>>
      tpu.wait_dma2 semaphore(%arg20 : memref<!tpu.dma_semaphore, #tpu.memory_space<semaphore_mem>>) src(%dma_wait3A_61 : memref<1296xf32, #tpu.memory_space<hbm>>) dst(%arg9 : memref<1296xf32, #tpu.memory_space<vmem>>)
      %dma_wait3A_62 = arith.constant 0 : i32
      %dma_wait3A_63 = tpu.memref_slice %arg3[%dma_wait3A_62] : memref<6220800xf32, #tpu.memory_space<hbm>> -> memref<1296xf32, #tpu.memory_space<hbm>>
      %dma_wait3A_64 = arith.constant 0 : i32
      %dma_wait3A_65 = tpu.memref_slice %arg3[%dma_wait3A_64] : memref<6220800xf32, #tpu.memory_space<hbm>> -> memref<1296xf32, #tpu.memory_space<hbm>>
      tpu.wait_dma2 semaphore(%arg20 : memref<!tpu.dma_semaphore, #tpu.memory_space<semaphore_mem>>) src(%dma_wait3A_65 : memref<1296xf32, #tpu.memory_space<hbm>>) dst(%arg10 : memref<1296xf32, #tpu.memory_space<vmem>>)
      %ge3A = arith.constant 2 : i32
      %ge3A_66 = arith.cmpi sge, %add3A_49, %ge3A : i32
      %convert_element_type3A_67 = arith.extui %ge3A_66 : i1 to i32
      %cond3A_68 = arith.constant 0 : i32
      %cond3A_69 = arith.cmpi ne, %convert_element_type3A_67, %cond3A_68 : i32
      scf.if %cond3A_69 {
        %dma_wait3A_131 = arith.constant 0 : i32
        %dma_wait3A_132 = tpu.memref_slice %arg4[%dma_wait3A_131] : memref<6220800xf32, #tpu.memory_space<hbm>> -> memref<1296xf32, #tpu.memory_space<hbm>>
        %dma_wait3A_133 = arith.constant 0 : i32
        %dma_wait3A_134 = tpu.memref_slice %arg4[%dma_wait3A_133] : memref<6220800xf32, #tpu.memory_space<hbm>> -> memref<1296xf32, #tpu.memory_space<hbm>>
        tpu.wait_dma2 semaphore(%arg22 : memref<!tpu.dma_semaphore, #tpu.memory_space<semaphore_mem>>) src(%arg14 : memref<1296xf32, #tpu.memory_space<vmem>>) dst(%dma_wait3A_134 : memref<1296xf32, #tpu.memory_space<hbm>>)
        %dma_wait3A_135 = arith.constant 0 : i32
        %dma_wait3A_136 = tpu.memref_slice %arg4[%dma_wait3A_135] : memref<6220800xf32, #tpu.memory_space<hbm>> -> memref<1296xf32, #tpu.memory_space<hbm>>
        %dma_wait3A_137 = arith.constant 0 : i32
        %dma_wait3A_138 = tpu.memref_slice %arg4[%dma_wait3A_137] : memref<6220800xf32, #tpu.memory_space<hbm>> -> memref<1296xf32, #tpu.memory_space<hbm>>
        tpu.wait_dma2 semaphore(%arg22 : memref<!tpu.dma_semaphore, #tpu.memory_space<semaphore_mem>>) src(%arg15 : memref<1296xf32, #tpu.memory_space<vmem>>) dst(%dma_wait3A_138 : memref<1296xf32, #tpu.memory_space<hbm>>)
        %dma_wait3A_139 = arith.constant 0 : i32
        %dma_wait3A_140 = tpu.memref_slice %arg4[%dma_wait3A_139] : memref<6220800xf32, #tpu.memory_space<hbm>> -> memref<1296xf32, #tpu.memory_space<hbm>>
        %dma_wait3A_141 = arith.constant 0 : i32
        %dma_wait3A_142 = tpu.memref_slice %arg4[%dma_wait3A_141] : memref<6220800xf32, #tpu.memory_space<hbm>> -> memref<1296xf32, #tpu.memory_space<hbm>>
        tpu.wait_dma2 semaphore(%arg22 : memref<!tpu.dma_semaphore, #tpu.memory_space<semaphore_mem>>) src(%arg16 : memref<1296xf32, #tpu.memory_space<vmem>>) dst(%dma_wait3A_142 : memref<1296xf32, #tpu.memory_space<hbm>>)
      } else {
      }
      %parallel_loop3A = arith.constant 0 : i32
      %parallel_loop3A_70 = arith.constant 81 : i32
      %parallel_loop3A_71 = arith.constant 1 : i32
      scf.for %parallel_loop3A_131 = %parallel_loop3A to %parallel_loop3A_70 step %parallel_loop3A_71  : i32 {
        %parallel_loop3A_132 = arith.constant 16 : i32
        %parallel_loop3A_133 = arith.muli %parallel_loop3A_131, %parallel_loop3A_132 : i32
        %parallel_loop3A_134 = arith.index_cast %parallel_loop3A_133 : i32 to index
        %parallel_loop3A_135 = tpu.vector_load %arg8[%parallel_loop3A_134] {strides = array<i32>} : memref<1296xf32, #tpu.memory_space<vmem>>, vector<16xf32>,
        %parallel_loop3A_136 = arith.index_cast %parallel_loop3A_133 : i32 to index
        %parallel_loop3A_137 = tpu.vector_load %arg9[%parallel_loop3A_136] {strides = array<i32>} : memref<1296xf32, #tpu.memory_space<vmem>>, vector<16xf32>,
        %parallel_loop3A_138 = arith.index_cast %parallel_loop3A_133 : i32 to index
        %parallel_loop3A_139 = tpu.vector_load %arg10[%parallel_loop3A_138] {strides = array<i32>} : memref<1296xf32, #tpu.memory_space<vmem>>, vector<16xf32>,
        %parallel_loop3A_140 = arith.constant 5.000000e-01 : f32
        %parallel_loop3A_141 = vector.broadcast %parallel_loop3A_140 : f32 to vector<16xf32>
        %parallel_loop3A_142 = arith.subf %parallel_loop3A_135, %parallel_loop3A_141 : vector<16xf32>
        %parallel_loop3A_143 = arith.constant 2.000000e+00 : f32
        %parallel_loop3A_144 = vector.broadcast %parallel_loop3A_143 : f32 to vector<16xf32>
        %parallel_loop3A_145 = arith.mulf %parallel_loop3A_142, %parallel_loop3A_144 : vector<16xf32>
        %parallel_loop3A_146 = arith.constant 1.000000e+00 : f32
        %parallel_loop3A_147 = vector.broadcast %parallel_loop3A_146 : f32 to vector<16xf32>
        %parallel_loop3A_148 = arith.addf %parallel_loop3A_145, %parallel_loop3A_147 : vector<16xf32>
        %parallel_loop3A_149 = arith.constant 5.000000e-01 : f32
        %parallel_loop3A_150 = vector.broadcast %parallel_loop3A_149 : f32 to vector<16xf32>
        %parallel_loop3A_151 = arith.mulf %parallel_loop3A_148, %parallel_loop3A_150 : vector<16xf32>
        %parallel_loop3A_152 = arith.constant 3.200000e+01 : f32
        %parallel_loop3A_153 = vector.broadcast %parallel_loop3A_152 : f32 to vector<16xf32>
        %parallel_loop3A_154 = arith.mulf %parallel_loop3A_151, %parallel_loop3A_153 : vector<16xf32>
        %parallel_loop3A_155 = arith.constant 0.000000e+00 : f32
        %parallel_loop3A_156 = arith.constant 3.200000e+01 : f32
        %parallel_loop3A_157 = vector.broadcast %parallel_loop3A_155 : f32 to vector<16xf32>
        %parallel_loop3A_158 = arith.maximumf %parallel_loop3A_157, %parallel_loop3A_154 : vector<16xf32>
        %parallel_loop3A_159 = vector.broadcast %parallel_loop3A_156 : f32 to vector<16xf32>
        %parallel_loop3A_160 = arith.minimumf %parallel_loop3A_159, %parallel_loop3A_158 : vector<16xf32>
        %parallel_loop3A_161 = arith.constant 5.000000e-01 : f32
        %parallel_loop3A_162 = vector.broadcast %parallel_loop3A_161 : f32 to vector<16xf32>
        %parallel_loop3A_163 = arith.subf %parallel_loop3A_137, %parallel_loop3A_162 : vector<16xf32>
        %parallel_loop3A_164 = arith.constant 2.000000e+00 : f32
        %parallel_loop3A_165 = vector.broadcast %parallel_loop3A_164 : f32 to vector<16xf32>
        %parallel_loop3A_166 = arith.mulf %parallel_loop3A_163, %parallel_loop3A_165 : vector<16xf32>
        %parallel_loop3A_167 = arith.constant 1.000000e+00 : f32
        %parallel_loop3A_168 = vector.broadcast %parallel_loop3A_167 : f32 to vector<16xf32>
        %parallel_loop3A_169 = arith.addf %parallel_loop3A_166, %parallel_loop3A_168 : vector<16xf32>
        %parallel_loop3A_170 = arith.constant 5.000000e-01 : f32
        %parallel_loop3A_171 = vector.broadcast %parallel_loop3A_170 : f32 to vector<16xf32>
        %parallel_loop3A_172 = arith.mulf %parallel_loop3A_169, %parallel_loop3A_171 : vector<16xf32>
        %parallel_loop3A_173 = arith.constant 3.200000e+01 : f32
        %parallel_loop3A_174 = vector.broadcast %parallel_loop3A_173 : f32 to vector<16xf32>
        %parallel_loop3A_175 = arith.mulf %parallel_loop3A_172, %parallel_loop3A_174 : vector<16xf32>
        %parallel_loop3A_176 = arith.constant 0.000000e+00 : f32
        %parallel_loop3A_177 = arith.constant 3.200000e+01 : f32
        %parallel_loop3A_178 = vector.broadcast %parallel_loop3A_176 : f32 to vector<16xf32>
        %parallel_loop3A_179 = arith.maximumf %parallel_loop3A_178, %parallel_loop3A_175 : vector<16xf32>
        %parallel_loop3A_180 = vector.broadcast %parallel_loop3A_177 : f32 to vector<16xf32>
        %parallel_loop3A_181 = arith.minimumf %parallel_loop3A_180, %parallel_loop3A_179 : vector<16xf32>
        %parallel_loop3A_182 = arith.constant 5.000000e-01 : f32
        %parallel_loop3A_183 = vector.broadcast %parallel_loop3A_182 : f32 to vector<16xf32>
        %parallel_loop3A_184 = arith.subf %parallel_loop3A_139, %parallel_loop3A_183 : vector<16xf32>
        %parallel_loop3A_185 = arith.constant 2.000000e+00 : f32
        %parallel_loop3A_186 = vector.broadcast %parallel_loop3A_185 : f32 to vector<16xf32>
        %parallel_loop3A_187 = arith.mulf %parallel_loop3A_184, %parallel_loop3A_186 : vector<16xf32>
        %parallel_loop3A_188 = arith.constant 1.000000e+00 : f32
        %parallel_loop3A_189 = vector.broadcast %parallel_loop3A_188 : f32 to vector<16xf32>
        %parallel_loop3A_190 = arith.addf %parallel_loop3A_187, %parallel_loop3A_189 : vector<16xf32>
        %parallel_loop3A_191 = arith.constant 5.000000e-01 : f32
        %parallel_loop3A_192 = vector.broadcast %parallel_loop3A_191 : f32 to vector<16xf32>
        %parallel_loop3A_193 = arith.mulf %parallel_loop3A_190, %parallel_loop3A_192 : vector<16xf32>
        %parallel_loop3A_194 = arith.constant 3.200000e+01 : f32
        %parallel_loop3A_195 = vector.broadcast %parallel_loop3A_194 : f32 to vector<16xf32>
        %parallel_loop3A_196 = arith.mulf %parallel_loop3A_193, %parallel_loop3A_195 : vector<16xf32>
        %parallel_loop3A_197 = arith.constant 0.000000e+00 : f32
        %parallel_loop3A_198 = arith.constant 3.200000e+01 : f32
        %parallel_loop3A_199 = vector.broadcast %parallel_loop3A_197 : f32 to vector<16xf32>
        %parallel_loop3A_200 = arith.maximumf %parallel_loop3A_199, %parallel_loop3A_196 : vector<16xf32>
        %parallel_loop3A_201 = vector.broadcast %parallel_loop3A_198 : f32 to vector<16xf32>
        %parallel_loop3A_202 = arith.minimumf %parallel_loop3A_201, %parallel_loop3A_200 : vector<16xf32>
        %parallel_loop3A_203 = arith.fptosi %parallel_loop3A_160 : vector<16xf32> to vector<16xi32>
        %parallel_loop3A_204 = arith.fptosi %parallel_loop3A_181 : vector<16xf32> to vector<16xi32>
        %parallel_loop3A_205 = arith.fptosi %parallel_loop3A_202 : vector<16xf32> to vector<16xi32>
        %parallel_loop3A_206 = arith.sitofp %parallel_loop3A_203 : vector<16xi32> to vector<16xf32>
        %parallel_loop3A_207 = arith.subf %parallel_loop3A_160, %parallel_loop3A_206 : vector<16xf32>
        %parallel_loop3A_208 = arith.sitofp %parallel_loop3A_204 : vector<16xi32> to vector<16xf32>
        %parallel_loop3A_209 = arith.subf %parallel_loop3A_181, %parallel_loop3A_208 : vector<16xf32>
        %parallel_loop3A_210 = arith.sitofp %parallel_loop3A_205 : vector<16xi32> to vector<16xf32>
        %parallel_loop3A_211 = arith.subf %parallel_loop3A_202, %parallel_loop3A_210 : vector<16xf32>
        %parallel_loop3A_212 = arith.constant 1 : i32
        %parallel_loop3A_213 = vector.broadcast %parallel_loop3A_212 : i32 to vector<16xi32>
        %parallel_loop3A_214 = arith.addi %parallel_loop3A_204, %parallel_loop3A_213 : vector<16xi32>
        %parallel_loop3A_215 = arith.constant 32 : i32
        %parallel_loop3A_216 = vector.broadcast %parallel_loop3A_215 : i32 to vector<16xi32>
        %parallel_loop3A_217 = arith.minsi %parallel_loop3A_214, %parallel_loop3A_216 : vector<16xi32>
        %parallel_loop3A_218 = arith.constant 1 : i32
        %parallel_loop3A_219 = vector.broadcast %parallel_loop3A_218 : i32 to vector<16xi32>
        %parallel_loop3A_220 = arith.addi %parallel_loop3A_205, %parallel_loop3A_219 : vector<16xi32>
        %parallel_loop3A_221 = arith.constant 32 : i32
        %parallel_loop3A_222 = vector.broadcast %parallel_loop3A_221 : i32 to vector<16xi32>
        %parallel_loop3A_223 = arith.minsi %parallel_loop3A_220, %parallel_loop3A_222 : vector<16xi32>
        %parallel_loop3A_224 = arith.constant 33 : i32
        %parallel_loop3A_225 = vector.broadcast %parallel_loop3A_224 : i32 to vector<16xi32>
        %parallel_loop3A_226 = arith.muli %parallel_loop3A_204, %parallel_loop3A_225 : vector<16xi32>
        %parallel_loop3A_227 = arith.constant 33 : i32
        %parallel_loop3A_228 = vector.broadcast %parallel_loop3A_227 : i32 to vector<16xi32>
        %parallel_loop3A_229 = arith.muli %parallel_loop3A_217, %parallel_loop3A_228 : vector<16xi32>
        %parallel_loop3A_230 = arith.constant 1089 : i32
        %parallel_loop3A_231 = vector.broadcast %parallel_loop3A_230 : i32 to vector<16xi32>
        %parallel_loop3A_232 = arith.muli %parallel_loop3A_205, %parallel_loop3A_231 : vector<16xi32>
        %parallel_loop3A_233 = arith.constant 1089 : i32
        %parallel_loop3A_234 = vector.broadcast %parallel_loop3A_233 : i32 to vector<16xi32>
        %parallel_loop3A_235 = arith.muli %parallel_loop3A_223, %parallel_loop3A_234 : vector<16xi32>
        %parallel_loop3A_236 = arith.addi %parallel_loop3A_232, %parallel_loop3A_226 : vector<16xi32>
        %parallel_loop3A_237 = arith.addi %parallel_loop3A_236, %parallel_loop3A_203 : vector<16xi32>
        %parallel_loop3A_238 = arith.addi %parallel_loop3A_232, %parallel_loop3A_229 : vector<16xi32>
        %parallel_loop3A_239 = arith.addi %parallel_loop3A_238, %parallel_loop3A_203 : vector<16xi32>
        %parallel_loop3A_240 = arith.addi %parallel_loop3A_235, %parallel_loop3A_226 : vector<16xi32>
        %parallel_loop3A_241 = arith.addi %parallel_loop3A_240, %parallel_loop3A_203 : vector<16xi32>
        %parallel_loop3A_242 = arith.addi %parallel_loop3A_235, %parallel_loop3A_229 : vector<16xi32>
        %parallel_loop3A_243 = arith.addi %parallel_loop3A_242, %parallel_loop3A_203 : vector<16xi32>
        %parallel_loop3A_244 = arith.constant -65536 : i32
        %parallel_loop3A_245 = vector.broadcast %parallel_loop3A_244 : i32 to vector<16xi32>
        %parallel_loop3A_246 = tpu.vector_load_idx %arg5[%parallel_loop3A_237] : memref<35944xi32, #tpu.memory_space<vmem>>[vector<16xi32>], vector<16xi32>,
        %parallel_loop3A_247 = tpu.vector_load_idx %arg5[%parallel_loop3A_239] : memref<35944xi32, #tpu.memory_space<vmem>>[vector<16xi32>], vector<16xi32>,
        %parallel_loop3A_248 = tpu.vector_load_idx %arg5[%parallel_loop3A_241] : memref<35944xi32, #tpu.memory_space<vmem>>[vector<16xi32>], vector<16xi32>,
        %parallel_loop3A_249 = tpu.vector_load_idx %arg5[%parallel_loop3A_243] : memref<35944xi32, #tpu.memory_space<vmem>>[vector<16xi32>], vector<16xi32>,
        %parallel_loop3A_250 = arith.constant 16 : i32
        %parallel_loop3A_251 = vector.broadcast %parallel_loop3A_250 : i32 to vector<16xi32>
        %parallel_loop3A_252 = arith.shli %parallel_loop3A_246, %parallel_loop3A_251 : vector<16xi32>
        %parallel_loop3A_253 = vector.bitcast %parallel_loop3A_252 : vector<16xi32> to vector<16xf32>
        %parallel_loop3A_254 = arith.andi %parallel_loop3A_246, %parallel_loop3A_245 : vector<16xi32>
        %parallel_loop3A_255 = vector.bitcast %parallel_loop3A_254 : vector<16xi32> to vector<16xf32>
        %parallel_loop3A_256 = arith.subf %parallel_loop3A_255, %parallel_loop3A_253 : vector<16xf32>
        %parallel_loop3A_257 = arith.mulf %parallel_loop3A_207, %parallel_loop3A_256 : vector<16xf32>
        %parallel_loop3A_258 = arith.addf %parallel_loop3A_253, %parallel_loop3A_257 : vector<16xf32>
        %parallel_loop3A_259 = arith.constant 16 : i32
        %parallel_loop3A_260 = vector.broadcast %parallel_loop3A_259 : i32 to vector<16xi32>
        %parallel_loop3A_261 = arith.shli %parallel_loop3A_247, %parallel_loop3A_260 : vector<16xi32>
        %parallel_loop3A_262 = vector.bitcast %parallel_loop3A_261 : vector<16xi32> to vector<16xf32>
        %parallel_loop3A_263 = arith.andi %parallel_loop3A_247, %parallel_loop3A_245 : vector<16xi32>
        %parallel_loop3A_264 = vector.bitcast %parallel_loop3A_263 : vector<16xi32> to vector<16xf32>
        %parallel_loop3A_265 = arith.subf %parallel_loop3A_264, %parallel_loop3A_262 : vector<16xf32>
        %parallel_loop3A_266 = arith.mulf %parallel_loop3A_207, %parallel_loop3A_265 : vector<16xf32>
        %parallel_loop3A_267 = arith.addf %parallel_loop3A_262, %parallel_loop3A_266 : vector<16xf32>
        %parallel_loop3A_268 = arith.constant 16 : i32
        %parallel_loop3A_269 = vector.broadcast %parallel_loop3A_268 : i32 to vector<16xi32>
        %parallel_loop3A_270 = arith.shli %parallel_loop3A_248, %parallel_loop3A_269 : vector<16xi32>
        %parallel_loop3A_271 = vector.bitcast %parallel_loop3A_270 : vector<16xi32> to vector<16xf32>
        %parallel_loop3A_272 = arith.andi %parallel_loop3A_248, %parallel_loop3A_245 : vector<16xi32>
        %parallel_loop3A_273 = vector.bitcast %parallel_loop3A_272 : vector<16xi32> to vector<16xf32>
        %parallel_loop3A_274 = arith.subf %parallel_loop3A_273, %parallel_loop3A_271 : vector<16xf32>
        %parallel_loop3A_275 = arith.mulf %parallel_loop3A_207, %parallel_loop3A_274 : vector<16xf32>
        %parallel_loop3A_276 = arith.addf %parallel_loop3A_271, %parallel_loop3A_275 : vector<16xf32>
        %parallel_loop3A_277 = arith.constant 16 : i32
        %parallel_loop3A_278 = vector.broadcast %parallel_loop3A_277 : i32 to vector<16xi32>
        %parallel_loop3A_279 = arith.shli %parallel_loop3A_249, %parallel_loop3A_278 : vector<16xi32>
        %parallel_loop3A_280 = vector.bitcast %parallel_loop3A_279 : vector<16xi32> to vector<16xf32>
        %parallel_loop3A_281 = arith.andi %parallel_loop3A_249, %parallel_loop3A_245 : vector<16xi32>
        %parallel_loop3A_282 = vector.bitcast %parallel_loop3A_281 : vector<16xi32> to vector<16xf32>
        %parallel_loop3A_283 = arith.subf %parallel_loop3A_282, %parallel_loop3A_280 : vector<16xf32>
        %parallel_loop3A_284 = arith.mulf %parallel_loop3A_207, %parallel_loop3A_283 : vector<16xf32>
        %parallel_loop3A_285 = arith.addf %parallel_loop3A_280, %parallel_loop3A_284 : vector<16xf32>
        %parallel_loop3A_286 = arith.subf %parallel_loop3A_267, %parallel_loop3A_258 : vector<16xf32>
        %parallel_loop3A_287 = arith.mulf %parallel_loop3A_209, %parallel_loop3A_286 : vector<16xf32>
        %parallel_loop3A_288 = arith.addf %parallel_loop3A_258, %parallel_loop3A_287 : vector<16xf32>
        %parallel_loop3A_289 = arith.subf %parallel_loop3A_285, %parallel_loop3A_276 : vector<16xf32>
        %parallel_loop3A_290 = arith.mulf %parallel_loop3A_209, %parallel_loop3A_289 : vector<16xf32>
        %parallel_loop3A_291 = arith.addf %parallel_loop3A_276, %parallel_loop3A_290 : vector<16xf32>
        %parallel_loop3A_292 = arith.subf %parallel_loop3A_291, %parallel_loop3A_288 : vector<16xf32>
        %parallel_loop3A_293 = arith.mulf %parallel_loop3A_211, %parallel_loop3A_292 : vector<16xf32>
        %parallel_loop3A_294 = arith.addf %parallel_loop3A_288, %parallel_loop3A_293 : vector<16xf32>
        %parallel_loop3A_295 = arith.index_cast %parallel_loop3A_133 : i32 to index
        %parallel_loop3A_296 = tpu.vector_load %arg14[%parallel_loop3A_295] {strides = array<i32>} : memref<1296xf32, #tpu.memory_space<vmem>>, vector<16xf32>,
        tpu.vector_store %arg14[%parallel_loop3A_295], %parallel_loop3A_294 {strides = array<i32>} : memref<1296xf32, #tpu.memory_space<vmem>>, vector<16xf32>,
        %parallel_loop3A_297 = tpu.vector_load_idx %arg6[%parallel_loop3A_237] : memref<35944xi32, #tpu.memory_space<vmem>>[vector<16xi32>], vector<16xi32>,
        %parallel_loop3A_298 = tpu.vector_load_idx %arg6[%parallel_loop3A_239] : memref<35944xi32, #tpu.memory_space<vmem>>[vector<16xi32>], vector<16xi32>,
        %parallel_loop3A_299 = tpu.vector_load_idx %arg6[%parallel_loop3A_241] : memref<35944xi32, #tpu.memory_space<vmem>>[vector<16xi32>], vector<16xi32>,
        %parallel_loop3A_300 = tpu.vector_load_idx %arg6[%parallel_loop3A_243] : memref<35944xi32, #tpu.memory_space<vmem>>[vector<16xi32>], vector<16xi32>,
        %parallel_loop3A_301 = arith.constant 16 : i32
        %parallel_loop3A_302 = vector.broadcast %parallel_loop3A_301 : i32 to vector<16xi32>
        %parallel_loop3A_303 = arith.shli %parallel_loop3A_297, %parallel_loop3A_302 : vector<16xi32>
        %parallel_loop3A_304 = vector.bitcast %parallel_loop3A_303 : vector<16xi32> to vector<16xf32>
        %parallel_loop3A_305 = arith.andi %parallel_loop3A_297, %parallel_loop3A_245 : vector<16xi32>
        %parallel_loop3A_306 = vector.bitcast %parallel_loop3A_305 : vector<16xi32> to vector<16xf32>
        %parallel_loop3A_307 = arith.subf %parallel_loop3A_306, %parallel_loop3A_304 : vector<16xf32>
        %parallel_loop3A_308 = arith.mulf %parallel_loop3A_207, %parallel_loop3A_307 : vector<16xf32>
        %parallel_loop3A_309 = arith.addf %parallel_loop3A_304, %parallel_loop3A_308 : vector<16xf32>
        %parallel_loop3A_310 = arith.constant 16 : i32
        %parallel_loop3A_311 = vector.broadcast %parallel_loop3A_310 : i32 to vector<16xi32>
        %parallel_loop3A_312 = arith.shli %parallel_loop3A_298, %parallel_loop3A_311 : vector<16xi32>
        %parallel_loop3A_313 = vector.bitcast %parallel_loop3A_312 : vector<16xi32> to vector<16xf32>
        %parallel_loop3A_314 = arith.andi %parallel_loop3A_298, %parallel_loop3A_245 : vector<16xi32>
        %parallel_loop3A_315 = vector.bitcast %parallel_loop3A_314 : vector<16xi32> to vector<16xf32>
        %parallel_loop3A_316 = arith.subf %parallel_loop3A_315, %parallel_loop3A_313 : vector<16xf32>
        %parallel_loop3A_317 = arith.mulf %parallel_loop3A_207, %parallel_loop3A_316 : vector<16xf32>
        %parallel_loop3A_318 = arith.addf %parallel_loop3A_313, %parallel_loop3A_317 : vector<16xf32>
        %parallel_loop3A_319 = arith.constant 16 : i32
        %parallel_loop3A_320 = vector.broadcast %parallel_loop3A_319 : i32 to vector<16xi32>
        %parallel_loop3A_321 = arith.shli %parallel_loop3A_299, %parallel_loop3A_320 : vector<16xi32>
        %parallel_loop3A_322 = vector.bitcast %parallel_loop3A_321 : vector<16xi32> to vector<16xf32>
        %parallel_loop3A_323 = arith.andi %parallel_loop3A_299, %parallel_loop3A_245 : vector<16xi32>
        %parallel_loop3A_324 = vector.bitcast %parallel_loop3A_323 : vector<16xi32> to vector<16xf32>
        %parallel_loop3A_325 = arith.subf %parallel_loop3A_324, %parallel_loop3A_322 : vector<16xf32>
        %parallel_loop3A_326 = arith.mulf %parallel_loop3A_207, %parallel_loop3A_325 : vector<16xf32>
        %parallel_loop3A_327 = arith.addf %parallel_loop3A_322, %parallel_loop3A_326 : vector<16xf32>
        %parallel_loop3A_328 = arith.constant 16 : i32
        %parallel_loop3A_329 = vector.broadcast %parallel_loop3A_328 : i32 to vector<16xi32>
        %parallel_loop3A_330 = arith.shli %parallel_loop3A_300, %parallel_loop3A_329 : vector<16xi32>
        %parallel_loop3A_331 = vector.bitcast %parallel_loop3A_330 : vector<16xi32> to vector<16xf32>
        %parallel_loop3A_332 = arith.andi %parallel_loop3A_300, %parallel_loop3A_245 : vector<16xi32>
        %parallel_loop3A_333 = vector.bitcast %parallel_loop3A_332 : vector<16xi32> to vector<16xf32>
        %parallel_loop3A_334 = arith.subf %parallel_loop3A_333, %parallel_loop3A_331 : vector<16xf32>
        %parallel_loop3A_335 = arith.mulf %parallel_loop3A_207, %parallel_loop3A_334 : vector<16xf32>
        %parallel_loop3A_336 = arith.addf %parallel_loop3A_331, %parallel_loop3A_335 : vector<16xf32>
        %parallel_loop3A_337 = arith.subf %parallel_loop3A_318, %parallel_loop3A_309 : vector<16xf32>
        %parallel_loop3A_338 = arith.mulf %parallel_loop3A_209, %parallel_loop3A_337 : vector<16xf32>
        %parallel_loop3A_339 = arith.addf %parallel_loop3A_309, %parallel_loop3A_338 : vector<16xf32>
        %parallel_loop3A_340 = arith.subf %parallel_loop3A_336, %parallel_loop3A_327 : vector<16xf32>
        %parallel_loop3A_341 = arith.mulf %parallel_loop3A_209, %parallel_loop3A_340 : vector<16xf32>
        %parallel_loop3A_342 = arith.addf %parallel_loop3A_327, %parallel_loop3A_341 : vector<16xf32>
        %parallel_loop3A_343 = arith.subf %parallel_loop3A_342, %parallel_loop3A_339 : vector<16xf32>
        %parallel_loop3A_344 = arith.mulf %parallel_loop3A_211, %parallel_loop3A_343 : vector<16xf32>
        %parallel_loop3A_345 = arith.addf %parallel_loop3A_339, %parallel_loop3A_344 : vector<16xf32>
        %parallel_loop3A_346 = arith.index_cast %parallel_loop3A_133 : i32 to index
        %parallel_loop3A_347 = tpu.vector_load %arg15[%parallel_loop3A_346] {strides = array<i32>} : memref<1296xf32, #tpu.memory_space<vmem>>, vector<16xf32>,
        tpu.vector_store %arg15[%parallel_loop3A_346], %parallel_loop3A_345 {strides = array<i32>} : memref<1296xf32, #tpu.memory_space<vmem>>, vector<16xf32>,
        %parallel_loop3A_348 = tpu.vector_load_idx %arg7[%parallel_loop3A_237] : memref<35944xi32, #tpu.memory_space<vmem>>[vector<16xi32>], vector<16xi32>,
        %parallel_loop3A_349 = tpu.vector_load_idx %arg7[%parallel_loop3A_239] : memref<35944xi32, #tpu.memory_space<vmem>>[vector<16xi32>], vector<16xi32>,
        %parallel_loop3A_350 = tpu.vector_load_idx %arg7[%parallel_loop3A_241] : memref<35944xi32, #tpu.memory_space<vmem>>[vector<16xi32>], vector<16xi32>,
        %parallel_loop3A_351 = tpu.vector_load_idx %arg7[%parallel_loop3A_243] : memref<35944xi32, #tpu.memory_space<vmem>>[vector<16xi32>], vector<16xi32>,
        %parallel_loop3A_352 = arith.constant 16 : i32
        %parallel_loop3A_353 = vector.broadcast %parallel_loop3A_352 : i32 to vector<16xi32>
        %parallel_loop3A_354 = arith.shli %parallel_loop3A_348, %parallel_loop3A_353 : vector<16xi32>
        %parallel_loop3A_355 = vector.bitcast %parallel_loop3A_354 : vector<16xi32> to vector<16xf32>
        %parallel_loop3A_356 = arith.andi %parallel_loop3A_348, %parallel_loop3A_245 : vector<16xi32>
        %parallel_loop3A_357 = vector.bitcast %parallel_loop3A_356 : vector<16xi32> to vector<16xf32>
        %parallel_loop3A_358 = arith.subf %parallel_loop3A_357, %parallel_loop3A_355 : vector<16xf32>
        %parallel_loop3A_359 = arith.mulf %parallel_loop3A_207, %parallel_loop3A_358 : vector<16xf32>
        %parallel_loop3A_360 = arith.addf %parallel_loop3A_355, %parallel_loop3A_359 : vector<16xf32>
        %parallel_loop3A_361 = arith.constant 16 : i32
        %parallel_loop3A_362 = vector.broadcast %parallel_loop3A_361 : i32 to vector<16xi32>
        %parallel_loop3A_363 = arith.shli %parallel_loop3A_349, %parallel_loop3A_362 : vector<16xi32>
        %parallel_loop3A_364 = vector.bitcast %parallel_loop3A_363 : vector<16xi32> to vector<16xf32>
        %parallel_loop3A_365 = arith.andi %parallel_loop3A_349, %parallel_loop3A_245 : vector<16xi32>
        %parallel_loop3A_366 = vector.bitcast %parallel_loop3A_365 : vector<16xi32> to vector<16xf32>
        %parallel_loop3A_367 = arith.subf %parallel_loop3A_366, %parallel_loop3A_364 : vector<16xf32>
        %parallel_loop3A_368 = arith.mulf %parallel_loop3A_207, %parallel_loop3A_367 : vector<16xf32>
        %parallel_loop3A_369 = arith.addf %parallel_loop3A_364, %parallel_loop3A_368 : vector<16xf32>
        %parallel_loop3A_370 = arith.constant 16 : i32
        %parallel_loop3A_371 = vector.broadcast %parallel_loop3A_370 : i32 to vector<16xi32>
        %parallel_loop3A_372 = arith.shli %parallel_loop3A_350, %parallel_loop3A_371 : vector<16xi32>
        %parallel_loop3A_373 = vector.bitcast %parallel_loop3A_372 : vector<16xi32> to vector<16xf32>
        %parallel_loop3A_374 = arith.andi %parallel_loop3A_350, %parallel_loop3A_245 : vector<16xi32>
        %parallel_loop3A_375 = vector.bitcast %parallel_loop3A_374 : vector<16xi32> to vector<16xf32>
        %parallel_loop3A_376 = arith.subf %parallel_loop3A_375, %parallel_loop3A_373 : vector<16xf32>
        %parallel_loop3A_377 = arith.mulf %parallel_loop3A_207, %parallel_loop3A_376 : vector<16xf32>
        %parallel_loop3A_378 = arith.addf %parallel_loop3A_373, %parallel_loop3A_377 : vector<16xf32>
        %parallel_loop3A_379 = arith.constant 16 : i32
        %parallel_loop3A_380 = vector.broadcast %parallel_loop3A_379 : i32 to vector<16xi32>
        %parallel_loop3A_381 = arith.shli %parallel_loop3A_351, %parallel_loop3A_380 : vector<16xi32>
        %parallel_loop3A_382 = vector.bitcast %parallel_loop3A_381 : vector<16xi32> to vector<16xf32>
        %parallel_loop3A_383 = arith.andi %parallel_loop3A_351, %parallel_loop3A_245 : vector<16xi32>
        %parallel_loop3A_384 = vector.bitcast %parallel_loop3A_383 : vector<16xi32> to vector<16xf32>
        %parallel_loop3A_385 = arith.subf %parallel_loop3A_384, %parallel_loop3A_382 : vector<16xf32>
        %parallel_loop3A_386 = arith.mulf %parallel_loop3A_207, %parallel_loop3A_385 : vector<16xf32>
        %parallel_loop3A_387 = arith.addf %parallel_loop3A_382, %parallel_loop3A_386 : vector<16xf32>
        %parallel_loop3A_388 = arith.subf %parallel_loop3A_369, %parallel_loop3A_360 : vector<16xf32>
        %parallel_loop3A_389 = arith.mulf %parallel_loop3A_209, %parallel_loop3A_388 : vector<16xf32>
        %parallel_loop3A_390 = arith.addf %parallel_loop3A_360, %parallel_loop3A_389 : vector<16xf32>
        %parallel_loop3A_391 = arith.subf %parallel_loop3A_387, %parallel_loop3A_378 : vector<16xf32>
        %parallel_loop3A_392 = arith.mulf %parallel_loop3A_209, %parallel_loop3A_391 : vector<16xf32>
        %parallel_loop3A_393 = arith.addf %parallel_loop3A_378, %parallel_loop3A_392 : vector<16xf32>
        %parallel_loop3A_394 = arith.subf %parallel_loop3A_393, %parallel_loop3A_390 : vector<16xf32>
        %parallel_loop3A_395 = arith.mulf %parallel_loop3A_211, %parallel_loop3A_394 : vector<16xf32>
        %parallel_loop3A_396 = arith.addf %parallel_loop3A_390, %parallel_loop3A_395 : vector<16xf32>
        %parallel_loop3A_397 = arith.index_cast %parallel_loop3A_133 : i32 to index
        %parallel_loop3A_398 = tpu.vector_load %arg16[%parallel_loop3A_397] {strides = array<i32>} : memref<1296xf32, #tpu.memory_space<vmem>>, vector<16xf32>,
        tpu.vector_store %arg16[%parallel_loop3A_397], %parallel_loop3A_396 {strides = array<i32>} : memref<1296xf32, #tpu.memory_space<vmem>>, vector<16xf32>,
      } {sc.loop_unroll_factor = 4 : i64, sc.parallel_access}
      %mul3A_72 = arith.constant 1296 : i32
      %mul3A_73 = arith.muli %add3A_49, %mul3A_72 : i32
      %add3A_74 = arith.addi %mul3A_2, %mul3A_73 : i32
      %add3A_75 = arith.constant 0 : i32
      %add3A_76 = arith.addi %add3A_75, %add3A_74 : i32
      %dma_start3A_77 = tpu.memref_slice %arg4[%add3A_76] : memref<6220800xf32, #tpu.memory_space<hbm>> -> memref<1296xf32, #tpu.memory_space<hbm>>
      %dma_start3A_78 = tpu.memref_slice %arg4[%add3A_76] : memref<6220800xf32, #tpu.memory_space<hbm>> -> memref<1296xf32, #tpu.memory_space<hbm>>
      tpu.enqueue_dma source(%arg14 : memref<1296xf32, #tpu.memory_space<vmem>>) target(%dma_start3A_78 : memref<1296xf32, #tpu.memory_space<hbm>>) target_semaphore(%arg22 : memref<!tpu.dma_semaphore, #tpu.memory_space<semaphore_mem>>)
      %add3A_79 = arith.constant 2073600 : i32
      %add3A_80 = arith.addi %add3A_79, %add3A_74 : i32
      %dma_start3A_81 = tpu.memref_slice %arg4[%add3A_80] : memref<6220800xf32, #tpu.memory_space<hbm>> -> memref<1296xf32, #tpu.memory_space<hbm>>
      %dma_start3A_82 = tpu.memref_slice %arg4[%add3A_80] : memref<6220800xf32, #tpu.memory_space<hbm>> -> memref<1296xf32, #tpu.memory_space<hbm>>
      tpu.enqueue_dma source(%arg15 : memref<1296xf32, #tpu.memory_space<vmem>>) target(%dma_start3A_82 : memref<1296xf32, #tpu.memory_space<hbm>>) target_semaphore(%arg22 : memref<!tpu.dma_semaphore, #tpu.memory_space<semaphore_mem>>)
      %add3A_83 = arith.constant 4147200 : i32
      %add3A_84 = arith.addi %add3A_83, %add3A_74 : i32
      %dma_start3A_85 = tpu.memref_slice %arg4[%add3A_84] : memref<6220800xf32, #tpu.memory_space<hbm>> -> memref<1296xf32, #tpu.memory_space<hbm>>
      %dma_start3A_86 = tpu.memref_slice %arg4[%add3A_84] : memref<6220800xf32, #tpu.memory_space<hbm>> -> memref<1296xf32, #tpu.memory_space<hbm>>
      tpu.enqueue_dma source(%arg16 : memref<1296xf32, #tpu.memory_space<vmem>>) target(%dma_start3A_86 : memref<1296xf32, #tpu.memory_space<hbm>>) target_semaphore(%arg22 : memref<!tpu.dma_semaphore, #tpu.memory_space<semaphore_mem>>)
      %add3A_87 = arith.constant 1 : i32
      %add3A_88 = arith.addi %add3A_47, %add3A_87 : i32
      %add3A_89 = arith.constant 1 : i32
      %add3A_90 = arith.addi %add3A_88, %add3A_89 : i32
      %lt3A_91 = arith.constant 50 : i32
      %lt3A_92 = arith.cmpi slt, %add3A_90, %lt3A_91 : i32
      %convert_element_type3A_93 = arith.extui %lt3A_92 : i1 to i32
      %cond3A_94 = arith.constant 0 : i32
      %cond3A_95 = arith.cmpi ne, %convert_element_type3A_93, %cond3A_94 : i32
      scf.if %cond3A_95 {
        %add3A_131 = arith.constant 1 : i32
        %add3A_132 = arith.addi %add3A_88, %add3A_131 : i32
        %mul3A_133 = arith.constant 1296 : i32
        %mul3A_134 = arith.muli %add3A_132, %mul3A_133 : i32
        %add3A_135 = arith.addi %mul3A_2, %mul3A_134 : i32
        %add3A_136 = arith.constant 0 : i32
        %add3A_137 = arith.addi %add3A_136, %add3A_135 : i32
        %dma_start3A_138 = tpu.memref_slice %arg3[%add3A_137] : memref<6220800xf32, #tpu.memory_space<hbm>> -> memref<1296xf32, #tpu.memory_space<hbm>>
        %dma_start3A_139 = tpu.memref_slice %arg3[%add3A_137] : memref<6220800xf32, #tpu.memory_space<hbm>> -> memref<1296xf32, #tpu.memory_space<hbm>>
        tpu.enqueue_dma source(%dma_start3A_139 : memref<1296xf32, #tpu.memory_space<hbm>>) target(%arg8 : memref<1296xf32, #tpu.memory_space<vmem>>) target_semaphore(%arg20 : memref<!tpu.dma_semaphore, #tpu.memory_space<semaphore_mem>>)
        %add3A_140 = arith.constant 2073600 : i32
        %add3A_141 = arith.addi %add3A_140, %add3A_135 : i32
        %dma_start3A_142 = tpu.memref_slice %arg3[%add3A_141] : memref<6220800xf32, #tpu.memory_space<hbm>> -> memref<1296xf32, #tpu.memory_space<hbm>>
        %dma_start3A_143 = tpu.memref_slice %arg3[%add3A_141] : memref<6220800xf32, #tpu.memory_space<hbm>> -> memref<1296xf32, #tpu.memory_space<hbm>>
        tpu.enqueue_dma source(%dma_start3A_143 : memref<1296xf32, #tpu.memory_space<hbm>>) target(%arg9 : memref<1296xf32, #tpu.memory_space<vmem>>) target_semaphore(%arg20 : memref<!tpu.dma_semaphore, #tpu.memory_space<semaphore_mem>>)
        %add3A_144 = arith.constant 4147200 : i32
        %add3A_145 = arith.addi %add3A_144, %add3A_135 : i32
        %dma_start3A_146 = tpu.memref_slice %arg3[%add3A_145] : memref<6220800xf32, #tpu.memory_space<hbm>> -> memref<1296xf32, #tpu.memory_space<hbm>>
        %dma_start3A_147 = tpu.memref_slice %arg3[%add3A_145] : memref<6220800xf32, #tpu.memory_space<hbm>> -> memref<1296xf32, #tpu.memory_space<hbm>>
        tpu.enqueue_dma source(%dma_start3A_147 : memref<1296xf32, #tpu.memory_space<hbm>>) target(%arg10 : memref<1296xf32, #tpu.memory_space<vmem>>) target_semaphore(%arg20 : memref<!tpu.dma_semaphore, #tpu.memory_space<semaphore_mem>>)
      } else {
      }
      %dma_wait3A_96 = arith.constant 0 : i32
      %dma_wait3A_97 = tpu.memref_slice %arg3[%dma_wait3A_96] : memref<6220800xf32, #tpu.memory_space<hbm>> -> memref<1296xf32, #tpu.memory_space<hbm>>
      %dma_wait3A_98 = arith.constant 0 : i32
      %dma_wait3A_99 = tpu.memref_slice %arg3[%dma_wait3A_98] : memref<6220800xf32, #tpu.memory_space<hbm>> -> memref<1296xf32, #tpu.memory_space<hbm>>
      tpu.wait_dma2 semaphore(%arg21 : memref<!tpu.dma_semaphore, #tpu.memory_space<semaphore_mem>>) src(%dma_wait3A_99 : memref<1296xf32, #tpu.memory_space<hbm>>) dst(%arg11 : memref<1296xf32, #tpu.memory_space<vmem>>)
      %dma_wait3A_100 = arith.constant 0 : i32
      %dma_wait3A_101 = tpu.memref_slice %arg3[%dma_wait3A_100] : memref<6220800xf32, #tpu.memory_space<hbm>> -> memref<1296xf32, #tpu.memory_space<hbm>>
      %dma_wait3A_102 = arith.constant 0 : i32
      %dma_wait3A_103 = tpu.memref_slice %arg3[%dma_wait3A_102] : memref<6220800xf32, #tpu.memory_space<hbm>> -> memref<1296xf32, #tpu.memory_space<hbm>>
      tpu.wait_dma2 semaphore(%arg21 : memref<!tpu.dma_semaphore, #tpu.memory_space<semaphore_mem>>) src(%dma_wait3A_103 : memref<1296xf32, #tpu.memory_space<hbm>>) dst(%arg12 : memref<1296xf32, #tpu.memory_space<vmem>>)
      %dma_wait3A_104 = arith.constant 0 : i32
      %dma_wait3A_105 = tpu.memref_slice %arg3[%dma_wait3A_104] : memref<6220800xf32, #tpu.memory_space<hbm>> -> memref<1296xf32, #tpu.memory_space<hbm>>
      %dma_wait3A_106 = arith.constant 0 : i32
      %dma_wait3A_107 = tpu.memref_slice %arg3[%dma_wait3A_106] : memref<6220800xf32, #tpu.memory_space<hbm>> -> memref<1296xf32, #tpu.memory_space<hbm>>
      tpu.wait_dma2 semaphore(%arg21 : memref<!tpu.dma_semaphore, #tpu.memory_space<semaphore_mem>>) src(%dma_wait3A_107 : memref<1296xf32, #tpu.memory_space<hbm>>) dst(%arg13 : memref<1296xf32, #tpu.memory_space<vmem>>)
      %ge3A_108 = arith.constant 2 : i32
      %ge3A_109 = arith.cmpi sge, %add3A_88, %ge3A_108 : i32
      %convert_element_type3A_110 = arith.extui %ge3A_109 : i1 to i32
      %cond3A_111 = arith.constant 0 : i32
      %cond3A_112 = arith.cmpi ne, %convert_element_type3A_110, %cond3A_111 : i32
      scf.if %cond3A_112 {
        %dma_wait3A_131 = arith.constant 0 : i32
        %dma_wait3A_132 = tpu.memref_slice %arg4[%dma_wait3A_131] : memref<6220800xf32, #tpu.memory_space<hbm>> -> memref<1296xf32, #tpu.memory_space<hbm>>
        %dma_wait3A_133 = arith.constant 0 : i32
        %dma_wait3A_134 = tpu.memref_slice %arg4[%dma_wait3A_133] : memref<6220800xf32, #tpu.memory_space<hbm>> -> memref<1296xf32, #tpu.memory_space<hbm>>
        tpu.wait_dma2 semaphore(%arg23 : memref<!tpu.dma_semaphore, #tpu.memory_space<semaphore_mem>>) src(%arg17 : memref<1296xf32, #tpu.memory_space<vmem>>) dst(%dma_wait3A_134 : memref<1296xf32, #tpu.memory_space<hbm>>)
        %dma_wait3A_135 = arith.constant 0 : i32
        %dma_wait3A_136 = tpu.memref_slice %arg4[%dma_wait3A_135] : memref<6220800xf32, #tpu.memory_space<hbm>> -> memref<1296xf32, #tpu.memory_space<hbm>>
        %dma_wait3A_137 = arith.constant 0 : i32
        %dma_wait3A_138 = tpu.memref_slice %arg4[%dma_wait3A_137] : memref<6220800xf32, #tpu.memory_space<hbm>> -> memref<1296xf32, #tpu.memory_space<hbm>>
        tpu.wait_dma2 semaphore(%arg23 : memref<!tpu.dma_semaphore, #tpu.memory_space<semaphore_mem>>) src(%arg18 : memref<1296xf32, #tpu.memory_space<vmem>>) dst(%dma_wait3A_138 : memref<1296xf32, #tpu.memory_space<hbm>>)
        %dma_wait3A_139 = arith.constant 0 : i32
        %dma_wait3A_140 = tpu.memref_slice %arg4[%dma_wait3A_139] : memref<6220800xf32, #tpu.memory_space<hbm>> -> memref<1296xf32, #tpu.memory_space<hbm>>
        %dma_wait3A_141 = arith.constant 0 : i32
        %dma_wait3A_142 = tpu.memref_slice %arg4[%dma_wait3A_141] : memref<6220800xf32, #tpu.memory_space<hbm>> -> memref<1296xf32, #tpu.memory_space<hbm>>
        tpu.wait_dma2 semaphore(%arg23 : memref<!tpu.dma_semaphore, #tpu.memory_space<semaphore_mem>>) src(%arg19 : memref<1296xf32, #tpu.memory_space<vmem>>) dst(%dma_wait3A_142 : memref<1296xf32, #tpu.memory_space<hbm>>)
      } else {
      }
      %parallel_loop3A_113 = arith.constant 0 : i32
      %parallel_loop3A_114 = arith.constant 81 : i32
      %parallel_loop3A_115 = arith.constant 1 : i32
      scf.for %parallel_loop3A_131 = %parallel_loop3A_113 to %parallel_loop3A_114 step %parallel_loop3A_115  : i32 {
        %parallel_loop3A_132 = arith.constant 16 : i32
        %parallel_loop3A_133 = arith.muli %parallel_loop3A_131, %parallel_loop3A_132 : i32
        %parallel_loop3A_134 = arith.index_cast %parallel_loop3A_133 : i32 to index
        %parallel_loop3A_135 = tpu.vector_load %arg11[%parallel_loop3A_134] {strides = array<i32>} : memref<1296xf32, #tpu.memory_space<vmem>>, vector<16xf32>,
        %parallel_loop3A_136 = arith.index_cast %parallel_loop3A_133 : i32 to index
        %parallel_loop3A_137 = tpu.vector_load %arg12[%parallel_loop3A_136] {strides = array<i32>} : memref<1296xf32, #tpu.memory_space<vmem>>, vector<16xf32>,
        %parallel_loop3A_138 = arith.index_cast %parallel_loop3A_133 : i32 to index
        %parallel_loop3A_139 = tpu.vector_load %arg13[%parallel_loop3A_138] {strides = array<i32>} : memref<1296xf32, #tpu.memory_space<vmem>>, vector<16xf32>,
        %parallel_loop3A_140 = arith.constant 5.000000e-01 : f32
        %parallel_loop3A_141 = vector.broadcast %parallel_loop3A_140 : f32 to vector<16xf32>
        %parallel_loop3A_142 = arith.subf %parallel_loop3A_135, %parallel_loop3A_141 : vector<16xf32>
        %parallel_loop3A_143 = arith.constant 2.000000e+00 : f32
        %parallel_loop3A_144 = vector.broadcast %parallel_loop3A_143 : f32 to vector<16xf32>
        %parallel_loop3A_145 = arith.mulf %parallel_loop3A_142, %parallel_loop3A_144 : vector<16xf32>
        %parallel_loop3A_146 = arith.constant 1.000000e+00 : f32
        %parallel_loop3A_147 = vector.broadcast %parallel_loop3A_146 : f32 to vector<16xf32>
        %parallel_loop3A_148 = arith.addf %parallel_loop3A_145, %parallel_loop3A_147 : vector<16xf32>
        %parallel_loop3A_149 = arith.constant 5.000000e-01 : f32
        %parallel_loop3A_150 = vector.broadcast %parallel_loop3A_149 : f32 to vector<16xf32>
        %parallel_loop3A_151 = arith.mulf %parallel_loop3A_148, %parallel_loop3A_150 : vector<16xf32>
        %parallel_loop3A_152 = arith.constant 3.200000e+01 : f32
        %parallel_loop3A_153 = vector.broadcast %parallel_loop3A_152 : f32 to vector<16xf32>
        %parallel_loop3A_154 = arith.mulf %parallel_loop3A_151, %parallel_loop3A_153 : vector<16xf32>
        %parallel_loop3A_155 = arith.constant 0.000000e+00 : f32
        %parallel_loop3A_156 = arith.constant 3.200000e+01 : f32
        %parallel_loop3A_157 = vector.broadcast %parallel_loop3A_155 : f32 to vector<16xf32>
        %parallel_loop3A_158 = arith.maximumf %parallel_loop3A_157, %parallel_loop3A_154 : vector<16xf32>
        %parallel_loop3A_159 = vector.broadcast %parallel_loop3A_156 : f32 to vector<16xf32>
        %parallel_loop3A_160 = arith.minimumf %parallel_loop3A_159, %parallel_loop3A_158 : vector<16xf32>
        %parallel_loop3A_161 = arith.constant 5.000000e-01 : f32
        %parallel_loop3A_162 = vector.broadcast %parallel_loop3A_161 : f32 to vector<16xf32>
        %parallel_loop3A_163 = arith.subf %parallel_loop3A_137, %parallel_loop3A_162 : vector<16xf32>
        %parallel_loop3A_164 = arith.constant 2.000000e+00 : f32
        %parallel_loop3A_165 = vector.broadcast %parallel_loop3A_164 : f32 to vector<16xf32>
        %parallel_loop3A_166 = arith.mulf %parallel_loop3A_163, %parallel_loop3A_165 : vector<16xf32>
        %parallel_loop3A_167 = arith.constant 1.000000e+00 : f32
        %parallel_loop3A_168 = vector.broadcast %parallel_loop3A_167 : f32 to vector<16xf32>
        %parallel_loop3A_169 = arith.addf %parallel_loop3A_166, %parallel_loop3A_168 : vector<16xf32>
        %parallel_loop3A_170 = arith.constant 5.000000e-01 : f32
        %parallel_loop3A_171 = vector.broadcast %parallel_loop3A_170 : f32 to vector<16xf32>
        %parallel_loop3A_172 = arith.mulf %parallel_loop3A_169, %parallel_loop3A_171 : vector<16xf32>
        %parallel_loop3A_173 = arith.constant 3.200000e+01 : f32
        %parallel_loop3A_174 = vector.broadcast %parallel_loop3A_173 : f32 to vector<16xf32>
        %parallel_loop3A_175 = arith.mulf %parallel_loop3A_172, %parallel_loop3A_174 : vector<16xf32>
        %parallel_loop3A_176 = arith.constant 0.000000e+00 : f32
        %parallel_loop3A_177 = arith.constant 3.200000e+01 : f32
        %parallel_loop3A_178 = vector.broadcast %parallel_loop3A_176 : f32 to vector<16xf32>
        %parallel_loop3A_179 = arith.maximumf %parallel_loop3A_178, %parallel_loop3A_175 : vector<16xf32>
        %parallel_loop3A_180 = vector.broadcast %parallel_loop3A_177 : f32 to vector<16xf32>
        %parallel_loop3A_181 = arith.minimumf %parallel_loop3A_180, %parallel_loop3A_179 : vector<16xf32>
        %parallel_loop3A_182 = arith.constant 5.000000e-01 : f32
        %parallel_loop3A_183 = vector.broadcast %parallel_loop3A_182 : f32 to vector<16xf32>
        %parallel_loop3A_184 = arith.subf %parallel_loop3A_139, %parallel_loop3A_183 : vector<16xf32>
        %parallel_loop3A_185 = arith.constant 2.000000e+00 : f32
        %parallel_loop3A_186 = vector.broadcast %parallel_loop3A_185 : f32 to vector<16xf32>
        %parallel_loop3A_187 = arith.mulf %parallel_loop3A_184, %parallel_loop3A_186 : vector<16xf32>
        %parallel_loop3A_188 = arith.constant 1.000000e+00 : f32
        %parallel_loop3A_189 = vector.broadcast %parallel_loop3A_188 : f32 to vector<16xf32>
        %parallel_loop3A_190 = arith.addf %parallel_loop3A_187, %parallel_loop3A_189 : vector<16xf32>
        %parallel_loop3A_191 = arith.constant 5.000000e-01 : f32
        %parallel_loop3A_192 = vector.broadcast %parallel_loop3A_191 : f32 to vector<16xf32>
        %parallel_loop3A_193 = arith.mulf %parallel_loop3A_190, %parallel_loop3A_192 : vector<16xf32>
        %parallel_loop3A_194 = arith.constant 3.200000e+01 : f32
        %parallel_loop3A_195 = vector.broadcast %parallel_loop3A_194 : f32 to vector<16xf32>
        %parallel_loop3A_196 = arith.mulf %parallel_loop3A_193, %parallel_loop3A_195 : vector<16xf32>
        %parallel_loop3A_197 = arith.constant 0.000000e+00 : f32
        %parallel_loop3A_198 = arith.constant 3.200000e+01 : f32
        %parallel_loop3A_199 = vector.broadcast %parallel_loop3A_197 : f32 to vector<16xf32>
        %parallel_loop3A_200 = arith.maximumf %parallel_loop3A_199, %parallel_loop3A_196 : vector<16xf32>
        %parallel_loop3A_201 = vector.broadcast %parallel_loop3A_198 : f32 to vector<16xf32>
        %parallel_loop3A_202 = arith.minimumf %parallel_loop3A_201, %parallel_loop3A_200 : vector<16xf32>
        %parallel_loop3A_203 = arith.fptosi %parallel_loop3A_160 : vector<16xf32> to vector<16xi32>
        %parallel_loop3A_204 = arith.fptosi %parallel_loop3A_181 : vector<16xf32> to vector<16xi32>
        %parallel_loop3A_205 = arith.fptosi %parallel_loop3A_202 : vector<16xf32> to vector<16xi32>
        %parallel_loop3A_206 = arith.sitofp %parallel_loop3A_203 : vector<16xi32> to vector<16xf32>
        %parallel_loop3A_207 = arith.subf %parallel_loop3A_160, %parallel_loop3A_206 : vector<16xf32>
        %parallel_loop3A_208 = arith.sitofp %parallel_loop3A_204 : vector<16xi32> to vector<16xf32>
        %parallel_loop3A_209 = arith.subf %parallel_loop3A_181, %parallel_loop3A_208 : vector<16xf32>
        %parallel_loop3A_210 = arith.sitofp %parallel_loop3A_205 : vector<16xi32> to vector<16xf32>
        %parallel_loop3A_211 = arith.subf %parallel_loop3A_202, %parallel_loop3A_210 : vector<16xf32>
        %parallel_loop3A_212 = arith.constant 1 : i32
        %parallel_loop3A_213 = vector.broadcast %parallel_loop3A_212 : i32 to vector<16xi32>
        %parallel_loop3A_214 = arith.addi %parallel_loop3A_204, %parallel_loop3A_213 : vector<16xi32>
        %parallel_loop3A_215 = arith.constant 32 : i32
        %parallel_loop3A_216 = vector.broadcast %parallel_loop3A_215 : i32 to vector<16xi32>
        %parallel_loop3A_217 = arith.minsi %parallel_loop3A_214, %parallel_loop3A_216 : vector<16xi32>
        %parallel_loop3A_218 = arith.constant 1 : i32
        %parallel_loop3A_219 = vector.broadcast %parallel_loop3A_218 : i32 to vector<16xi32>
        %parallel_loop3A_220 = arith.addi %parallel_loop3A_205, %parallel_loop3A_219 : vector<16xi32>
        %parallel_loop3A_221 = arith.constant 32 : i32
        %parallel_loop3A_222 = vector.broadcast %parallel_loop3A_221 : i32 to vector<16xi32>
        %parallel_loop3A_223 = arith.minsi %parallel_loop3A_220, %parallel_loop3A_222 : vector<16xi32>
        %parallel_loop3A_224 = arith.constant 33 : i32
        %parallel_loop3A_225 = vector.broadcast %parallel_loop3A_224 : i32 to vector<16xi32>
        %parallel_loop3A_226 = arith.muli %parallel_loop3A_204, %parallel_loop3A_225 : vector<16xi32>
        %parallel_loop3A_227 = arith.constant 33 : i32
        %parallel_loop3A_228 = vector.broadcast %parallel_loop3A_227 : i32 to vector<16xi32>
        %parallel_loop3A_229 = arith.muli %parallel_loop3A_217, %parallel_loop3A_228 : vector<16xi32>
        %parallel_loop3A_230 = arith.constant 1089 : i32
        %parallel_loop3A_231 = vector.broadcast %parallel_loop3A_230 : i32 to vector<16xi32>
        %parallel_loop3A_232 = arith.muli %parallel_loop3A_205, %parallel_loop3A_231 : vector<16xi32>
        %parallel_loop3A_233 = arith.constant 1089 : i32
        %parallel_loop3A_234 = vector.broadcast %parallel_loop3A_233 : i32 to vector<16xi32>
        %parallel_loop3A_235 = arith.muli %parallel_loop3A_223, %parallel_loop3A_234 : vector<16xi32>
        %parallel_loop3A_236 = arith.addi %parallel_loop3A_232, %parallel_loop3A_226 : vector<16xi32>
        %parallel_loop3A_237 = arith.addi %parallel_loop3A_236, %parallel_loop3A_203 : vector<16xi32>
        %parallel_loop3A_238 = arith.addi %parallel_loop3A_232, %parallel_loop3A_229 : vector<16xi32>
        %parallel_loop3A_239 = arith.addi %parallel_loop3A_238, %parallel_loop3A_203 : vector<16xi32>
        %parallel_loop3A_240 = arith.addi %parallel_loop3A_235, %parallel_loop3A_226 : vector<16xi32>
        %parallel_loop3A_241 = arith.addi %parallel_loop3A_240, %parallel_loop3A_203 : vector<16xi32>
        %parallel_loop3A_242 = arith.addi %parallel_loop3A_235, %parallel_loop3A_229 : vector<16xi32>
        %parallel_loop3A_243 = arith.addi %parallel_loop3A_242, %parallel_loop3A_203 : vector<16xi32>
        %parallel_loop3A_244 = arith.constant -65536 : i32
        %parallel_loop3A_245 = vector.broadcast %parallel_loop3A_244 : i32 to vector<16xi32>
        %parallel_loop3A_246 = tpu.vector_load_idx %arg5[%parallel_loop3A_237] : memref<35944xi32, #tpu.memory_space<vmem>>[vector<16xi32>], vector<16xi32>,
        %parallel_loop3A_247 = tpu.vector_load_idx %arg5[%parallel_loop3A_239] : memref<35944xi32, #tpu.memory_space<vmem>>[vector<16xi32>], vector<16xi32>,
        %parallel_loop3A_248 = tpu.vector_load_idx %arg5[%parallel_loop3A_241] : memref<35944xi32, #tpu.memory_space<vmem>>[vector<16xi32>], vector<16xi32>,
        %parallel_loop3A_249 = tpu.vector_load_idx %arg5[%parallel_loop3A_243] : memref<35944xi32, #tpu.memory_space<vmem>>[vector<16xi32>], vector<16xi32>,
        %parallel_loop3A_250 = arith.constant 16 : i32
        %parallel_loop3A_251 = vector.broadcast %parallel_loop3A_250 : i32 to vector<16xi32>
        %parallel_loop3A_252 = arith.shli %parallel_loop3A_246, %parallel_loop3A_251 : vector<16xi32>
        %parallel_loop3A_253 = vector.bitcast %parallel_loop3A_252 : vector<16xi32> to vector<16xf32>
        %parallel_loop3A_254 = arith.andi %parallel_loop3A_246, %parallel_loop3A_245 : vector<16xi32>
        %parallel_loop3A_255 = vector.bitcast %parallel_loop3A_254 : vector<16xi32> to vector<16xf32>
        %parallel_loop3A_256 = arith.subf %parallel_loop3A_255, %parallel_loop3A_253 : vector<16xf32>
        %parallel_loop3A_257 = arith.mulf %parallel_loop3A_207, %parallel_loop3A_256 : vector<16xf32>
        %parallel_loop3A_258 = arith.addf %parallel_loop3A_253, %parallel_loop3A_257 : vector<16xf32>
        %parallel_loop3A_259 = arith.constant 16 : i32
        %parallel_loop3A_260 = vector.broadcast %parallel_loop3A_259 : i32 to vector<16xi32>
        %parallel_loop3A_261 = arith.shli %parallel_loop3A_247, %parallel_loop3A_260 : vector<16xi32>
        %parallel_loop3A_262 = vector.bitcast %parallel_loop3A_261 : vector<16xi32> to vector<16xf32>
        %parallel_loop3A_263 = arith.andi %parallel_loop3A_247, %parallel_loop3A_245 : vector<16xi32>
        %parallel_loop3A_264 = vector.bitcast %parallel_loop3A_263 : vector<16xi32> to vector<16xf32>
        %parallel_loop3A_265 = arith.subf %parallel_loop3A_264, %parallel_loop3A_262 : vector<16xf32>
        %parallel_loop3A_266 = arith.mulf %parallel_loop3A_207, %parallel_loop3A_265 : vector<16xf32>
        %parallel_loop3A_267 = arith.addf %parallel_loop3A_262, %parallel_loop3A_266 : vector<16xf32>
        %parallel_loop3A_268 = arith.constant 16 : i32
        %parallel_loop3A_269 = vector.broadcast %parallel_loop3A_268 : i32 to vector<16xi32>
        %parallel_loop3A_270 = arith.shli %parallel_loop3A_248, %parallel_loop3A_269 : vector<16xi32>
        %parallel_loop3A_271 = vector.bitcast %parallel_loop3A_270 : vector<16xi32> to vector<16xf32>
        %parallel_loop3A_272 = arith.andi %parallel_loop3A_248, %parallel_loop3A_245 : vector<16xi32>
        %parallel_loop3A_273 = vector.bitcast %parallel_loop3A_272 : vector<16xi32> to vector<16xf32>
        %parallel_loop3A_274 = arith.subf %parallel_loop3A_273, %parallel_loop3A_271 : vector<16xf32>
        %parallel_loop3A_275 = arith.mulf %parallel_loop3A_207, %parallel_loop3A_274 : vector<16xf32>
        %parallel_loop3A_276 = arith.addf %parallel_loop3A_271, %parallel_loop3A_275 : vector<16xf32>
        %parallel_loop3A_277 = arith.constant 16 : i32
        %parallel_loop3A_278 = vector.broadcast %parallel_loop3A_277 : i32 to vector<16xi32>
        %parallel_loop3A_279 = arith.shli %parallel_loop3A_249, %parallel_loop3A_278 : vector<16xi32>
        %parallel_loop3A_280 = vector.bitcast %parallel_loop3A_279 : vector<16xi32> to vector<16xf32>
        %parallel_loop3A_281 = arith.andi %parallel_loop3A_249, %parallel_loop3A_245 : vector<16xi32>
        %parallel_loop3A_282 = vector.bitcast %parallel_loop3A_281 : vector<16xi32> to vector<16xf32>
        %parallel_loop3A_283 = arith.subf %parallel_loop3A_282, %parallel_loop3A_280 : vector<16xf32>
        %parallel_loop3A_284 = arith.mulf %parallel_loop3A_207, %parallel_loop3A_283 : vector<16xf32>
        %parallel_loop3A_285 = arith.addf %parallel_loop3A_280, %parallel_loop3A_284 : vector<16xf32>
        %parallel_loop3A_286 = arith.subf %parallel_loop3A_267, %parallel_loop3A_258 : vector<16xf32>
        %parallel_loop3A_287 = arith.mulf %parallel_loop3A_209, %parallel_loop3A_286 : vector<16xf32>
        %parallel_loop3A_288 = arith.addf %parallel_loop3A_258, %parallel_loop3A_287 : vector<16xf32>
        %parallel_loop3A_289 = arith.subf %parallel_loop3A_285, %parallel_loop3A_276 : vector<16xf32>
        %parallel_loop3A_290 = arith.mulf %parallel_loop3A_209, %parallel_loop3A_289 : vector<16xf32>
        %parallel_loop3A_291 = arith.addf %parallel_loop3A_276, %parallel_loop3A_290 : vector<16xf32>
        %parallel_loop3A_292 = arith.subf %parallel_loop3A_291, %parallel_loop3A_288 : vector<16xf32>
        %parallel_loop3A_293 = arith.mulf %parallel_loop3A_211, %parallel_loop3A_292 : vector<16xf32>
        %parallel_loop3A_294 = arith.addf %parallel_loop3A_288, %parallel_loop3A_293 : vector<16xf32>
        %parallel_loop3A_295 = arith.index_cast %parallel_loop3A_133 : i32 to index
        %parallel_loop3A_296 = tpu.vector_load %arg17[%parallel_loop3A_295] {strides = array<i32>} : memref<1296xf32, #tpu.memory_space<vmem>>, vector<16xf32>,
        tpu.vector_store %arg17[%parallel_loop3A_295], %parallel_loop3A_294 {strides = array<i32>} : memref<1296xf32, #tpu.memory_space<vmem>>, vector<16xf32>,
        %parallel_loop3A_297 = tpu.vector_load_idx %arg6[%parallel_loop3A_237] : memref<35944xi32, #tpu.memory_space<vmem>>[vector<16xi32>], vector<16xi32>,
        %parallel_loop3A_298 = tpu.vector_load_idx %arg6[%parallel_loop3A_239] : memref<35944xi32, #tpu.memory_space<vmem>>[vector<16xi32>], vector<16xi32>,
        %parallel_loop3A_299 = tpu.vector_load_idx %arg6[%parallel_loop3A_241] : memref<35944xi32, #tpu.memory_space<vmem>>[vector<16xi32>], vector<16xi32>,
        %parallel_loop3A_300 = tpu.vector_load_idx %arg6[%parallel_loop3A_243] : memref<35944xi32, #tpu.memory_space<vmem>>[vector<16xi32>], vector<16xi32>,
        %parallel_loop3A_301 = arith.constant 16 : i32
        %parallel_loop3A_302 = vector.broadcast %parallel_loop3A_301 : i32 to vector<16xi32>
        %parallel_loop3A_303 = arith.shli %parallel_loop3A_297, %parallel_loop3A_302 : vector<16xi32>
        %parallel_loop3A_304 = vector.bitcast %parallel_loop3A_303 : vector<16xi32> to vector<16xf32>
        %parallel_loop3A_305 = arith.andi %parallel_loop3A_297, %parallel_loop3A_245 : vector<16xi32>
        %parallel_loop3A_306 = vector.bitcast %parallel_loop3A_305 : vector<16xi32> to vector<16xf32>
        %parallel_loop3A_307 = arith.subf %parallel_loop3A_306, %parallel_loop3A_304 : vector<16xf32>
        %parallel_loop3A_308 = arith.mulf %parallel_loop3A_207, %parallel_loop3A_307 : vector<16xf32>
        %parallel_loop3A_309 = arith.addf %parallel_loop3A_304, %parallel_loop3A_308 : vector<16xf32>
        %parallel_loop3A_310 = arith.constant 16 : i32
        %parallel_loop3A_311 = vector.broadcast %parallel_loop3A_310 : i32 to vector<16xi32>
        %parallel_loop3A_312 = arith.shli %parallel_loop3A_298, %parallel_loop3A_311 : vector<16xi32>
        %parallel_loop3A_313 = vector.bitcast %parallel_loop3A_312 : vector<16xi32> to vector<16xf32>
        %parallel_loop3A_314 = arith.andi %parallel_loop3A_298, %parallel_loop3A_245 : vector<16xi32>
        %parallel_loop3A_315 = vector.bitcast %parallel_loop3A_314 : vector<16xi32> to vector<16xf32>
        %parallel_loop3A_316 = arith.subf %parallel_loop3A_315, %parallel_loop3A_313 : vector<16xf32>
        %parallel_loop3A_317 = arith.mulf %parallel_loop3A_207, %parallel_loop3A_316 : vector<16xf32>
        %parallel_loop3A_318 = arith.addf %parallel_loop3A_313, %parallel_loop3A_317 : vector<16xf32>
        %parallel_loop3A_319 = arith.constant 16 : i32
        %parallel_loop3A_320 = vector.broadcast %parallel_loop3A_319 : i32 to vector<16xi32>
        %parallel_loop3A_321 = arith.shli %parallel_loop3A_299, %parallel_loop3A_320 : vector<16xi32>
        %parallel_loop3A_322 = vector.bitcast %parallel_loop3A_321 : vector<16xi32> to vector<16xf32>
        %parallel_loop3A_323 = arith.andi %parallel_loop3A_299, %parallel_loop3A_245 : vector<16xi32>
        %parallel_loop3A_324 = vector.bitcast %parallel_loop3A_323 : vector<16xi32> to vector<16xf32>
        %parallel_loop3A_325 = arith.subf %parallel_loop3A_324, %parallel_loop3A_322 : vector<16xf32>
        %parallel_loop3A_326 = arith.mulf %parallel_loop3A_207, %parallel_loop3A_325 : vector<16xf32>
        %parallel_loop3A_327 = arith.addf %parallel_loop3A_322, %parallel_loop3A_326 : vector<16xf32>
        %parallel_loop3A_328 = arith.constant 16 : i32
        %parallel_loop3A_329 = vector.broadcast %parallel_loop3A_328 : i32 to vector<16xi32>
        %parallel_loop3A_330 = arith.shli %parallel_loop3A_300, %parallel_loop3A_329 : vector<16xi32>
        %parallel_loop3A_331 = vector.bitcast %parallel_loop3A_330 : vector<16xi32> to vector<16xf32>
        %parallel_loop3A_332 = arith.andi %parallel_loop3A_300, %parallel_loop3A_245 : vector<16xi32>
        %parallel_loop3A_333 = vector.bitcast %parallel_loop3A_332 : vector<16xi32> to vector<16xf32>
        %parallel_loop3A_334 = arith.subf %parallel_loop3A_333, %parallel_loop3A_331 : vector<16xf32>
        %parallel_loop3A_335 = arith.mulf %parallel_loop3A_207, %parallel_loop3A_334 : vector<16xf32>
        %parallel_loop3A_336 = arith.addf %parallel_loop3A_331, %parallel_loop3A_335 : vector<16xf32>
        %parallel_loop3A_337 = arith.subf %parallel_loop3A_318, %parallel_loop3A_309 : vector<16xf32>
        %parallel_loop3A_338 = arith.mulf %parallel_loop3A_209, %parallel_loop3A_337 : vector<16xf32>
        %parallel_loop3A_339 = arith.addf %parallel_loop3A_309, %parallel_loop3A_338 : vector<16xf32>
        %parallel_loop3A_340 = arith.subf %parallel_loop3A_336, %parallel_loop3A_327 : vector<16xf32>
        %parallel_loop3A_341 = arith.mulf %parallel_loop3A_209, %parallel_loop3A_340 : vector<16xf32>
        %parallel_loop3A_342 = arith.addf %parallel_loop3A_327, %parallel_loop3A_341 : vector<16xf32>
        %parallel_loop3A_343 = arith.subf %parallel_loop3A_342, %parallel_loop3A_339 : vector<16xf32>
        %parallel_loop3A_344 = arith.mulf %parallel_loop3A_211, %parallel_loop3A_343 : vector<16xf32>
        %parallel_loop3A_345 = arith.addf %parallel_loop3A_339, %parallel_loop3A_344 : vector<16xf32>
        %parallel_loop3A_346 = arith.index_cast %parallel_loop3A_133 : i32 to index
        %parallel_loop3A_347 = tpu.vector_load %arg18[%parallel_loop3A_346] {strides = array<i32>} : memref<1296xf32, #tpu.memory_space<vmem>>, vector<16xf32>,
        tpu.vector_store %arg18[%parallel_loop3A_346], %parallel_loop3A_345 {strides = array<i32>} : memref<1296xf32, #tpu.memory_space<vmem>>, vector<16xf32>,
        %parallel_loop3A_348 = tpu.vector_load_idx %arg7[%parallel_loop3A_237] : memref<35944xi32, #tpu.memory_space<vmem>>[vector<16xi32>], vector<16xi32>,
        %parallel_loop3A_349 = tpu.vector_load_idx %arg7[%parallel_loop3A_239] : memref<35944xi32, #tpu.memory_space<vmem>>[vector<16xi32>], vector<16xi32>,
        %parallel_loop3A_350 = tpu.vector_load_idx %arg7[%parallel_loop3A_241] : memref<35944xi32, #tpu.memory_space<vmem>>[vector<16xi32>], vector<16xi32>,
        %parallel_loop3A_351 = tpu.vector_load_idx %arg7[%parallel_loop3A_243] : memref<35944xi32, #tpu.memory_space<vmem>>[vector<16xi32>], vector<16xi32>,
        %parallel_loop3A_352 = arith.constant 16 : i32
        %parallel_loop3A_353 = vector.broadcast %parallel_loop3A_352 : i32 to vector<16xi32>
        %parallel_loop3A_354 = arith.shli %parallel_loop3A_348, %parallel_loop3A_353 : vector<16xi32>
        %parallel_loop3A_355 = vector.bitcast %parallel_loop3A_354 : vector<16xi32> to vector<16xf32>
        %parallel_loop3A_356 = arith.andi %parallel_loop3A_348, %parallel_loop3A_245 : vector<16xi32>
        %parallel_loop3A_357 = vector.bitcast %parallel_loop3A_356 : vector<16xi32> to vector<16xf32>
        %parallel_loop3A_358 = arith.subf %parallel_loop3A_357, %parallel_loop3A_355 : vector<16xf32>
        %parallel_loop3A_359 = arith.mulf %parallel_loop3A_207, %parallel_loop3A_358 : vector<16xf32>
        %parallel_loop3A_360 = arith.addf %parallel_loop3A_355, %parallel_loop3A_359 : vector<16xf32>
        %parallel_loop3A_361 = arith.constant 16 : i32
        %parallel_loop3A_362 = vector.broadcast %parallel_loop3A_361 : i32 to vector<16xi32>
        %parallel_loop3A_363 = arith.shli %parallel_loop3A_349, %parallel_loop3A_362 : vector<16xi32>
        %parallel_loop3A_364 = vector.bitcast %parallel_loop3A_363 : vector<16xi32> to vector<16xf32>
        %parallel_loop3A_365 = arith.andi %parallel_loop3A_349, %parallel_loop3A_245 : vector<16xi32>
        %parallel_loop3A_366 = vector.bitcast %parallel_loop3A_365 : vector<16xi32> to vector<16xf32>
        %parallel_loop3A_367 = arith.subf %parallel_loop3A_366, %parallel_loop3A_364 : vector<16xf32>
        %parallel_loop3A_368 = arith.mulf %parallel_loop3A_207, %parallel_loop3A_367 : vector<16xf32>
        %parallel_loop3A_369 = arith.addf %parallel_loop3A_364, %parallel_loop3A_368 : vector<16xf32>
        %parallel_loop3A_370 = arith.constant 16 : i32
        %parallel_loop3A_371 = vector.broadcast %parallel_loop3A_370 : i32 to vector<16xi32>
        %parallel_loop3A_372 = arith.shli %parallel_loop3A_350, %parallel_loop3A_371 : vector<16xi32>
        %parallel_loop3A_373 = vector.bitcast %parallel_loop3A_372 : vector<16xi32> to vector<16xf32>
        %parallel_loop3A_374 = arith.andi %parallel_loop3A_350, %parallel_loop3A_245 : vector<16xi32>
        %parallel_loop3A_375 = vector.bitcast %parallel_loop3A_374 : vector<16xi32> to vector<16xf32>
        %parallel_loop3A_376 = arith.subf %parallel_loop3A_375, %parallel_loop3A_373 : vector<16xf32>
        %parallel_loop3A_377 = arith.mulf %parallel_loop3A_207, %parallel_loop3A_376 : vector<16xf32>
        %parallel_loop3A_378 = arith.addf %parallel_loop3A_373, %parallel_loop3A_377 : vector<16xf32>
        %parallel_loop3A_379 = arith.constant 16 : i32
        %parallel_loop3A_380 = vector.broadcast %parallel_loop3A_379 : i32 to vector<16xi32>
        %parallel_loop3A_381 = arith.shli %parallel_loop3A_351, %parallel_loop3A_380 : vector<16xi32>
        %parallel_loop3A_382 = vector.bitcast %parallel_loop3A_381 : vector<16xi32> to vector<16xf32>
        %parallel_loop3A_383 = arith.andi %parallel_loop3A_351, %parallel_loop3A_245 : vector<16xi32>
        %parallel_loop3A_384 = vector.bitcast %parallel_loop3A_383 : vector<16xi32> to vector<16xf32>
        %parallel_loop3A_385 = arith.subf %parallel_loop3A_384, %parallel_loop3A_382 : vector<16xf32>
        %parallel_loop3A_386 = arith.mulf %parallel_loop3A_207, %parallel_loop3A_385 : vector<16xf32>
        %parallel_loop3A_387 = arith.addf %parallel_loop3A_382, %parallel_loop3A_386 : vector<16xf32>
        %parallel_loop3A_388 = arith.subf %parallel_loop3A_369, %parallel_loop3A_360 : vector<16xf32>
        %parallel_loop3A_389 = arith.mulf %parallel_loop3A_209, %parallel_loop3A_388 : vector<16xf32>
        %parallel_loop3A_390 = arith.addf %parallel_loop3A_360, %parallel_loop3A_389 : vector<16xf32>
        %parallel_loop3A_391 = arith.subf %parallel_loop3A_387, %parallel_loop3A_378 : vector<16xf32>
        %parallel_loop3A_392 = arith.mulf %parallel_loop3A_209, %parallel_loop3A_391 : vector<16xf32>
        %parallel_loop3A_393 = arith.addf %parallel_loop3A_378, %parallel_loop3A_392 : vector<16xf32>
        %parallel_loop3A_394 = arith.subf %parallel_loop3A_393, %parallel_loop3A_390 : vector<16xf32>
        %parallel_loop3A_395 = arith.mulf %parallel_loop3A_211, %parallel_loop3A_394 : vector<16xf32>
        %parallel_loop3A_396 = arith.addf %parallel_loop3A_390, %parallel_loop3A_395 : vector<16xf32>
        %parallel_loop3A_397 = arith.index_cast %parallel_loop3A_133 : i32 to index
        %parallel_loop3A_398 = tpu.vector_load %arg19[%parallel_loop3A_397] {strides = array<i32>} : memref<1296xf32, #tpu.memory_space<vmem>>, vector<16xf32>,
        tpu.vector_store %arg19[%parallel_loop3A_397], %parallel_loop3A_396 {strides = array<i32>} : memref<1296xf32, #tpu.memory_space<vmem>>, vector<16xf32>,
      } {sc.loop_unroll_factor = 4 : i64, sc.parallel_access}
      %mul3A_116 = arith.constant 1296 : i32
      %mul3A_117 = arith.muli %add3A_88, %mul3A_116 : i32
      %add3A_118 = arith.addi %mul3A_2, %mul3A_117 : i32
      %add3A_119 = arith.constant 0 : i32
      %add3A_120 = arith.addi %add3A_119, %add3A_118 : i32
      %dma_start3A_121 = tpu.memref_slice %arg4[%add3A_120] : memref<6220800xf32, #tpu.memory_space<hbm>> -> memref<1296xf32, #tpu.memory_space<hbm>>
      %dma_start3A_122 = tpu.memref_slice %arg4[%add3A_120] : memref<6220800xf32, #tpu.memory_space<hbm>> -> memref<1296xf32, #tpu.memory_space<hbm>>
      tpu.enqueue_dma source(%arg17 : memref<1296xf32, #tpu.memory_space<vmem>>) target(%dma_start3A_122 : memref<1296xf32, #tpu.memory_space<hbm>>) target_semaphore(%arg23 : memref<!tpu.dma_semaphore, #tpu.memory_space<semaphore_mem>>)
      %add3A_123 = arith.constant 2073600 : i32
      %add3A_124 = arith.addi %add3A_123, %add3A_118 : i32
      %dma_start3A_125 = tpu.memref_slice %arg4[%add3A_124] : memref<6220800xf32, #tpu.memory_space<hbm>> -> memref<1296xf32, #tpu.memory_space<hbm>>
      %dma_start3A_126 = tpu.memref_slice %arg4[%add3A_124] : memref<6220800xf32, #tpu.memory_space<hbm>> -> memref<1296xf32, #tpu.memory_space<hbm>>
      tpu.enqueue_dma source(%arg18 : memref<1296xf32, #tpu.memory_space<vmem>>) target(%dma_start3A_126 : memref<1296xf32, #tpu.memory_space<hbm>>) target_semaphore(%arg23 : memref<!tpu.dma_semaphore, #tpu.memory_space<semaphore_mem>>)
      %add3A_127 = arith.constant 4147200 : i32
      %add3A_128 = arith.addi %add3A_127, %add3A_118 : i32
      %dma_start3A_129 = tpu.memref_slice %arg4[%add3A_128] : memref<6220800xf32, #tpu.memory_space<hbm>> -> memref<1296xf32, #tpu.memory_space<hbm>>
      %dma_start3A_130 = tpu.memref_slice %arg4[%add3A_128] : memref<6220800xf32, #tpu.memory_space<hbm>> -> memref<1296xf32, #tpu.memory_space<hbm>>
      tpu.enqueue_dma source(%arg19 : memref<1296xf32, #tpu.memory_space<vmem>>) target(%dma_start3A_130 : memref<1296xf32, #tpu.memory_space<hbm>>) target_semaphore(%arg23 : memref<!tpu.dma_semaphore, #tpu.memory_space<semaphore_mem>>)
    }
    %scan3A_19 = arith.constant 25 : i32
    %dma_wait3A = arith.constant 0 : i32
    %dma_wait3A_20 = tpu.memref_slice %arg4[%dma_wait3A] : memref<6220800xf32, #tpu.memory_space<hbm>> -> memref<1296xf32, #tpu.memory_space<hbm>>
    %dma_wait3A_21 = arith.constant 0 : i32
    %dma_wait3A_22 = tpu.memref_slice %arg4[%dma_wait3A_21] : memref<6220800xf32, #tpu.memory_space<hbm>> -> memref<1296xf32, #tpu.memory_space<hbm>>
    tpu.wait_dma2 semaphore(%arg22 : memref<!tpu.dma_semaphore, #tpu.memory_space<semaphore_mem>>) src(%arg14 : memref<1296xf32, #tpu.memory_space<vmem>>) dst(%dma_wait3A_22 : memref<1296xf32, #tpu.memory_space<hbm>>)
    %dma_wait3A_23 = arith.constant 0 : i32
    %dma_wait3A_24 = tpu.memref_slice %arg4[%dma_wait3A_23] : memref<6220800xf32, #tpu.memory_space<hbm>> -> memref<1296xf32, #tpu.memory_space<hbm>>
    %dma_wait3A_25 = arith.constant 0 : i32
    %dma_wait3A_26 = tpu.memref_slice %arg4[%dma_wait3A_25] : memref<6220800xf32, #tpu.memory_space<hbm>> -> memref<1296xf32, #tpu.memory_space<hbm>>
    tpu.wait_dma2 semaphore(%arg22 : memref<!tpu.dma_semaphore, #tpu.memory_space<semaphore_mem>>) src(%arg15 : memref<1296xf32, #tpu.memory_space<vmem>>) dst(%dma_wait3A_26 : memref<1296xf32, #tpu.memory_space<hbm>>)
    %dma_wait3A_27 = arith.constant 0 : i32
    %dma_wait3A_28 = tpu.memref_slice %arg4[%dma_wait3A_27] : memref<6220800xf32, #tpu.memory_space<hbm>> -> memref<1296xf32, #tpu.memory_space<hbm>>
    %dma_wait3A_29 = arith.constant 0 : i32
    %dma_wait3A_30 = tpu.memref_slice %arg4[%dma_wait3A_29] : memref<6220800xf32, #tpu.memory_space<hbm>> -> memref<1296xf32, #tpu.memory_space<hbm>>
    tpu.wait_dma2 semaphore(%arg22 : memref<!tpu.dma_semaphore, #tpu.memory_space<semaphore_mem>>) src(%arg16 : memref<1296xf32, #tpu.memory_space<vmem>>) dst(%dma_wait3A_30 : memref<1296xf32, #tpu.memory_space<hbm>>)
    %dma_wait3A_31 = arith.constant 0 : i32
    %dma_wait3A_32 = tpu.memref_slice %arg4[%dma_wait3A_31] : memref<6220800xf32, #tpu.memory_space<hbm>> -> memref<1296xf32, #tpu.memory_space<hbm>>
    %dma_wait3A_33 = arith.constant 0 : i32
    %dma_wait3A_34 = tpu.memref_slice %arg4[%dma_wait3A_33] : memref<6220800xf32, #tpu.memory_space<hbm>> -> memref<1296xf32, #tpu.memory_space<hbm>>
    tpu.wait_dma2 semaphore(%arg23 : memref<!tpu.dma_semaphore, #tpu.memory_space<semaphore_mem>>) src(%arg17 : memref<1296xf32, #tpu.memory_space<vmem>>) dst(%dma_wait3A_34 : memref<1296xf32, #tpu.memory_space<hbm>>)
    %dma_wait3A_35 = arith.constant 0 : i32
    %dma_wait3A_36 = tpu.memref_slice %arg4[%dma_wait3A_35] : memref<6220800xf32, #tpu.memory_space<hbm>> -> memref<1296xf32, #tpu.memory_space<hbm>>
    %dma_wait3A_37 = arith.constant 0 : i32
    %dma_wait3A_38 = tpu.memref_slice %arg4[%dma_wait3A_37] : memref<6220800xf32, #tpu.memory_space<hbm>> -> memref<1296xf32, #tpu.memory_space<hbm>>
    tpu.wait_dma2 semaphore(%arg23 : memref<!tpu.dma_semaphore, #tpu.memory_space<semaphore_mem>>) src(%arg18 : memref<1296xf32, #tpu.memory_space<vmem>>) dst(%dma_wait3A_38 : memref<1296xf32, #tpu.memory_space<hbm>>)
    %dma_wait3A_39 = arith.constant 0 : i32
    %dma_wait3A_40 = tpu.memref_slice %arg4[%dma_wait3A_39] : memref<6220800xf32, #tpu.memory_space<hbm>> -> memref<1296xf32, #tpu.memory_space<hbm>>
    %dma_wait3A_41 = arith.constant 0 : i32
    %dma_wait3A_42 = tpu.memref_slice %arg4[%dma_wait3A_41] : memref<6220800xf32, #tpu.memory_space<hbm>> -> memref<1296xf32, #tpu.memory_space<hbm>>
    tpu.wait_dma2 semaphore(%arg23 : memref<!tpu.dma_semaphore, #tpu.memory_space<semaphore_mem>>) src(%arg19 : memref<1296xf32, #tpu.memory_space<vmem>>) dst(%dma_wait3A_42 : memref<1296xf32, #tpu.memory_space<hbm>>)
    return
  }
}

</mosaic_0001>

<sc_bundles>
// kernel: kernel.3.cloned.1.call-start
scs
__scs_entry_jumppad:
0x0: {  	(pc) =	sbr.rel $0x88, $3  }
0x1: {  	(tag) =	ssettag $0x0;
	lr =	simm.s32 $0x1  }
0x2: {  	[smem:$0x3F9F] =	sst lr;
	_ =	strace $0xD0000000  }
0x3: {  	_ = 	snop  }
0x4: {  	_ = 	snop  }
0x5: {  	_ = 	snop  }
0x6: {  	_ = 	snop  }
0x7: {  	_ = 	snop  }
__scs_overlays_trampoline_lowered:
0x8: {  	[smem:$0x3FAE] =	sst s0  }
0x9: {  	[smem:$0x3FAF] =	sst s1  }
0xa: {  	[smem:$0x3FB0] =	sst s2  }
0xb: {  	[smem:$0x3FB1] =	sst s3  }
0xc: {  	[smem:$0x3FB2] =	sst s4  }
0xd: {  	[smem:$0x3FB3] =	sst s5  }
0xe: {  	[smem:$0x3FB4] =	sst s6  }
0xf: {  	[smem:$0x3FB5] =	sst s7  }
0x10: {  	[smem:$0x3FB6] =	sst s8  }
0x11: {  	[smem:$0x3FB7] =	sst s9;
	s0 =	simm.s32 @!p0 $0x0  }
0x12: {  	s1 =	sld [smem:$0x3F9D];
	s0 =	simm.s32 @p0 $0x1  }
0x13: {  	[smem:$0x3FB8] =	sst s0;
	s0 =	simm.s32 @!p1 $0x0  }
0x14: {  	s2 =	sld [smem:$0x3F9C];
	s0 =	simm.s32 @p1 $0x1  }
0x15: {  	[smem:$0x3FB9] =	sst s0;
	s0 =	simm.s32 @!p2 $0x0  }
0x16: {  	s3 =	sld [smem:$0x3FDB];
	s0 =	simm.s32 @p2 $0x1  }
0x17: {  	s4 =	simm.s32 $0x1BF5;
	[smem:$0x3FBB] =	sst s0  }
0x18: {  	s0 =	sld [smem:$0x3F9E];
	_ =	swait.ge [sflag:s4], $0x0  }
0x19: {  	s7 =	sld [smem:$0x3F9F]  }
0x1a: {  	s8 =	sadd.s32 $0xFFFFE003, lr  }
0x1b: {  	s9 =	sadd.s32 $0xFFFFFEF7, lr;
	s5 =	simm.s32 $0xFFFFFFFF;
	p2 =	slt.u32 s8, $0xFFFFF086  }
0x1c: {  	p1 =	slt.u32 s9, $0xF7A;
	s5 =	simm.s32 @!p2 $0x0  }
0x1d: {  	s5 =	simm.s32 @p1 $0x1;
	p0 =	seq.s32 s7, s2  }
0x1e: {  	s7 =	smul.u32 @!p0 $0xF7A, s2;
	p2 =	seq.s32 @!p0 s5, $0x0  }
0x1f: {  	s9 =	smul.u32 $0xF7A, s1;
	s8 =	simm.s32 @!p0 $0x1BF5;
	p2 =	por !p2, p0  }
0x20: {  	[sflag:s8] =	ssyncset.s32 @!p0 $0xFFFFF086;
	s6 =	sadd.s32 @!p0 s3, s7;
	s7 =	simm.s32 @!p0 $0x108  }
0x21: {  	s3 =	sadd.s32 s3, s9;
	s6 =	sadd.s32 @!p0 $0x88, s6;
	s7 =	simm.s32 @p2 $0x1082  }
0x22: {  	[simem:s7], [sflag:s8] =	dma.local @!p0 [hbm:s6], $0xF7A  }
0x23: {  	s9 =	sor.u32 $0xD0000000, s2;
	s6 =	simm.s32 $0x108;
	_ =	swait.ge @!p0 [sflag:s8], $0x0  }
0x24: {  	s3 =	sadd.s32 $0x88, s3;
	s6 =	simm.s32 @!p1 $0x1082;
	[sflag:s4] =	ssyncset.s32 $0xFFFFF086  }
0x25: {  	[simem:s6], [sflag:s4] =	dma.local [hbm:s3], $0xF7A  }
0x26: {  	[smem:$0x3F9F] =	sst s1;
	(tag) =	ssettag s2;
	_ =	strace s9  }
0x27: {  	s1 =	sld [smem:$0x3FAF]  }
0x28: {  	s2 =	sld [smem:$0x3FB0]  }
0x29: {  	s4 =	sld [smem:$0x3FB2]  }
0x2a: {  	p0 =	seq.s32 s5, $0x0;
	s5 =	sld [smem:$0x3FB3]  }
0x2b: {  	s6 =	sld [smem:$0x3FB4]  }
0x2c: {  	s7 =	sld [smem:$0x3FB5]  }
0x2d: {  	s3 =	simm.s32 $0x108;
	s8 =	sld [smem:$0x3FB6]  }
0x2e: {  	s3 =	simm.s32 @!p0 $0x1082;
	s9 =	sld [smem:$0x3FB7]  }
0x2f: {  	lr =	sadd.s32 s0, s3;
	s0 =	sld [smem:$0x3FAE]  }
0x30: {  	s3 =	sld [smem:$0x3FB1]  }
0x31: {  	[smem:$0x3FBA] =	sst s10  }
0x32: {  	s10 =	sld [smem:$0x3FB8];
	_ =	sdelay $0x3  }
0x33: {  	p0 =	seq.s32 s10, $0x1;
	s10 =	sld [smem:$0x3FBA];
	_ =	sdelay $0x3  }
0x34: {  	[smem:$0x3FBA] =	sst s10  }
0x35: {  	s10 =	sld [smem:$0x3FB9];
	_ =	sdelay $0x3  }
0x36: {  	p1 =	seq.s32 s10, $0x1;
	s10 =	sld [smem:$0x3FBA];
	_ =	sdelay $0x3  }
0x37: {  	[smem:$0x3FBA] =	sst s10  }
0x38: {  	s10 =	sld [smem:$0x3FBB]  }
0x39: {  	_ = 	snop;
	(pc) =	sbr.ind lr, $3  }
0x3a: {  	_ = 	snop  }
0x3b: {  	_ = 	snop  }
0x3c: {  	p2 =	seq.s32 s10, $0x1;
	s10 =	sld [smem:$0x3FBA]  }
0x3d: {  	_ =	shalt  }
0x3e: {  	_ =	shalt  }
0x3f: {  	_ =	shalt  }
0x40: {  	_ =	shalt  }
0x41: {  	_ =	shalt  }
0x42: {  	_ =	shalt  }
0x43: {  	_ =	shalt  }
0x44: {  	_ =	shalt  }
0x45: {  	_ =	shalt  }
0x46: {  	_ =	shalt  }
0x47: {  	_ =	shalt  }
0x48: {  	_ =	shalt  }
0x49: {  	_ =	shalt  }
0x4a: {  	_ =	shalt  }
0x4b: {  	_ =	shalt  }
0x4c: {  	_ =	shalt  }
0x4d: {  	_ =	shalt  }
0x4e: {  	_ =	shalt  }
0x4f: {  	_ =	shalt  }
0x50: {  	_ =	shalt  }
0x51: {  	_ =	shalt  }
0x52: {  	_ =	shalt  }
0x53: {  	_ =	shalt  }
0x54: {  	_ =	shalt  }
0x55: {  	_ =	shalt  }
0x56: {  	_ =	shalt  }
0x57: {  	_ =	shalt  }
0x58: {  	_ =	shalt  }
0x59: {  	_ =	shalt  }
0x5a: {  	_ =	shalt  }
0x5b: {  	_ =	shalt  }
0x5c: {  	_ =	shalt  }
0x5d: {  	_ =	shalt  }
0x5e: {  	_ =	shalt  }
0x5f: {  	_ =	shalt  }
0x60: {  	_ =	shalt  }
0x61: {  	_ =	shalt  }
0x62: {  	_ =	shalt  }
0x63: {  	_ =	shalt  }
0x64: {  	_ =	shalt  }
0x65: {  	_ =	shalt  }
0x66: {  	_ =	shalt  }
0x67: {  	_ =	shalt  }
0x68: {  	_ =	shalt  }
0x69: {  	_ =	shalt  }
0x6a: {  	_ =	shalt  }
0x6b: {  	_ =	shalt  }
0x6c: {  	_ =	shalt  }
0x6d: {  	_ =	shalt  }
0x6e: {  	_ =	shalt  }
0x6f: {  	_ =	shalt  }
0x70: {  	_ =	shalt  }
0x71: {  	_ =	shalt  }
0x72: {  	_ =	shalt  }
0x73: {  	_ =	shalt  }
0x74: {  	_ =	shalt  }
0x75: {  	_ =	shalt  }
0x76: {  	_ =	shalt  }
0x77: {  	_ =	shalt  }
0x78: {  	_ =	shalt  }
0x79: {  	_ =	shalt  }
0x7a: {  	_ =	shalt  }
0x7b: {  	_ =	shalt  }
0x7c: {  	_ =	shalt  }
0x7d: {  	_ =	shalt  }
0x7e: {  	_ =	shalt  }
0x7f: {  	_ =	shalt  }
0x80: {  	_ =	shalt  }
0x81: {  	_ =	shalt  }
0x82: {  	_ =	shalt  }
0x83: {  	_ =	shalt  }
0x84: {  	_ =	shalt  }
0x85: {  	_ =	shalt  }
0x86: {  	_ =	shalt  }
0x87: {  	_ =	shalt  }
.Lfunc_end0:
.L_simem_size_0:
called_computation_lowered:
.L_overlay_start_0:
0x88: {  	s2 =	sld [smem:$0x3FD9]  }
0x89: {  	s3 =	sld [smem:$0x3FFE];
	_ =	sdelay $0x1  }
0x8a: {  	s1 =	srdreg.scid  }
0x8b: {  	s0 =	sand.u32 $0x1, s1  }
0x8c: {  	s14 =	sshll.u32 s0, $0xA;
	s2 =	sadd.s32 s3, s2  }
0x8d: {  	s2 =	sadd.s32 s2, s14  }
0x8e: {  	[smem:$0x3FC6] =	sst s2  }
0x8f: {  	_ = 	snop  }
0x90: {  	s2 =	sld [smem:$0x3FD0];
	_ =	sdelay $0x2  }
0x91: {  	s15 =	simm.s32 $0xA;
	s4 =	simm.s32 $0x10  }
0x92: {  	[smem:s4], [sflag:s15] =	dma.local [hbm:s2], $0x1  }
0x93: {  	_ =	swait.eq [sflag:s15], $0x1  }
0x94: {  	[sflag:s15] =	ssyncset.done $0x0  }
0x95: {  	[sflag:s15] =	ssyncadd.s32 $0xFFFFFFFF  }
0x96: {  	s16 =	sld [smem:$0x11];
	(tm) =	ssettm $0x1  }
0x97: {  	s17 =	sld [smem:$0x3FFB];
	_ =	sdelay $0x3  }
0x98: {  	_ =	strace s17  }
0x99: {  	s3 =	sld [smem:$0x3FFC];
	_ =	sdelay $0x3  }
0x9a: {  	_ =	strace s3  }
0x9b: {  	s3 =	sld [smem:$0x3FFD];
	_ =	sdelay $0x3  }
0x9c: {  	_ =	strace s3  }
0x9d: {  	_ =	strace $0x8FFFFFFF  }
0x9e: {  	s18 =	sld [smem:$0x3FDB];
	_ =	sdelay $0x1  }
0x9f: {  	s19 =	simm.s32 $_scs_section_size  }
0xa0: {  	s5 =	simm.s32 $_size__tile_overlayer_lowered;
	s6 =	simm.s32 $_tile_overlayer_lowered  }
0xa1: {  	s22 =	simm.s32 $0x1BFF;
	s21 =	sshll.u32 s6, $0x1;
	s3 =	sadd.s32 s19, s18  }
0xa2: {  	s7 =	simm.s32 $0x0;
	s20 =	sshll.u32 s5, $0x1;
	s5 =	sadd.s32 s21, s3  }
0xa3: {  	[timem:s7], [sflag:s22] =	dma.local [hbm:s5], s20  }
0xa4: {  	_ =	swait.ge [sflag:s22], s20  }
0xa5: {  	s4 =	ssub.s32 $0x0, s20;
	[sflag:s22] =	ssyncset.done $0x0  }
0xa6: {  	[sflag:s22] =	ssyncadd.s32 s4;
	_ =	sdelay $0x1  }
0xa7: {  	s23 =	simm.s32 $0x1B8B  }
0xa8: {  	_ =	swait.ge [sflag:s23], $0x1  }
0xa9: {  	[sflag:s23] =	ssyncset.done $0x0  }
0xaa: {  	s25 =	simm.s32 $0x1B8E;
	s24 =	sld [smem:$0x3FFE];
	[sflag:s23] =	ssyncadd.s32 $0xFFFFFFFF  }
0xab: {  	s26 =	simm.s32 $execute0_lowered;
	[smem:$0x3FD2] =	sst s25  }
0xac: {  	s5 =	sshll.u32 s26, $0x1;
	_ =	strace $0x80000046;
	[dreg:$0x1] =	wrdreg $0xFFFFFFFF  }
0xad: {  	s28 =	simm.s32 $_size_execute0_lowered;
	s3 =	sadd.s32 s3, s5;
	[dreg:$0x0] =	wrdreg $0x0  }
0xae: {  	s5 =	sshll.u32 s28, $0x1;
	[dreg:$0x2] =	wrdreg s3  }
0xaf: {  	[dreg:$0x3] =	wrdreg s5  }
0xb0: {  	[dreg:$0x4] =	wrdreg $0xC0  }
0xb1: {  	_ =	task [dreg:s7], $0x5FFFF  }
0xb2: {  	[dreg:$0x1] =	wrdreg $0xFFFFFFFF  }
0xb3: {  	[dreg:$0x0] =	wrdreg $0x60  }
0xb4: {  	[dreg:$0x2] =	wrdreg s24  }
0xb5: {  	[dreg:$0x3] =	wrdreg s16  }
0xb6: {  	[dreg:$0x4] =	wrdreg $0x9  }
0xb7: {  	_ =	task.clear_ibuf [dreg:s7], $0x5FFFF;
	_ =	strace $0x90000046  }
0xb8: {  	s29 =	simm.s32 $0x9;
	_ =	strace $0x80000048  }
0xb9: {  	_ =	swait.ge [sflag:s29], $0x1  }
0xba: {  	[sflag:s29] =	ssyncadd.s32 $0xFFFFFFFF  }
0xbb: {  	_ =	strace $0x90000048  }
0xbc: {  	_ =	sfence  }
0xbd: {  	s30 =	sld [smem:$0x0];
	_ =	sdelay $0x2  }
0xbe: {  	s31 =	sshll.u32 s1, $0xD;
	s1 =	sshrl.u32 s1, $0x2  }
0xbf: {  	s3 =	sand.u32 $0x4000, s31;
	s1 =	sadd.s32 s1, s30  }
0xc0: {  	s0 =	sor.u32 s3, s0;
	s1 =	sshll.u32 s1, $0x11  }
0xc1: {  	s0 =	sor.u32 s1, s0  }
0xc2: {  	s0 =	sadd.s32 $0x8F2B, s0  }
0xc3: {  	[sflag:s0] =	ssyncadd.remote.s32 $0x1  }
0xc4: {  	_ =	sfence.sel $0xFFFF  }
0xc5: {  	[dreg:$0x0] =	wrdreg $0xFFFFFFFF;
	(pc) =	sbr.abs _section_cstart, $3  }
0xc6: {  	[dreg:$0x1] =	wrdreg $0xFFFFFFFF  }
0xc7: {  	_ =	task.clear_ibuf [dreg:s7], $0x2FFFF;
	_ =	strace $0x9FFFFFFF  }
0xc8: {  	(tm) =	ssettm $0x7FFFFFFF  }
0xc9: {  	_ =	shalt  }
tec
execute0_lowered:
.L_overlay_start_1:
0x0: {  	(tag) =	ssettag $0x1  }
0x1: {  	s0 =	rddreg [dreg:$0x0];
	s1 =	srdreg.scid  }
0x2: {  	s3 =	stileid.u32;
	s2 =	rddreg [dreg:$0x1];
	s16 =	simm.s32 $0x8C80  }
0x3: {  	s17 =	simm.s32 $0x11900;
	s28 =	simm.s32 $0x1D180;
	s29 =	simm.s32 $0x2  }
0x4: {  	s30 =	simm.s32 $0x1D700;
	s1 =	sand.u32 $0x1, s1;
	s4 =	sshll.u32 s3, $0x1  }
0x5: {  	s3 =	simm.s32 $0x0;
	s5 =	sadd.s32 $0x600, s0;
	s6 =	sadd.s32 $0x3C00, s0  }
0x6: {  	s23 =	sadd.s32 $0x178D, s0;
	s0 =	sadd.s32 $0x291A, s0;
	[smem:$0x7FF] =	sst s3  }
0x7: {  	s4 =	sor.u32 s1, s4;
	_ =	strace $0x80000047;
	[dreg:$0x3] =	wrdreg s5  }
0x8: {  	s1 =	ssub.s32 $0x2, s1;
	s4 =	smul.u32 $0xFD20, s4;
	[dreg:$0x5] =	wrdreg s23  }
0x9: {  	s31 =	simm.s32 $0x1DC80;
	s21 =	sshrl.u32 s1, $0x1;
	[dreg:$0x6] =	wrdreg s0  }
0xa: {  	s23 =	simm.s32 $0x1C100;
	s1 =	ssub.s32 s1, s21;
	s7 =	sshrl.u32 s4, $0x3  }
0xb: {  	s12 =	sadd.s32 $0x510, s4;
	s13 =	sadd.s32 $0xA20, s4;
	s26 =	smax.u32 s1, $0x1  }
0xc: {  	s1 =	simm.s32 $0x1E200;
	s22 =	sadd.s32 s2, s7;
	[dreg:$0x9] =	wrdreg s26  }
0xd: {  	s26 =	simm.s32 $0x1CC00;
	s24 =	sadd.s32 $0x3F480, s22;
	[dreg:$0x4] =	wrdreg s22  }
0xe: {  	s7 =	simm.s32 $0x0;
	s25 =	sadd.s32 $0x7E900, s22;
	[dreg:$0x7] =	wrdreg s24  }
0xf: {  	[dreg:$0x8] =	wrdreg s25;
	s24 =	simm.s32 $0x1;
	s25 =	simm.s32 $0x1C680  }
.LBB2_1:
0x10: {  	[dreg:$0xa] =	wrdreg s7  }
0x11: {  	s0 =	rddreg [dreg:$0x3];
	s5 =	simm.s32 $0x5  }
0x12: {  	[tilespmem:s3], [sflag:$0x5] =	stream.linear.gather [hbm4b:s0+s3], $0x8C68, $0x38;
	[tilespmem:$0x1E780] =	vst v63  }
0x13: {  	_ =	swait.ge [sflag:s5], $0x8C68  }
0x14: {  	[sflag:s5] =	ssyncset.done $0x0  }
0x15: {  	s11 =	rddreg [dreg:$0x5];
	[sflag:s5] =	ssyncadd.s32 $0xFFFF7398  }
0x16: {  	[tilespmem:s16], [sflag:$0x5] =	stream.linear.gather [hbm4b:s11+s3], $0x8C68, $0x38;
	[tilespmem:$0x1E780] =	vst v63  }
0x17: {  	_ =	swait.ge [sflag:s5], $0x8C68  }
0x18: {  	[sflag:s5] =	ssyncset.done $0x0  }
0x19: {  	s14 =	rddreg [dreg:$0x6];
	[sflag:s5] =	ssyncadd.s32 $0xFFFF7398  }
0x1a: {  	[tilespmem:s17], [sflag:$0x5] =	stream.linear.gather [hbm4b:s14+s3], $0x8C68, $0x38;
	[tilespmem:$0x1E780] =	vst v63  }
0x1b: {  	_ =	swait.ge [sflag:s5], $0x8C68  }
0x1c: {  	[sflag:s5] =	ssyncset.done $0x0  }
0x1d: {  	s18 =	simm.s32 $0x1A580;
	s15 =	rddreg [dreg:$0x4];
	[sflag:s5] =	ssyncadd.s32 $0xFFFF7398  }
0x1e: {  	[tilespmem:s18], [sflag:$0x1] =	stream.linear.gather [hbm4b:s15+s3], $0x510, $0x38;
	[tilespmem:$0x1E780] =	vst v63  }
0x1f: {  	s20 =	simm.s32 $0x1AB00;
	s19 =	rddreg [dreg:$0x7]  }
0x20: {  	[tilespmem:s20], [sflag:$0x1] =	stream.linear.gather [hbm4b:s19+s3], $0x510, $0x38;
	[tilespmem:$0x1E780] =	vst v63  }
0x21: {  	s22 =	simm.s32 $0x1B080;
	s21 =	rddreg [dreg:$0x8];
	s20 =	simm.s32 $0x0  }
0x22: {  	[tilespmem:s22], [sflag:$0x1] =	stream.linear.gather [hbm4b:s21+s3], $0x510, $0x38;
	[tilespmem:$0x1E780] =	vst v63  }
.LBB2_2:
0x23: {  	s10 =	smul.u32 $0xA20, s20;
	_ =	sdelay $0x1  }
0x24: {  	s0 =	sadd.s32 s10, s12  }
0x25: {  	s5 =	sshrl.u32 s0, $0x3  }
0x26: {  	s7 =	simm.s32 $0x1B600;
	s0 =	sadd.s32 s2, s5;
	s8 =	sadd.s32 $0x3F480, s5  }
0x27: {  	[tilespmem:s7], [sflag:$0x2] =	stream.linear.gather [hbm4b:s0+s3], $0x510, $0x38;
	[tilespmem:$0x1E780] =	vst v63  }
0x28: {  	s11 =	simm.s32 $0x1BB80;
	s9 =	sadd.s32 s2, s8  }
0x29: {  	[tilespmem:s11], [sflag:$0x2] =	stream.linear.gather [hbm4b:s9+s3], $0x510, $0x38;
	[tilespmem:$0x1E780] =	vst v63  }
0x2a: {  	s9 =	sadd.s32 $0x7E900, s5  }
0x2b: {  	s14 =	sadd.s32 s2, s9  }
0x2c: {  	[tilespmem:s23], [sflag:$0x2] =	stream.linear.gather [hbm4b:s14+s3], $0x510, $0x38;
	[tilespmem:$0x1E780] =	vst v63  }
0x2d: {  	_ =	swait.ge [sflag:s24], $0x510  }
0x2e: {  	[sflag:s24] =	ssyncset.done $0x0  }
0x2f: {  	[sflag:s24] =	ssyncadd.s32 $0xFFFFFAF0  }
0x30: {  	_ =	swait.ge [sflag:s24], $0x510  }
0x31: {  	[sflag:s24] =	ssyncset.done $0x0  }
0x32: {  	[sflag:s24] =	ssyncadd.s32 $0xFFFFFAF0  }
0x33: {  	_ =	swait.ge [sflag:s24], $0x510  }
0x34: {  	p0 =	seq.s32 s20, $0x0;
	[sflag:s24] =	ssyncset.done $0x0  }
0x35: {  	s0 =	simm.s32 @!p0 $0x3;
	[sflag:s24] =	ssyncadd.s32 $0xFFFFFAF0  }
0x36: {  	_ =	swait.ge @!p0 [sflag:s0], $0x510  }
0x37: {  	[sflag:s0] =	ssyncset.done @!p0 $0x0  }
0x38: {  	[sflag:s0] =	ssyncadd.s32 @!p0 $0xFFFFFAF0  }
0x39: {  	_ =	swait.ge @!p0 [sflag:s0], $0x510  }
0x3a: {  	[sflag:s0] =	ssyncset.done @!p0 $0x0  }
0x3b: {  	[sflag:s0] =	ssyncadd.s32 @!p0 $0xFFFFFAF0  }
0x3c: {  	_ =	swait.ge @!p0 [sflag:s0], $0x510  }
0x3d: {  	[sflag:s0] =	ssyncset.done @!p0 $0x0  }
0x3e: {  	s15 =	simm.s32 $0x1AB20;
	[sflag:s0] =	ssyncadd.s32 @!p0 $0xFFFFFAF0  }
0x3f: {  	s11 =	simm.s32 $0x1B0A0;
	v0 =	vld [tilespmem:s15+$0x10]  }
0x40: {  	s18 =	simm.s32 $0x1A5A0;
	v1 =	vld [tilespmem:s11+$0x10]  }
0x41: {  	v2 =	vld [tilespmem:s18+$0x10]  }
0x42: {  	v3 =	vld [tilespmem:s15+$0xFFFFFFE0]  }
0x43: {  	v4 =	vld [tilespmem:s15+$0xFFFFFFF0]  }
0x44: {  	v5 =	vld [tilespmem:s15+$0x0]  }
0x45: {  	v6 =	vld [tilespmem:s11+$0xFFFFFFE0]  }
0x46: {  	v7 =	vld [tilespmem:s11+$0xFFFFFFF0]  }
0x47: {  	v8 =	vld [tilespmem:s11+$0x0]  }
0x48: {  	v16 =	vld [tilespmem:s18+$0xFFFFFFE0]  }
0x49: {  	v19 =	vld [tilespmem:s18+$0x0];
	v0 =	vadd.f32 $-5.000000000e-01, v0  }
0x4a: {  	v1 =	vadd.f32 $-5.000000000e-01, v1;
	v2 =	vadd.f32 $-5.000000000e-01, v2  }
0x4b: {  	v3 =	vadd.f32 $-5.000000000e-01, v3;
	v4 =	vadd.f32 $-5.000000000e-01, v4  }
0x4c: {  	v5 =	vadd.f32 $-5.000000000e-01, v5;
	v6 =	vadd.f32 $-5.000000000e-01, v6  }
0x4d: {  	v7 =	vadd.f32 $-5.000000000e-01, v7;
	v8 =	vadd.f32 $-5.000000000e-01, v8  }
0x4e: {  	v16 =	vadd.f32 $-5.000000000e-01, v16;
	v19 =	vadd.f32 $-5.000000000e-01, v19  }
0x4f: {  	v0 =	vadd.f32 v0, v0;
	v1 =	vadd.f32 v1, v1  }
0x50: {  	v2 =	vadd.f32 v2, v2;
	v3 =	vadd.f32 v3, v3  }
0x51: {  	v4 =	vadd.f32 v4, v4;
	v0 =	vadd.f32 $1.000000000e+00, v0  }
0x52: {  	v5 =	vadd.f32 v5, v5;
	v1 =	vadd.f32 $1.000000000e+00, v1  }
0x53: {  	v6 =	vadd.f32 v6, v6;
	v2 =	vadd.f32 $1.000000000e+00, v2;
	v0 =	vmul.f32 $5.000000000e-01, v0  }
0x54: {  	v12 =	vadd.f32 v7, v7;
	v13 =	vadd.f32 v8, v8;
	v1 =	vmul.f32 $5.000000000e-01, v1  }
0x55: {  	v16 =	vadd.f32 v16, v16;
	v2 =	vmul.f32 $5.000000000e-01, v2;
	v0 =	vmul.f32 $3.200000000e+01, v0  }
0x56: {  	v19 =	vadd.f32 v19, v19;
	v3 =	vadd.f32 $1.000000000e+00, v3;
	v1 =	vmul.f32 $3.200000000e+01, v1  }
0x57: {  	v4 =	vadd.f32 $1.000000000e+00, v4;
	v2 =	vmul.f32 $3.200000000e+01, v2;
	v0 =	vmax.f32 v0, $0.0e+00  }
0x58: {  	v5 =	vadd.f32 $1.000000000e+00, v5;
	v1 =	vmax.f32 v1, $0.0e+00;
	v0 =	vmin.f32 v0, $3.200000000e+01  }
0x59: {  	v2 =	vmax.f32 v2, $0.0e+00;
	v1 =	vmin.f32 v1, $3.200000000e+01;
	v9 =	vtrunc.f32 v0  }
0x5a: {  	v2 =	vmin.f32 v2, $3.200000000e+01;
	v55 =	vtrunc.f32 v1;
	v11 =	vcvt.f32.s32 v9  }
0x5b: {  	v6 =	vadd.f32 $1.000000000e+00, v6;
	v56 =	vtrunc.f32 v2;
	v14 =	vcvt.f32.s32 v55  }
0x5c: {  	v12 =	vadd.f32 $1.000000000e+00, v12;
	v15 =	vcvt.f32.s32 v56;
	v57 =	vadd.s32 $0x1, v11  }
0x5d: {  	v58 =	vadd.s32 $0x1, v14;
	v59 =	vmul.u32 $0x21, v11;
	vm0 =	vlt.s32 v57, $0x20  }
0x5e: {  	v10 =	vmul.u32 $0x441, v14;
	vm15 =	vlt.s32 v58, $0x20;
	v7 =	vnsel vm0, $0x20, v57  }
0x5f: {  	v8 =	vnsel vm15, $0x20, v58;
	v60 =	vadd.s32 v15, v59;
	v17 =	vmul.u32 $0x21, v7  }
0x60: {  	v18 =	vld [tilespmem:s18+$0xFFFFFFF0];
	v8 =	vmul.u32 $0x441, v8;
	v9 =	vadd.s32 v10, v60;
	v10 =	vadd.s32 v15, v10  }
0x61: {  	v13 =	vadd.f32 $1.000000000e+00, v13;
	v16 =	vadd.f32 $1.000000000e+00, v16;
	v10 =	vadd.s32 v17, v10  }
0x62: {  	v3 =	vmul.f32 $5.000000000e-01, v3;
	v7 =	vadd.s32 v8, v60;
	v17 =	vadd.s32 v15, v17  }
0x63: {  	v4 =	vmul.f32 $5.000000000e-01, v4;
	v6 =	vmul.f32 $5.000000000e-01, v6;
	v8 =	vadd.s32 v8, v17  }
0x64: {  	v19 =	vadd.f32 $1.000000000e+00, v19;
	v5 =	vmul.f32 $5.000000000e-01, v5;
	v12 =	vmul.f32 $5.000000000e-01, v12  }
0x65: {  	v13 =	vmul.f32 $5.000000000e-01, v13;
	v16 =	vmul.f32 $5.000000000e-01, v16;
	v17 =	vadd.f32 $-5.000000000e-01, v18;
	v18 =	vld.idx.msk [tilespmem:v9+s3+$0x0], $0xffff  }
0x66: {  	v19 =	vmul.f32 $5.000000000e-01, v19;
	v3 =	vmul.f32 $3.200000000e+01, v3;
	v20 =	vld.idx.msk [tilespmem:v10+s3+$0x0], $0xffff  }
0x67: {  	v4 =	vmul.f32 $3.200000000e+01, v4;
	v23 =	vmul.f32 $3.200000000e+01, v6;
	v21 =	vld.idx.msk [tilespmem:v7+s3+$0x0], $0xffff  }
0x68: {  	v5 =	vmul.f32 $3.200000000e+01, v5;
	v26 =	vmul.f32 $3.200000000e+01, v13;
	v22 =	vld.idx.msk [tilespmem:v8+s3+$0x0], $0xffff  }
0x69: {  	v16 =	vmul.f32 $3.200000000e+01, v16;
	v61 =	vcvt.s32.f32 v15  }
0x6a: {  	v15 =	vmul.f32 $3.200000000e+01, v12;
	v12 =	vshll.u32 v18, $0x10;
	v18 =	vand.u32 $0xFFFF0000, v18  }
0x6b: {  	v6 =	vsub.f32 v2, v61;
	v62 =	vsub.f32 v18, v12;
	v18 =	vshll.u32 v20, $0x10  }
0x6c: {  	v20 =	vand.u32 $0xFFFF0000, v20;
	v24 =	vshll.u32 v21, $0x10;
	v21 =	vand.u32 $0xFFFF0000, v21  }
0x6d: {  	v20 =	vsub.f32 v20, v18;
	v25 =	vshll.u32 v22, $0x10;
	v22 =	vand.u32 $0xFFFF0000, v22  }
0x6e: {  	v19 =	vmul.f32 $3.200000000e+01, v19;
	v13 =	vsub.f32 v21, v24;
	v21 =	vsub.f32 v22, v25  }
0x6f: {  	v3 =	vmax.f32 v3, $0.0e+00;
	v2 =	vmul.f32 v6, v62;
	v20 =	vmul.f32 v6, v20  }
0x70: {  	v17 =	vadd.f32 v17, v17;
	v13 =	vmul.f32 v6, v13;
	v21 =	vmul.f32 v6, v21  }
0x71: {  	v11 =	vcvt.s32.f32 v11;
	v2 =	vadd.f32 v12, v2;
	v12 =	vadd.f32 v18, v20  }
0x72: {  	v4 =	vmax.f32 v4, $0.0e+00;
	v18 =	vadd.f32 v24, v13;
	v13 =	vadd.f32 v25, v21  }
0x73: {  	v5 =	vmax.f32 v5, $0.0e+00;
	v0 =	vsub.f32 v0, v11;
	v17 =	vadd.f32 $1.000000000e+00, v17  }
0x74: {  	v16 =	vmax.f32 v16, $0.0e+00;
	v20 =	vsub.f32 v12, v2;
	v21 =	vsub.f32 v13, v18  }
0x75: {  	v19 =	vmax.f32 v19, $0.0e+00;
	v63 =	vmin.f32 v4, $3.200000000e+01;
	v17 =	vmul.f32 $5.000000000e-01, v17  }
0x76: {  	v19 =	vmin.f32 v19, $3.200000000e+01;
	v42 =	vmul.f32 v20, v0;
	v43 =	vmul.f32 v21, v0  }
0x77: {  	v16 =	vmin.f32 v16, $3.200000000e+01;
	v38 =	vtrunc.f32 v19;
	v17 =	vmul.f32 $3.200000000e+01, v17  }
0x78: {  	v14 =	vcvt.s32.f32 v14;
	v4 =	vadd.f32 v42, v2;
	v44 =	vadd.f32 v43, v18  }
0x79: {  	v32 =	vtrunc.f32 v16;
	v38 =	vcvt.f32.s32 v38;
	v17 =	vmax.f32 v17, $0.0e+00  }
0x7a: {  	v1 =	vsub.f32 v1, v14;
	v17 =	vmin.f32 v17, $3.200000000e+01;
	v2 =	vsub.f32 v44, v4  }
0x7b: {  	v13 =	vmin.f32 v3, $3.200000000e+01;
	v20 =	vmax.f32 v15, $0.0e+00;
	v21 =	vtrunc.f32 v63  }
0x7c: {  	v3 =	vmin.f32 v20, $3.200000000e+01;
	v20 =	vcvt.f32.s32 v21;
	v21 =	vmul.f32 v2, v1  }
0x7d: {  	v41 =	vmax.f32 v23, $0.0e+00;
	v57 =	vcvt.s32.f32 v38;
	v37 =	vtrunc.f32 v17  }
0x7e: {  	v15 =	vmin.f32 v41, $3.200000000e+01;
	v41 =	vcvt.f32.s32 v32;
	v4 =	vadd.f32 v21, v4  }
0x7f: {  	s19 =	simm.s32 $0x1C6A0;
	v45 =	vmax.f32 v26, $0.0e+00;
	v46 =	vtrunc.f32 v15;
	v22 =	vtrunc.f32 v3  }
0x80: {  	v29 =	vcvt.f32.s32 v46;
	v18 =	vtrunc.f32 v13;
	v2 =	vmin.f32 v45, $3.200000000e+01;
	[tilespmem:s19+$0x10] =	vst v4  }
0x81: {  	v12 =	vmin.f32 v5, $3.200000000e+01;
	v5 =	vcvt.f32.s32 v22;
	v23 =	vtrunc.f32 v2;
	v22 =	vld.idx.msk [tilespmem:v9+s16+$0x0], $0xffff  }
0x82: {  	v14 =	vcvt.f32.s32 v18;
	v4 =	vcvt.f32.s32 v23;
	v23 =	vld.idx.msk [tilespmem:v10+s16+$0x0], $0xffff  }
0x83: {  	v18 =	vtrunc.f32 v12;
	v24 =	vadd.s32 $0x1, v20;
	v26 =	vadd.s32 $0x1, v29;
	v27 =	vld.idx.msk [tilespmem:v7+s16+$0x0], $0xffff  }
0x84: {  	v48 =	vmul.u32 $0x441, v29;
	v49 =	vmul.u32 $0x21, v20;
	v18 =	vcvt.f32.s32 v18;
	v30 =	vld.idx.msk [tilespmem:v8+s16+$0x0], $0xffff  }
0x85: {  	vm1 =	vlt.s32 v24, $0x20;
	v28 =	vadd.s32 $0x1, v5;
	vm5 =	vlt.s32 v26, $0x20  }
0x86: {  	v50 =	vmul.u32 $0x441, v5;
	v24 =	vnsel vm1, $0x20, v24;
	vm6 =	vlt.s32 v28, $0x20  }
0x87: {  	v26 =	vnsel vm5, $0x20, v26;
	v47 =	vmul.u32 $0x21, v14;
	v33 =	vshll.u32 v22, $0x10  }
0x88: {  	v22 =	vand.u32 $0xFFFF0000, v22;
	v34 =	vshll.u32 v23, $0x10;
	v23 =	vand.u32 $0xFFFF0000, v23  }
0x89: {  	v35 =	vshll.u32 v27, $0x10;
	v27 =	vand.u32 $0xFFFF0000, v27;
	v36 =	vshll.u32 v30, $0x10  }
0x8a: {  	v30 =	vand.u32 $0xFFFF0000, v30;
	v22 =	vsub.f32 v22, v33;
	v23 =	vsub.f32 v23, v34  }
0x8b: {  	v56 =	vcvt.s32.f32 v14;
	v27 =	vsub.f32 v27, v35;
	v30 =	vsub.f32 v30, v36  }
0x8c: {  	v43 =	vadd.s32 v41, v48;
	v22 =	vmul.f32 v22, v6;
	v23 =	vmul.f32 v23, v6  }
0x8d: {  	v25 =	vadd.s32 $0x1, v18;
	v27 =	vmul.f32 v27, v6;
	v30 =	vmul.f32 v30, v6  }
0x8e: {  	v24 =	vmul.u32 $0x21, v24;
	v22 =	vadd.f32 v33, v22;
	v23 =	vadd.f32 v34, v23  }
0x8f: {  	v21 =	vadd.s32 $0x1, v14;
	v27 =	vadd.f32 v35, v27;
	v30 =	vadd.f32 v36, v30  }
0x90: {  	v28 =	vnsel vm6, $0x20, v28;
	v39 =	vmul.u32 $0x21, v18;
	vm4 =	vlt.s32 v21, $0x20  }
0x91: {  	v31 =	vadd.s32 $0x1, v4;
	v23 =	vsub.f32 v23, v22;
	v30 =	vsub.f32 v30, v27  }
0x92: {  	vm2 =	vlt.s32 v25, $0x20;
	v21 =	vnsel vm4, $0x20, v21;
	vm7 =	vlt.s32 v31, $0x20  }
0x93: {  	v31 =	vnsel vm7, $0x20, v31;
	v23 =	vmul.f32 v23, v0;
	v30 =	vmul.f32 v30, v0  }
0x94: {  	v53 =	vmul.u32 $0x441, v28;
	v21 =	vmul.u32 $0x21, v21;
	v42 =	vmul.u32 $0x441, v31  }
0x95: {  	v22 =	vadd.f32 v23, v22;
	v23 =	vadd.f32 v30, v27;
	v27 =	vmul.u32 $0x441, v26  }
0x96: {  	v34 =	vadd.s32 v21, v43;
	v30 =	vcvt.f32.s32 v37;
	v26 =	vadd.s32 v41, v21  }
0x97: {  	v31 =	vadd.s32 v41, v47;
	v23 =	vsub.f32 v23, v22;
	v32 =	vadd.s32 v27, v26  }
0x98: {  	v28 =	vadd.s32 v30, v24;
	v45 =	vadd.s32 v30, v50;
	v33 =	vadd.s32 v27, v31  }
0x99: {  	v44 =	vadd.s32 v30, v49;
	v26 =	vadd.s32 v53, v28;
	v28 =	vadd.s32 v24, v45  }
0x9a: {  	v25 =	vnsel vm2, $0x20, v25;
	v21 =	vcvt.s32.f32 v41;
	v27 =	vadd.s32 v53, v44  }
0x9b: {  	v25 =	vmul.u32 $0x21, v25;
	v40 =	vmul.u32 $0x441, v4;
	v58 =	vld.idx.msk [tilespmem:v34+s3+$0x0], $0xffff;
	v23 =	vmul.f32 v23, v1  }
0x9c: {  	v14 =	vsub.f32 v16, v21;
	v16 =	vcvt.s32.f32 v20;
	v20 =	vsub.f32 v19, v57;
	v19 =	vld.idx.msk [tilespmem:v32+s3+$0x0], $0xffff  }
0x9d: {  	v54 =	vadd.s32 v38, v25;
	v22 =	vadd.f32 v23, v22;
	v60 =	vld.idx.msk [tilespmem:v33+s3+$0x0], $0xffff  }
0x9e: {  	s21 =	simm.s32 $0x1CC20;
	v39 =	vadd.s32 v38, v39;
	v46 =	vadd.s32 v38, v40;
	v47 =	vadd.s32 v42, v54;
	v61 =	vld.idx.msk [tilespmem:v28+s3+$0x0], $0xffff  }
0x9f: {  	v35 =	vadd.s32 v48, v31;
	v31 =	vadd.s32 v42, v39;
	[tilespmem:s21+$0x10] =	vst v22;
	v22 =	vcvt.s32.f32 v30;
	v62 =	vld.idx.msk [tilespmem:v27+s3+$0x0], $0xffff  }
0xa0: {  	v53 =	vadd.s32 v25, v46;
	v24 =	vsub.f32 v13, v56;
	v13 =	vcvt.s32.f32 v29;
	v9 =	vld.idx.msk [tilespmem:v9+s17+$0x0], $0xffff  }
0xa1: {  	v29 =	vadd.s32 v40, v39;
	v55 =	vld.idx.msk [tilespmem:v10+s17+$0x0], $0xffff;
	v22 =	vsub.f32 v17, v22;
	v17 =	vcvt.s32.f32 v18  }
0xa2: {  	v25 =	vsub.f32 v63, v16;
	v36 =	vand.u32 $0xFFFF0000, v58;
	v23 =	vadd.s32 v50, v44;
	v7 =	vld.idx.msk [tilespmem:v7+s17+$0x0], $0xffff  }
0xa3: {  	v18 =	vld.idx.msk [tilespmem:v8+s17+$0x0], $0xffff;
	v8 =	vsub.f32 v15, v13;
	v10 =	vsub.f32 v12, v17;
	v39 =	vshll.u32 v19, $0x10  }
0xa4: {  	v19 =	vand.u32 $0xFFFF0000, v19;
	v57 =	vshll.u32 v60, $0x10;
	v38 =	vand.u32 $0xFFFF0000, v60  }
0xa5: {  	v40 =	vand.u32 $0xFFFF0000, v61;
	v60 =	vshll.u32 v62, $0x10;
	v41 =	vand.u32 $0xFFFF0000, v62  }
0xa6: {  	v19 =	vsub.f32 v19, v39;
	v38 =	vsub.f32 v38, v57;
	v13 =	vshll.u32 v9, $0x10  }
0xa7: {  	v12 =	vld.idx.msk [tilespmem:v26+s3+$0x0], $0xffff;
	v9 =	vand.u32 $0xFFFF0000, v9;
	v16 =	vshll.u32 v55, $0x10;
	v17 =	vand.u32 $0xFFFF0000, v55  }
0xa8: {  	v21 =	vshll.u32 v7, $0x10;
	v7 =	vand.u32 $0xFFFF0000, v7;
	v41 =	vsub.f32 v41, v60  }
0xa9: {  	v59 =	vshll.u32 v18, $0x10;
	v9 =	vsub.f32 v9, v13;
	v17 =	vsub.f32 v17, v16  }
0xaa: {  	v15 =	vld.idx.msk [tilespmem:v47+s3+$0x0], $0xffff;
	v18 =	vand.u32 $0xFFFF0000, v18;
	v7 =	vsub.f32 v7, v21;
	v19 =	vmul.f32 v14, v19  }
0xab: {  	v38 =	vmul.f32 v14, v38;
	v18 =	vsub.f32 v18, v59;
	v62 =	vmul.f32 v22, v41  }
0xac: {  	v55 =	vld.idx.msk [tilespmem:v53+s3+$0x0], $0xffff;
	v9 =	vmul.f32 v9, v6;
	v17 =	vmul.f32 v17, v6;
	v63 =	vshll.u32 v12, $0x10  }
0xad: {  	v7 =	vmul.f32 v7, v6;
	v12 =	vand.u32 $0xFFFF0000, v12;
	v19 =	vadd.f32 v39, v19  }
0xae: {  	v38 =	vadd.f32 v57, v38;
	v6 =	vmul.f32 v18, v6;
	v12 =	vsub.f32 v12, v63  }
0xaf: {  	[tilespmem:$0x1FFB0] =	vst v53;
	v9 =	vadd.f32 v13, v9;
	v13 =	vadd.f32 v16, v17;
	v16 =	vshll.u32 v15, $0x10  }
0xb0: {  	v18 =	vld.idx.msk [tilespmem:v31+s3+$0x0], $0xffff;
	[tilespmem:$0x1FFC0] =	vst v31;
	v7 =	vadd.f32 v21, v7;
	v21 =	vshll.u32 v58, $0x10;
	v15 =	vand.u32 $0xFFFF0000, v15  }
0xb1: {  	v17 =	vld.idx.msk [tilespmem:v35+s3+$0x0], $0xffff;
	v48 =	vshll.u32 v55, $0x10;
	v43 =	vand.u32 $0xFFFF0000, v55;
	v19 =	vsub.f32 v19, v38  }
0xb2: {  	v6 =	vadd.f32 v59, v6;
	v59 =	vshll.u32 v61, $0x10;
	v15 =	vsub.f32 v15, v16  }
0xb3: {  	v36 =	vsub.f32 v36, v21;
	v12 =	vmul.f32 v22, v12;
	v43 =	vsub.f32 v43, v48  }
0xb4: {  	v56 =	vld.idx.msk [tilespmem:v23+s3+$0x0], $0xffff;
	v13 =	vsub.f32 v13, v9;
	v40 =	vsub.f32 v40, v59;
	v19 =	vmul.f32 v19, v24  }
0xb5: {  	v6 =	vsub.f32 v6, v7;
	v15 =	vmul.f32 v20, v15;
	v36 =	vmul.f32 v14, v36  }
0xb6: {  	v58 =	vld.idx.msk [tilespmem:v29+s3+$0x0], $0xffff;
	v12 =	vadd.f32 v63, v12;
	v50 =	vshll.u32 v17, $0x10;
	v17 =	vand.u32 $0xFFFF0000, v17  }
0xb7: {  	v63 =	vmul.f32 v20, v43;
	v49 =	vshll.u32 v18, $0x10;
	v17 =	vsub.f32 v17, v50  }
0xb8: {  	v18 =	vand.u32 $0xFFFF0000, v18;
	v61 =	vmul.f32 v22, v40;
	v19 =	vadd.f32 v19, v38  }
0xb9: {  	v13 =	vmul.f32 v13, v0;
	v51 =	vshll.u32 v56, $0x10;
	v17 =	vmul.f32 v14, v17  }
0xba: {  	v37 =	vand.u32 $0xFFFF0000, v56;
	v18 =	vsub.f32 v18, v49;
	v21 =	vadd.f32 v21, v36  }
0xbb: {  	v52 =	vshll.u32 v58, $0x10;
	v37 =	vsub.f32 v37, v51;
	v17 =	vadd.f32 v50, v17  }
0xbc: {  	v45 =	vand.u32 $0xFFFF0000, v58;
	v15 =	vadd.f32 v16, v15;
	v36 =	vadd.f32 v60, v62  }
0xbd: {  	v39 =	vadd.f32 v48, v63;
	v37 =	vmul.f32 v22, v37;
	v21 =	vsub.f32 v21, v17  }
0xbe: {  	v0 =	vmul.f32 v6, v0;
	v45 =	vsub.f32 v45, v52;
	v16 =	vadd.f32 v59, v61  }
0xbf: {  	v9 =	vadd.f32 v13, v9;
	v37 =	vadd.f32 v51, v37;
	v21 =	vmul.f32 v21, v24  }
0xc0: {  	v5 =	vcvt.s32.f32 v5;
	v12 =	vsub.f32 v12, v36;
	v0 =	vadd.f32 v0, v7  }
0xc1: {  	v18 =	vmul.f32 v20, v18;
	v16 =	vsub.f32 v16, v37;
	v17 =	vadd.f32 v21, v17  }
0xc2: {  	v11 =	vmul.f32 v20, v45;
	v12 =	vmul.f32 v12, v25;
	v0 =	vsub.f32 v0, v9  }
0xc3: {  	v16 =	vmul.f32 v16, v25;
	v21 =	vadd.f32 v49, v18;
	v18 =	vsub.f32 v19, v17  }
0xc4: {  	v43 =	vadd.f32 v52, v11;
	v11 =	vsub.f32 v3, v5  }
0xc5: {  	v12 =	vadd.f32 v12, v36;
	v16 =	vadd.f32 v16, v37;
	v44 =	vmul.f32 v18, v8  }
0xc6: {  	v15 =	vsub.f32 v15, v21;
	v19 =	vsub.f32 v39, v43  }
0xc7: {  	v30 =	vmov v47;
	[tilespmem:$0x1FFE0] =	vst v8;
	v47 =	vsub.f32 v12, v16;
	v12 =	vadd.f32 v44, v17  }
0xc8: {  	[tilespmem:$0x1FFF0] =	vst v11;
	v45 =	vmul.f32 v15, v10;
	v46 =	vmul.f32 v19, v10  }
0xc9: {  	v0 =	vmul.f32 v0, v1;
	v6 =	vmul.f32 v47, v11;
	[tilespmem:s19+$0xFFFFFFE0] =	vst v12  }
0xca: {  	v4 =	vcvt.s32.f32 v4;
	v3 =	vadd.f32 v45, v21;
	v5 =	vadd.f32 v46, v43;
	v48 =	vld.idx.msk [tilespmem:v35+s16+$0x0], $0xffff  }
0xcb: {  	v0 =	vadd.f32 v0, v9;
	v49 =	vadd.f32 v6, v16;
	v50 =	vld.idx.msk [tilespmem:v34+s16+$0x0], $0xffff  }
0xcc: {  	v19 =	vsub.f32 v2, v4;
	v3 =	vsub.f32 v3, v5;
	v51 =	vld.idx.msk [tilespmem:v33+s16+$0x0], $0xffff  }
0xcd: {  	[tilespmem:s19+$0xFFFFFFF0] =	vst v49;
	v52 =	vld.idx.msk [tilespmem:v32+s16+$0x0], $0xffff  }
0xce: {  	[tilespmem:$0x1FFD0] =	vst v0;
	v3 =	vmul.f32 v3, v19  }
0xcf: {  	v0 =	vld.idx.msk [tilespmem:v23+s16+$0x0], $0xffff  }
0xd0: {  	v54 =	vld.idx.msk [tilespmem:v28+s16+$0x0], $0xffff;
	v3 =	vadd.f32 v3, v5;
	v55 =	vshll.u32 v48, $0x10  }
0xd1: {  	v56 =	vld.idx.msk [tilespmem:v27+s16+$0x0], $0xffff;
	v2 =	vand.u32 $0xFFFF0000, v48;
	v12 =	vshll.u32 v50, $0x10;
	v6 =	vand.u32 $0xFFFF0000, v50  }
0xd2: {  	v57 =	vld.idx.msk [tilespmem:v26+s16+$0x0], $0xffff;
	v13 =	vshll.u32 v51, $0x10;
	v1 =	vand.u32 $0xFFFF0000, v51;
	v16 =	vshll.u32 v52, $0x10  }
0xd3: {  	v4 =	vand.u32 $0xFFFF0000, v52;
	v2 =	vsub.f32 v2, v55;
	v6 =	vsub.f32 v6, v12  }
0xd4: {  	v1 =	vsub.f32 v1, v13;
	v4 =	vsub.f32 v4, v16  }
0xd5: {  	v58 =	vshll.u32 v0, $0x10;
	v0 =	vand.u32 $0xFFFF0000, v0;
	v60 =	vshll.u32 v54, $0x10  }
0xd6: {  	[tilespmem:s19+$0x0] =	vst v3;
	v5 =	vand.u32 $0xFFFF0000, v54;
	v62 =	vshll.u32 v56, $0x10;
	v9 =	vand.u32 $0xFFFF0000, v56  }
0xd7: {  	v15 =	vld.idx.msk [tilespmem:v29+s16+$0x0], $0xffff;
	v63 =	vshll.u32 v57, $0x10;
	v3 =	vand.u32 $0xFFFF0000, v57;
	v0 =	vsub.f32 v0, v58  }
0xd8: {  	v17 =	vld.idx.msk [tilespmem:v53+s16+$0x0], $0xffff;
	v5 =	vsub.f32 v5, v60;
	v2 =	vmul.f32 v2, v14;
	v6 =	vmul.f32 v6, v14  }
0xd9: {  	v59 =	vld.idx.msk [tilespmem:v31+s16+$0x0], $0xffff;
	v9 =	vsub.f32 v9, v62;
	v1 =	vmul.f32 v1, v14;
	v4 =	vmul.f32 v4, v14  }
0xda: {  	s14 =	simm.s32 $0x1A5E0;
	v61 =	vld.idx.msk [tilespmem:v30+s16+$0x0], $0xffff;
	v3 =	vsub.f32 v3, v63;
	v0 =	vmul.f32 v0, v22;
	v5 =	vmul.f32 v5, v22  }
0xdb: {  	v54 =	vld [tilespmem:s14+$0x10];
	v52 =	vmul.f32 v9, v22;
	v2 =	vadd.f32 v55, v2;
	v6 =	vadd.f32 v12, v6  }
0xdc: {  	v3 =	vmul.f32 v3, v22;
	v1 =	vadd.f32 v13, v1;
	v4 =	vadd.f32 v16, v4  }
0xdd: {  	v48 =	vshll.u32 v15, $0x10;
	v15 =	vand.u32 $0xFFFF0000, v15;
	v49 =	vshll.u32 v17, $0x10  }
0xde: {  	v17 =	vand.u32 $0xFFFF0000, v17;
	v50 =	vshll.u32 v59, $0x10;
	v0 =	vadd.f32 v58, v0  }
0xdf: {  	v37 =	vand.u32 $0xFFFF0000, v59;
	v5 =	vadd.f32 v60, v5;
	v7 =	vadd.f32 v62, v52  }
0xe0: {  	s22 =	simm.s32 $0x1AB60;
	v51 =	vshll.u32 v61, $0x10;
	v3 =	vadd.f32 v63, v3;
	v59 =	vadd.f32 $-5.000000000e-01, v54  }
0xe1: {  	v16 =	vld [tilespmem:s22+$0x10];
	v39 =	vand.u32 $0xFFFF0000, v61;
	v15 =	vsub.f32 v15, v48;
	v17 =	vsub.f32 v17, v49  }
0xe2: {  	v37 =	vsub.f32 v37, v50;
	v39 =	vsub.f32 v39, v51  }
0xe3: {  	v6 =	vsub.f32 v6, v2;
	v4 =	vsub.f32 v4, v1;
	v53 =	vmul.f32 v15, v20  }
0xe4: {  	v5 =	vsub.f32 v5, v0;
	v12 =	vmul.f32 v17, v20;
	v13 =	vmul.f32 v37, v20  }
0xe5: {  	v3 =	vsub.f32 v3, v7;
	v15 =	vmul.f32 v39, v20;
	v6 =	vmul.f32 v6, v24  }
0xe6: {  	s11 =	simm.s32 $0x1B0E0;
	v4 =	vmul.f32 v4, v24;
	v56 =	vadd.f32 $-5.000000000e-01, v16;
	v9 =	vadd.f32 v48, v53  }
0xe7: {  	v17 =	vld [tilespmem:s11+$0x10];
	v5 =	vmul.f32 v5, v25;
	v12 =	vadd.f32 v49, v12;
	v13 =	vadd.f32 v50, v13  }
0xe8: {  	v62 =	vld [tilespmem:s11+$0xFFFFFFE0];
	v3 =	vmul.f32 v3, v25;
	v15 =	vadd.f32 v51, v15;
	v2 =	vadd.f32 v6, v2  }
0xe9: {  	v1 =	vadd.f32 v4, v1;
	v0 =	vadd.f32 v5, v0  }
0xea: {  	v3 =	vadd.f32 v3, v7;
	v5 =	vadd.f32 v56, v56  }
0xeb: {  	v12 =	vsub.f32 v12, v9;
	v15 =	vsub.f32 v15, v13  }
0xec: {  	v1 =	vsub.f32 v1, v2;
	v58 =	vadd.f32 $-5.000000000e-01, v17  }
0xed: {  	v5 =	vadd.f32 $1.000000000e+00, v5;
	v17 =	vadd.f32 $-5.000000000e-01, v62  }
0xee: {  	v53 =	vld [tilespmem:s11+$0x0];
	v3 =	vsub.f32 v3, v0;
	v55 =	vmul.f32 v12, v10;
	v57 =	vmul.f32 v15, v10  }
0xef: {  	v12 =	vld [tilespmem:s22+$0xFFFFFFE0];
	v1 =	vmul.f32 v1, v8;
	v7 =	vadd.f32 v58, v58;
	v17 =	vadd.f32 v17, v17  }
0xf0: {  	v15 =	vld [tilespmem:s22+$0x0];
	v3 =	vmul.f32 v3, v11;
	v4 =	vadd.f32 v55, v9;
	v6 =	vadd.f32 v57, v13  }
0xf1: {  	v5 =	vmul.f32 $5.000000000e-01, v5;
	v9 =	vadd.f32 v59, v59;
	v13 =	vld [tilespmem:s22+$0xFFFFFFF0];
	v45 =	vadd.f32 v1, v2  }
0xf2: {  	v47 =	vld [tilespmem:s11+$0xFFFFFFF0];
	v7 =	vadd.f32 $1.000000000e+00, v7;
	v37 =	vadd.f32 v3, v0  }
0xf3: {  	v61 =	vmul.f32 $3.200000000e+01, v5;
	v17 =	vadd.f32 $1.000000000e+00, v17;
	v9 =	vadd.f32 $1.000000000e+00, v9  }
0xf4: {  	v6 =	vsub.f32 v6, v4;
	v7 =	vmul.f32 $5.000000000e-01, v7;
	v63 =	vadd.f32 $-5.000000000e-01, v12  }
0xf5: {  	v2 =	vmax.f32 v61, $0.0e+00;
	v12 =	vadd.f32 $-5.000000000e-01, v15;
	v61 =	vadd.f32 $-5.000000000e-01, v53  }
0xf6: {  	v17 =	vmul.f32 $5.000000000e-01, v17;
	v60 =	vmul.f32 $5.000000000e-01, v9;
	v48 =	vadd.f32 $-5.000000000e-01, v13  }
0xf7: {  	v46 =	vmul.f32 $3.200000000e+01, v7;
	v7 =	vadd.f32 $-5.000000000e-01, v47;
	v62 =	vadd.f32 v63, v63  }
0xf8: {  	v13 =	vmin.f32 v2, $3.200000000e+01;
	v12 =	vadd.f32 v12, v12;
	v40 =	vadd.f32 v61, v61  }
0xf9: {  	v1 =	vmul.f32 $3.200000000e+01, v60;
	v50 =	vtrunc.f32 v13;
	v49 =	vmax.f32 v46, $0.0e+00  }
0xfa: {  	v17 =	vmul.f32 $3.200000000e+01, v17;
	v16 =	vcvt.f32.s32 v50;
	v5 =	vmin.f32 v49, $3.200000000e+01  }
0xfb: {  	v9 =	vadd.f32 v48, v48;
	v1 =	vmax.f32 v1, $0.0e+00;
	v51 =	vtrunc.f32 v5  }
0xfc: {  	v12 =	vadd.f32 $1.000000000e+00, v12;
	v15 =	vmin.f32 v1, $3.200000000e+01;
	v36 =	vcvt.f32.s32 v51  }
0xfd: {  	v54 =	vadd.s32 $0x1, v16;
	v56 =	vmul.u32 $0x21, v16;
	v52 =	vtrunc.f32 v15  }
0xfe: {  	vm8 =	vlt.s32 v54, $0x20;
	v38 =	vcvt.f32.s32 v52;
	v55 =	vadd.s32 $0x1, v36  }
0xff: {  	v0 =	vnsel vm8, $0x20, v54;
	v57 =	vmul.u32 $0x441, v36;
	vm9 =	vlt.s32 v55, $0x20  }
0x100: {  	v58 =	vmul.u32 $0x21, v0;
	v39 =	vadd.s32 v38, v56;
	v2 =	vnsel vm9, $0x20, v55  }
0x101: {  	v11 =	vadd.s32 v57, v39;
	v60 =	vadd.s32 v38, v57;
	v59 =	vmul.u32 $0x441, v2  }
0x102: {  	v48 =	vmul.f32 v6, v19;
	v40 =	vadd.f32 $1.000000000e+00, v40;
	v8 =	vadd.s32 v58, v60  }
0x103: {  	v18 =	vmovc v10;
	v53 =	vld [tilespmem:s14+$0xFFFFFFF0];
	v9 =	vadd.f32 $1.000000000e+00, v9;
	v52 =	vadd.s32 v38, v58;
	v10 =	vadd.s32 v59, v39  }
0x104: {  	v63 =	vld [tilespmem:s14+$0xFFFFFFE0];
	v12 =	vmul.f32 $5.000000000e-01, v12;
	v16 =	vcvt.s32.f32 v16;
	v3 =	vadd.s32 v59, v52  }
0x105: {  	v40 =	vmul.f32 $5.000000000e-01, v40;
	v54 =	vld [tilespmem:s14+$0x0];
	v9 =	vmul.f32 $5.000000000e-01, v9  }
0x106: {  	v7 =	vadd.f32 v7, v7;
	v48 =	vadd.f32 v48, v4;
	v12 =	vmul.f32 $3.200000000e+01, v12;
	v56 =	vld.idx.msk [tilespmem:v11+s3+$0x0], $0xffff  }
0x107: {  	v46 =	vsub.f32 v13, v16;
	v40 =	vmul.f32 $3.200000000e+01, v40;
	v9 =	vmul.f32 $3.200000000e+01, v9;
	v57 =	vld.idx.msk [tilespmem:v8+s3+$0x0], $0xffff  }
0x108: {  	v55 =	vadd.f32 $1.000000000e+00, v62;
	v38 =	vcvt.s32.f32 v38;
	v58 =	vadd.f32 $1.000000000e+00, v7;
	v60 =	vld.idx.msk [tilespmem:v10+s3+$0x0], $0xffff  }
0x109: {  	v12 =	vmax.f32 v12, $0.0e+00;
	v59 =	vadd.f32 $-5.000000000e-01, v63;
	v39 =	vadd.f32 $-5.000000000e-01, v53;
	v61 =	vld.idx.msk [tilespmem:v3+s3+$0x0], $0xffff  }
0x10a: {  	v21 =	vmovc v30;
	v30 =	vmin.f32 v12, $3.200000000e+01;
	v41 =	vadd.f32 $-5.000000000e-01, v54;
	v31 =	vsub.f32 v15, v38  }
0x10b: {  	v7 =	vadd.f32 v59, v59;
	v39 =	vadd.f32 v39, v39;
	v62 =	vshll.u32 v56, $0x10  }
0x10c: {  	v43 =	vand.u32 $0xFFFF0000, v56;
	v63 =	vshll.u32 v57, $0x10;
	v0 =	vand.u32 $0xFFFF0000, v57  }
0x10d: {  	v15 =	vsub.f32 v43, v62;
	v43 =	vsub.f32 v0, v63;
	v1 =	vshll.u32 v60, $0x10  }
0x10e: {  	v44 =	vand.u32 $0xFFFF0000, v60;
	v2 =	vshll.u32 v61, $0x10;
	v49 =	vand.u32 $0xFFFF0000, v61  }
0x10f: {  	v9 =	vmax.f32 v9, $0.0e+00;
	v44 =	vsub.f32 v44, v1;
	v49 =	vsub.f32 v49, v2  }
0x110: {  	v7 =	vadd.f32 $1.000000000e+00, v7;
	v15 =	vmul.f32 v31, v15;
	v43 =	vmul.f32 v31, v43  }
0x111: {  	v39 =	vadd.f32 $1.000000000e+00, v39;
	v44 =	vmul.f32 v31, v44;
	v49 =	vmul.f32 v31, v49  }
0x112: {  	v42 =	vmul.f32 $5.000000000e-01, v55;
	v15 =	vadd.f32 v62, v15;
	v38 =	vadd.f32 v63, v43  }
0x113: {  	v6 =	vmul.f32 $5.000000000e-01, v58;
	v53 =	vadd.f32 v1, v44;
	v54 =	vadd.f32 v2, v49  }
0x114: {  	v58 =	vmax.f32 v17, $0.0e+00;
	v42 =	vmul.f32 $3.200000000e+01, v42;
	v7 =	vmul.f32 $5.000000000e-01, v7  }
0x115: {  	v39 =	vmul.f32 $5.000000000e-01, v39;
	v13 =	vsub.f32 v38, v15;
	v16 =	vsub.f32 v54, v53  }
0x116: {  	v17 =	vmax.f32 v40, $0.0e+00;
	v56 =	vmul.f32 $3.200000000e+01, v6;
	v57 =	vcvt.s32.f32 v36  }
0x117: {  	v55 =	vadd.f32 v41, v41;
	v13 =	vmul.f32 v13, v46;
	v16 =	vmul.f32 v16, v46  }
0x118: {  	v51 =	vmin.f32 v17, $3.200000000e+01;
	v7 =	vmul.f32 $3.200000000e+01, v7;
	v39 =	vmul.f32 $3.200000000e+01, v39  }
0x119: {  	v12 =	vmax.f32 v56, $0.0e+00;
	v13 =	vadd.f32 v13, v15;
	v15 =	vadd.f32 v16, v53  }
0x11a: {  	v36 =	vsub.f32 v5, v57;
	v50 =	vmin.f32 v12, $3.200000000e+01;
	v38 =	vadd.f32 $1.000000000e+00, v55  }
0x11b: {  	v12 =	vtrunc.f32 v30;
	v62 =	vtrunc.f32 v50;
	v15 =	vsub.f32 v15, v13  }
0x11c: {  	v49 =	vmin.f32 v58, $3.200000000e+01;
	v55 =	vcvt.f32.s32 v62;
	v38 =	vmul.f32 $5.000000000e-01, v38  }
0x11d: {  	v7 =	vmax.f32 v7, $0.0e+00;
	v61 =	vtrunc.f32 v49;
	v15 =	vmul.f32 v15, v36  }
0x11e: {  	v54 =	vcvt.f32.s32 v61;
	v0 =	vmul.f32 $3.200000000e+01, v38;
	v16 =	vmax.f32 v42, $0.0e+00  }
0x11f: {  	v6 =	vmin.f32 v16, $3.200000000e+01;
	v16 =	vmin.f32 v9, $3.200000000e+01;
	v13 =	vadd.f32 v15, v13  }
0x120: {  	s7 =	simm.s32 $0x1C6E0;
	v7 =	vmin.f32 v7, $3.200000000e+01;
	v53 =	vcvt.f32.s32 v12;
	v60 =	vtrunc.f32 v16  }
0x121: {  	v5 =	vmul.u32 $0x441, v54;
	v9 =	vmax.f32 v0, $0.0e+00;
	v52 =	vcvt.f32.s32 v60;
	[tilespmem:s7+$0x10] =	vst v13  }
0x122: {  	v59 =	vtrunc.f32 v6;
	v2 =	vadd.s32 $0x1, v53;
	v60 =	vmax.f32 v39, $0.0e+00;
	v12 =	vld.idx.msk [tilespmem:v11+s16+$0x0], $0xffff  }
0x123: {  	vm12 =	vlt.s32 v2, $0x20;
	v4 =	vmin.f32 v60, $3.200000000e+01;
	v42 =	vadd.s32 $0x1, v52;
	v17 =	vld.idx.msk [tilespmem:v8+s16+$0x0], $0xffff  }
0x124: {  	v44 =	vtrunc.f32 v4;
	v15 =	vcvt.f32.s32 v59;
	vm11 =	vlt.s32 v42, $0x20;
	v63 =	vld.idx.msk [tilespmem:v10+s16+$0x0], $0xffff  }
0x125: {  	v59 =	vadd.s32 $0x1, v55;
	v44 =	vcvt.f32.s32 v44;
	v0 =	vnsel vm11, $0x20, v42;
	v1 =	vld.idx.msk [tilespmem:v3+s16+$0x0], $0xffff  }
0x126: {  	vm14 =	vlt.s32 v59, $0x20;
	v13 =	vtrunc.f32 v51;
	v40 =	vadd.s32 $0x1, v15  }
0x127: {  	v42 =	vmul.u32 $0x21, v15;
	v56 =	vcvt.f32.s32 v13;
	vm10 =	vlt.s32 v40, $0x20  }
0x128: {  	v13 =	vadd.s32 $0x1, v54;
	v40 =	vnsel vm10, $0x20, v40;
	v61 =	vshll.u32 v12, $0x10  }
0x129: {  	v12 =	vand.u32 $0xFFFF0000, v12;
	v62 =	vshll.u32 v17, $0x10;
	v17 =	vand.u32 $0xFFFF0000, v17  }
0x12a: {  	v57 =	vshll.u32 v63, $0x10;
	v41 =	vand.u32 $0xFFFF0000, v63;
	v58 =	vshll.u32 v1, $0x10  }
0x12b: {  	v38 =	vand.u32 $0xFFFF0000, v1;
	v12 =	vsub.f32 v12, v61;
	v17 =	vsub.f32 v17, v62  }
0x12c: {  	vm13 =	vlt.s32 v13, $0x20;
	v41 =	vsub.f32 v41, v57;
	v38 =	vsub.f32 v38, v58  }
0x12d: {  	v39 =	vadd.s32 $0x1, v56;
	v12 =	vmul.f32 v12, v31;
	v17 =	vmul.f32 v17, v31  }
0x12e: {  	v40 =	vmul.u32 $0x21, v40;
	v41 =	vmul.f32 v41, v31;
	v38 =	vmul.f32 v38, v31  }
0x12f: {  	v13 =	vnsel vm13, $0x20, v13;
	v12 =	vadd.f32 v61, v12;
	v17 =	vadd.f32 v62, v17  }
0x130: {  	vm15 =	vlt.s32 v39, $0x20;
	v41 =	vadd.f32 v57, v41;
	v38 =	vadd.f32 v58, v38  }
0x131: {  	v13 =	vmul.u32 $0x441, v13;
	v1 =	vnsel vm12, $0x20, v2;
	v2 =	vtrunc.f32 v7  }
0x132: {  	v60 =	vmul.u32 $0x21, v1;
	v63 =	vsub.f32 v17, v12;
	v17 =	vsub.f32 v38, v41  }
0x133: {  	v1 =	vmul.u32 $0x21, v53;
	v61 =	vnsel vm15, $0x20, v39;
	v39 =	vcvt.f32.s32 v2  }
0x134: {  	v57 =	vmin.f32 v9, $3.200000000e+01;
	v9 =	vmul.f32 v63, v46;
	v17 =	vmul.f32 v17, v46  }
0x135: {  	v62 =	vmul.u32 $0x21, v52;
	v52 =	vcvt.s32.f32 v52;
	v58 =	vtrunc.f32 v57  }
0x136: {  	v38 =	vnsel vm14, $0x20, v59;
	v9 =	vadd.f32 v9, v12;
	v12 =	vadd.f32 v17, v41  }
0x137: {  	v43 =	vadd.s32 v39, v5;
	v47 =	vadd.s32 v39, v40;
	v42 =	vadd.s32 v39, v42  }
0x138: {  	v59 =	vadd.s32 v5, v42;
	v63 =	vmul.u32 $0x441, v55;
	v12 =	vsub.f32 v12, v9  }
0x139: {  	v17 =	vmul.u32 $0x21, v0;
	v0 =	vmul.u32 $0x441, v56;
	v41 =	vadd.s32 v40, v43  }
0x13a: {  	v40 =	vadd.s32 v13, v47;
	v43 =	vadd.s32 v13, v42;
	v12 =	vmul.f32 v12, v36  }
0x13b: {  	v5 =	vadd.s32 v44, v63;
	v56 =	vcvt.s32.f32 v56;
	v42 =	vadd.s32 v44, v17  }
0x13c: {  	v2 =	vadd.f32 v12, v9;
	v12 =	vmul.u32 $0x441, v38;
	v38 =	vcvt.f32.s32 v58  }
0x13d: {  	v58 =	vadd.s32 v17, v5;
	v17 =	vadd.s32 v44, v62;
	v44 =	vcvt.s32.f32 v44  }
0x13e: {  	v5 =	vadd.s32 v12, v42;
	v62 =	vadd.s32 v12, v17;
	v47 =	vadd.s32 v38, v0  }
0x13f: {  	s15 =	simm.s32 $0x1CC60;
	v42 =	vadd.s32 v63, v17;
	v17 =	vmul.u32 $0x441, v61;
	v63 =	vcvt.s32.f32 v39  }
0x140: {  	[tilespmem:s15+$0x10] =	vst v2;
	v61 =	vcvt.s32.f32 v54;
	v12 =	vadd.s32 v60, v47;
	v47 =	vadd.s32 v38, v60  }
0x141: {  	v60 =	vadd.s32 v38, v1;
	v11 =	vld.idx.msk [tilespmem:v11+s17+$0x0], $0xffff;
	v38 =	vcvt.s32.f32 v38;
	v9 =	vadd.s32 v17, v47  }
0x142: {  	v8 =	vld.idx.msk [tilespmem:v8+s17+$0x0], $0xffff;
	v47 =	vcvt.s32.f32 v15;
	v13 =	vadd.s32 v17, v60;
	v17 =	vsub.f32 v7, v63  }
0x143: {  	v10 =	vld.idx.msk [tilespmem:v10+s17+$0x0], $0xffff;
	v7 =	vsub.f32 v4, v44;
	v4 =	vsub.f32 v16, v52;
	v63 =	vcvt.s32.f32 v55  }
0x144: {  	v15 =	vmovc v5;
	v44 =	vld.idx.msk [tilespmem:v3+s17+$0x0], $0xffff;
	v1 =	vsub.f32 v6, v47;
	v6 =	vsub.f32 v57, v38;
	v57 =	vcvt.s32.f32 v53  }
0x145: {  	v16 =	vadd.s32 v0, v60;
	v47 =	vsub.f32 v49, v61;
	v3 =	vsub.f32 v50, v63  }
0x146: {  	v5 =	vsub.f32 v30, v57;
	v30 =	vsub.f32 v51, v56;
	v60 =	vshll.u32 v11, $0x10  }
0x147: {  	v57 =	vld.idx.msk [tilespmem:v40+s3+$0x0], $0xffff;
	v11 =	vand.u32 $0xFFFF0000, v11;
	v61 =	vshll.u32 v8, $0x10;
	v8 =	vand.u32 $0xFFFF0000, v8  }
0x148: {  	v0 =	vld.idx.msk [tilespmem:v41+s3+$0x0], $0xffff;
	v51 =	vshll.u32 v10, $0x10;
	v10 =	vand.u32 $0xFFFF0000, v10;
	v11 =	vsub.f32 v11, v60  }
0x149: {  	v63 =	vld.idx.msk [tilespmem:v15+s3+$0x0], $0xffff;
	v8 =	vsub.f32 v8, v61;
	v53 =	vshll.u32 v44, $0x10;
	v44 =	vand.u32 $0xFFFF0000, v44  }
0x14a: {  	v52 =	vld.idx.msk [tilespmem:v9+s3+$0x0], $0xffff;
	v10 =	vsub.f32 v10, v51;
	v44 =	vsub.f32 v44, v53  }
0x14b: {  	v11 =	vmul.f32 v11, v31;
	v8 =	vmul.f32 v8, v31  }
0x14c: {  	v2 =	vld.idx.msk [tilespmem:v43+s3+$0x0], $0xffff;
	v10 =	vmul.f32 v10, v31;
	v44 =	vmul.f32 v44, v31;
	v55 =	vshll.u32 v57, $0x10  }
0x14d: {  	v38 =	vand.u32 $0xFFFF0000, v57;
	v11 =	vadd.f32 v60, v11;
	v8 =	vadd.f32 v61, v8  }
0x14e: {  	v49 =	vadd.f32 v51, v10;
	v51 =	vand.u32 $0xFFFF0000, v0;
	v57 =	vshll.u32 v63, $0x10  }
0x14f: {  	v39 =	vld.idx.msk [tilespmem:v58+s3+$0x0], $0xffff;
	v50 =	vand.u32 $0xFFFF0000, v63;
	v61 =	vshll.u32 v52, $0x10;
	v10 =	vadd.f32 v53, v44  }
0x150: {  	v44 =	vshll.u32 v0, $0x10;
	v38 =	vsub.f32 v38, v55;
	v52 =	vand.u32 $0xFFFF0000, v52  }
0x151: {  	v60 =	vld.idx.msk [tilespmem:v62+s3+$0x0], $0xffff;
	v53 =	vshll.u32 v2, $0x10;
	v8 =	vsub.f32 v8, v11;
	v50 =	vsub.f32 v50, v57  }
0x152: {  	v63 =	vand.u32 $0xFFFF0000, v2;
	v52 =	vsub.f32 v52, v61;
	v51 =	vsub.f32 v51, v44  }
0x153: {  	v56 =	vld.idx.msk [tilespmem:v12+s3+$0x0], $0xffff;
	v54 =	vsub.f32 v63, v53;
	v38 =	vmul.f32 v17, v38;
	v8 =	vmul.f32 v8, v46  }
0x154: {  	v0 =	vand.u32 $0xFFFF0000, v39;
	v50 =	vmul.f32 v7, v50;
	v52 =	vmul.f32 v6, v52  }
0x155: {  	v51 =	vmul.f32 v17, v51;
	v54 =	vmul.f32 v17, v54;
	v38 =	vadd.f32 v55, v38  }
0x156: {  	v31 =	vmovc v1;
	v2 =	vand.u32 $0xFFFF0000, v60;
	v1 =	vadd.f32 v8, v11;
	v8 =	vshll.u32 v39, $0x10  }
0x157: {  	v39 =	vshll.u32 v60, $0x10;
	v50 =	vadd.f32 v57, v50;
	v52 =	vadd.f32 v61, v52  }
0x158: {  	v60 =	vld.idx.msk [tilespmem:v13+s3+$0x0], $0xffff;
	v44 =	vadd.f32 v44, v51;
	v53 =	vadd.f32 v53, v54;
	v51 =	vshll.u32 v56, $0x10  }
0x159: {  	[tilespmem:s21+$0xFFFFFFE0] =	vst v45;
	v57 =	vld.idx.msk [tilespmem:v42+s3+$0x0], $0xffff;
	v61 =	vand.u32 $0xFFFF0000, v56;
	v11 =	vsub.f32 v0, v8;
	v55 =	vsub.f32 v2, v39  }
0x15a: {  	v34 =	vld.idx.msk [tilespmem:v34+s17+$0x0], $0xffff;
	v54 =	vsub.f32 v61, v51;
	v38 =	vsub.f32 v38, v53  }
0x15b: {  	v0 =	vld.idx.msk [tilespmem:v59+s3+$0x0], $0xffff;
	v11 =	vmul.f32 v7, v11;
	v2 =	vmul.f32 v7, v55  }
0x15c: {  	v10 =	vsub.f32 v10, v49;
	v54 =	vmul.f32 v6, v54;
	v38 =	vmul.f32 v38, v31  }
0x15d: {  	v32 =	vld.idx.msk [tilespmem:v32+s17+$0x0], $0xffff;
	v8 =	vadd.f32 v8, v11;
	v39 =	vadd.f32 v39, v2;
	v61 =	vshll.u32 v60, $0x10  }
0x15e: {  	v60 =	vand.u32 $0xFFFF0000, v60;
	v63 =	vshll.u32 v57, $0x10;
	v2 =	vand.u32 $0xFFFF0000, v57  }
0x15f: {  	v33 =	vld.idx.msk [tilespmem:v33+s17+$0x0], $0xffff;
	v51 =	vadd.f32 v51, v54;
	v57 =	vshll.u32 v34, $0x10;
	v34 =	vand.u32 $0xFFFF0000, v34  }
0x160: {  	v55 =	vshll.u32 v0, $0x10;
	v60 =	vsub.f32 v60, v61;
	v45 =	vsub.f32 v2, v63  }
0x161: {  	[tilespmem:s21+$0xFFFFFFF0] =	vst v37;
	v11 =	vld.idx.msk [tilespmem:v16+s3+$0x0], $0xffff;
	v0 =	vand.u32 $0xFFFF0000, v0;
	v34 =	vsub.f32 v34, v57;
	v37 =	vadd.f32 v38, v53  }
0x162: {  	v38 =	vshll.u32 v32, $0x10;
	v32 =	vand.u32 $0xFFFF0000, v32;
	v56 =	vsub.f32 v0, v55  }
0x163: {  	[tilespmem:s21+$0x0] =	vst v48;
	v10 =	vmul.f32 v10, v46;
	v50 =	vsub.f32 v50, v39;
	v32 =	vsub.f32 v32, v38  }
0x164: {  	v29 =	vld.idx.msk [tilespmem:v29+s17+$0x0], $0xffff;
	v0 =	vmul.f32 v6, v60;
	v45 =	vmul.f32 v7, v45;
	v60 =	vshll.u32 v33, $0x10  }
0x165: {  	v33 =	vand.u32 $0xFFFF0000, v33;
	v34 =	vmul.f32 v34, v14;
	v56 =	vmul.f32 v17, v56  }
0x166: {  	v28 =	vld.idx.msk [tilespmem:v28+s17+$0x0], $0xffff;
	v33 =	vsub.f32 v33, v60;
	v50 =	vmul.f32 v50, v4;
	v2 =	vshll.u32 v11, $0x10  }
0x167: {  	v11 =	vand.u32 $0xFFFF0000, v11;
	v54 =	vadd.f32 v61, v0;
	v45 =	vadd.f32 v63, v45  }
0x168: {  	v63 =	vld.idx.msk [tilespmem:v23+s17+$0x0], $0xffff;
	v0 =	vmul.f32 v32, v14;
	v23 =	vadd.f32 v10, v49;
	v55 =	vadd.f32 v55, v56  }
0x169: {  	v10 =	vshll.u32 v29, $0x10;
	v34 =	vadd.f32 v57, v34;
	v11 =	vsub.f32 v11, v2  }
0x16a: {  	v29 =	vand.u32 $0xFFFF0000, v29;
	v52 =	vsub.f32 v52, v54;
	v53 =	vsub.f32 v44, v55  }
0x16b: {  	v32 =	vadd.f32 v50, v39;
	v50 =	vshll.u32 v28, $0x10;
	v11 =	vmul.f32 v6, v11  }
0x16c: {  	v8 =	vsub.f32 v8, v45;
	v52 =	vmul.f32 v52, v5;
	v39 =	vmul.f32 v53, v31;
	v53 =	vld [tilespmem:$0x1FFB0]  }
0x16d: {  	v27 =	vld.idx.msk [tilespmem:v27+s17+$0x0], $0xffff;
	v28 =	vand.u32 $0xFFFF0000, v28;
	v29 =	vsub.f32 v29, v10;
	v11 =	vadd.f32 v2, v11  }
0x16e: {  	v28 =	vsub.f32 v28, v50;
	v8 =	vmul.f32 v8, v4;
	v44 =	vadd.f32 v52, v54;
	v54 =	vld [tilespmem:$0x1FFC0]  }
0x16f: {  	v46 =	vshll.u32 v63, $0x10;
	v2 =	vand.u32 $0xFFFF0000, v63;
	v63 =	vsub.f32 v51, v11  }
0x170: {  	v0 =	vadd.f32 v38, v0;
	v29 =	vmul.f32 v29, v20;
	v39 =	vadd.f32 v39, v55  }
0x171: {  	v26 =	vld.idx.msk [tilespmem:v26+s17+$0x0], $0xffff;
	v28 =	vmul.f32 v28, v22;
	v8 =	vadd.f32 v8, v45;
	v48 =	vmul.f32 v63, v5  }
0x172: {  	v2 =	vsub.f32 v2, v46;
	v45 =	vshll.u32 v27, $0x10;
	v37 =	vsub.f32 v37, v39  }
0x173: {  	v27 =	vand.u32 $0xFFFF0000, v27;
	v32 =	vsub.f32 v32, v8;
	v11 =	vadd.f32 v48, v11  }
0x174: {  	v10 =	vadd.f32 v10, v29;
	v27 =	vsub.f32 v27, v45;
	v37 =	vmul.f32 v37, v47;
	v51 =	vld.idx.msk [tilespmem:v53+s17+$0x0], $0xffff  }
0x175: {  	v2 =	vmul.f32 v2, v22;
	v32 =	vmul.f32 v32, v3;
	v53 =	vld.idx.msk [tilespmem:v21+s17+$0x0], $0xffff;
	v44 =	vsub.f32 v44, v11  }
0x176: {  	v48 =	vshll.u32 v26, $0x10;
	v26 =	vand.u32 $0xFFFF0000, v26;
	v37 =	vadd.f32 v37, v39;
	v63 =	vld.idx.msk [tilespmem:v54+s17+$0x0], $0xffff  }
0x177: {  	v28 =	vadd.f32 v50, v28;
	v26 =	vsub.f32 v26, v48;
	v44 =	vmul.f32 v44, v30  }
0x178: {  	v27 =	vmul.f32 v27, v22;
	v2 =	vadd.f32 v46, v2;
	v8 =	vadd.f32 v32, v8;
	[tilespmem:s7+$0xFFFFFFE0] =	vst v37  }
0x179: {  	v22 =	vmul.f32 v26, v22;
	v52 =	vld.idx.msk [tilespmem:v41+s16+$0x0], $0xffff;
	v11 =	vadd.f32 v44, v11;
	v39 =	vshll.u32 v51, $0x10  }
0x17a: {  	v55 =	vmovc v9;
	v38 =	vld.idx.msk [tilespmem:v43+s16+$0x0], $0xffff;
	v49 =	vand.u32 $0xFFFF0000, v51;
	v44 =	vshll.u32 v53, $0x10;
	v9 =	vand.u32 $0xFFFF0000, v53  }
0x17b: {  	v53 =	vld.idx.msk [tilespmem:v40+s16+$0x0], $0xffff;
	v32 =	vshll.u32 v63, $0x10;
	v63 =	vand.u32 $0xFFFF0000, v63;
	v49 =	vsub.f32 v49, v39  }
0x17c: {  	v37 =	vld.idx.msk [tilespmem:v59+s16+$0x0], $0xffff;
	v51 =	vsub.f32 v9, v44;
	v26 =	vsub.f32 v63, v32  }
0x17d: {  	v27 =	vadd.f32 v45, v27;
	[tilespmem:s7+$0xFFFFFFF0] =	vst v8;
	v22 =	vadd.f32 v48, v22;
	v49 =	vmul.f32 v49, v20  }
0x17e: {  	v46 =	vld.idx.msk [tilespmem:v62+s16+$0x0], $0xffff;
	v54 =	vand.u32 $0xFFFF0000, v52;
	v26 =	vmul.f32 v26, v20;
	v20 =	vmul.f32 v51, v20  }
0x17f: {  	v63 =	vld.idx.msk [tilespmem:v42+s16+$0x0], $0xffff;
	v29 =	vadd.f32 v39, v49;
	v49 =	vshll.u32 v38, $0x10;
	v38 =	vand.u32 $0xFFFF0000, v38  }
0x180: {  	v50 =	vshll.u32 v53, $0x10;
	v8 =	vand.u32 $0xFFFF0000, v53;
	v26 =	vadd.f32 v32, v26  }
0x181: {  	v32 =	vshll.u32 v37, $0x10;
	v37 =	vand.u32 $0xFFFF0000, v37;
	v20 =	vadd.f32 v44, v20  }
0x182: {  	v39 =	vld.idx.msk [tilespmem:v58+s16+$0x0], $0xffff;
	v44 =	vshll.u32 v52, $0x10;
	v38 =	vsub.f32 v38, v49;
	v8 =	vsub.f32 v8, v50  }
0x183: {  	v37 =	vsub.f32 v37, v32;
	v48 =	vsub.f32 v54, v44  }
0x184: {  	v51 =	vshll.u32 v63, $0x10;
	v45 =	vand.u32 $0xFFFF0000, v63;
	v54 =	vshll.u32 v46, $0x10  }
0x185: {  	[tilespmem:s7+$0x0] =	vst v11;
	v63 =	vld.idx.msk [tilespmem:v15+s16+$0x0], $0xffff;
	v46 =	vand.u32 $0xFFFF0000, v46;
	v45 =	vsub.f32 v45, v51;
	v38 =	vmul.f32 v38, v17  }
0x186: {  	v52 =	vld.idx.msk [tilespmem:v16+s16+$0x0], $0xffff;
	v46 =	vsub.f32 v46, v54;
	v8 =	vmul.f32 v8, v17;
	v37 =	vmul.f32 v37, v17  }
0x187: {  	v48 =	vmul.f32 v48, v17;
	v53 =	vshll.u32 v39, $0x10;
	v39 =	vand.u32 $0xFFFF0000, v39  }
0x188: {  	v45 =	vmul.f32 v45, v7;
	v38 =	vadd.f32 v49, v38;
	v8 =	vadd.f32 v50, v8  }
0x189: {  	v49 =	vld.idx.msk [tilespmem:v13+s16+$0x0], $0xffff;
	v46 =	vmul.f32 v46, v7;
	v39 =	vsub.f32 v39, v53;
	v32 =	vadd.f32 v32, v37  }
0x18a: {  	v44 =	vadd.f32 v44, v48;
	v48 =	vshll.u32 v63, $0x10;
	v11 =	vand.u32 $0xFFFF0000, v63  }
0x18b: {  	v63 =	vshll.u32 v52, $0x10;
	v52 =	vand.u32 $0xFFFF0000, v52;
	v45 =	vadd.f32 v51, v45;
	v51 =	vld.idx.msk [tilespmem:v55+s16+$0x0], $0xffff  }
0x18c: {  	v35 =	vld.idx.msk [tilespmem:v35+s17+$0x0], $0xffff;
	v46 =	vadd.f32 v54, v46;
	v52 =	vsub.f32 v52, v63  }
0x18d: {  	v8 =	vsub.f32 v8, v38;
	v39 =	vmul.f32 v39, v7;
	v11 =	vsub.f32 v11, v48  }
0x18e: {  	v54 =	vshll.u32 v49, $0x10;
	v49 =	vand.u32 $0xFFFF0000, v49;
	v52 =	vmul.f32 v52, v6  }
0x18f: {  	v39 =	vadd.f32 v53, v39;
	v11 =	vmul.f32 v11, v7;
	v9 =	vsub.f32 v49, v54  }
0x190: {  	v49 =	vadd.f32 v63, v52;
	v63 =	vshll.u32 v51, $0x10;
	v51 =	vand.u32 $0xFFFF0000, v51  }
0x191: {  	v56 =	vshll.u32 v35, $0x10;
	v11 =	vadd.f32 v48, v11;
	v51 =	vsub.f32 v51, v63  }
0x192: {  	v35 =	vand.u32 $0xFFFF0000, v35;
	v44 =	vsub.f32 v44, v32;
	v8 =	vmul.f32 v8, v31  }
0x193: {  	v39 =	vsub.f32 v39, v45;
	v11 =	vsub.f32 v11, v46;
	v51 =	vmul.f32 v51, v6  }
0x194: {  	v35 =	vsub.f32 v35, v56;
	v23 =	vsub.f32 v23, v1;
	v37 =	vld.idx.msk [tilespmem:v12+s16+$0x0], $0xffff;
	v44 =	vmul.f32 v44, v31  }
0x195: {  	v8 =	vadd.f32 v8, v38;
	v39 =	vmul.f32 v39, v4;
	v11 =	vmul.f32 v11, v4  }
0x196: {  	v33 =	vmul.f32 v33, v14;
	v32 =	vadd.f32 v44, v32;
	v50 =	vadd.f32 v63, v51  }
0x197: {  	v11 =	vadd.f32 v11, v46;
	v51 =	vmov v4;
	v4 =	vadd.f32 v39, v45  }
0x198: {  	v33 =	vadd.f32 v60, v33;
	v35 =	vmul.f32 v35, v14;
	v8 =	vsub.f32 v8, v32  }
0x199: {  	v53 =	vshll.u32 v37, $0x10;
	v37 =	vand.u32 $0xFFFF0000, v37;
	v11 =	vsub.f32 v11, v4  }
0x19a: {  	v0 =	vsub.f32 v0, v33;
	v37 =	vsub.f32 v37, v53;
	v8 =	vmul.f32 v8, v47  }
0x19b: {  	v35 =	vadd.f32 v56, v35;
	v22 =	vsub.f32 v22, v27;
	v11 =	vmul.f32 v11, v3  }
0x19c: {  	v48 =	vmul.f32 v9, v6;
	v37 =	vmul.f32 v37, v6;
	v8 =	vadd.f32 v8, v32  }
0x19d: {  	v34 =	vsub.f32 v34, v35;
	v22 =	vmul.f32 v22, v25;
	v11 =	vadd.f32 v11, v4  }
0x19e: {  	v23 =	vmul.f32 v23, v36;
	v48 =	vadd.f32 v54, v48;
	v37 =	vadd.f32 v53, v37;
	[tilespmem:s15+$0xFFFFFFE0] =	vst v8  }
0x19f: {  	v22 =	vadd.f32 v22, v27;
	v29 =	vsub.f32 v29, v10;
	v27 =	vld.idx.msk [tilespmem:v59+s17+$0x0], $0xffff;
	[tilespmem:s15+$0xFFFFFFF0] =	vst v11  }
0x1a0: {  	v14 =	vmul.f32 v0, v24;
	v37 =	vsub.f32 v37, v49;
	v50 =	vsub.f32 v50, v48;
	v59 =	vld [tilespmem:$0x1FFD0]  }
0x1a1: {  	v34 =	vmul.f32 v34, v24;
	v20 =	vsub.f32 v20, v26;
	v24 =	vmul.f32 v29, v18  }
0x1a2: {  	v14 =	vadd.f32 v14, v33;
	v37 =	vmul.f32 v37, v5;
	v52 =	vmul.f32 v50, v5  }
0x1a3: {  	v28 =	vsub.f32 v28, v2;
	v20 =	vmul.f32 v20, v18;
	v33 =	vadd.f32 v24, v10  }
0x1a4: {  	s0 =	simm.s32 $0x1D1A0;
	v37 =	vadd.f32 v37, v49;
	v0 =	vadd.f32 v52, v48  }
0x1a5: {  	v24 =	vadd.f32 v20, v26;
	v26 =	vadd.f32 v23, v1;
	[tilespmem:s0+$0x10] =	vst v59  }
0x1a6: {  	s19 =	simm.s32 $0x1D1E0;
	v28 =	vmul.f32 v28, v25;
	v25 =	vsub.f32 v0, v37;
	v0 =	vld [tilespmem:$0x1FFE0]  }
0x1a7: {  	v53 =	vadd.f32 v34, v35;
	v20 =	vld.idx.msk [tilespmem:v41+s17+$0x0], $0xffff;
	[tilespmem:s19+$0x10] =	vst v26  }
0x1a8: {  	v29 =	vadd.f32 v28, v2;
	v63 =	vld [tilespmem:$0x1FFF0]  }
0x1a9: {  	v24 =	vsub.f32 v24, v33;
	v14 =	vsub.f32 v14, v53;
	v23 =	vld.idx.msk [tilespmem:v43+s17+$0x0], $0xffff;
	v25 =	vmul.f32 v25, v30  }
0x1aa: {  	v61 =	vmov v13;
	v57 =	vmov v7;
	v54 =	vsub.f32 v22, v29;
	v22 =	vld.idx.msk [tilespmem:v40+s17+$0x0], $0xffff  }
0x1ab: {  	v35 =	vmul.f32 v24, v19;
	v24 =	vld.idx.msk [tilespmem:v58+s17+$0x0], $0xffff;
	v21 =	vadd.f32 v25, v37;
	v28 =	vmul.f32 v14, v0  }
0x1ac: {  	v60 =	vmovc v12;
	v56 =	vmovc v6;
	v46 =	vmov v5;
	v39 =	vmov v3;
	v19 =	vand.u32 $0xFFFF0000, v27;
	v25 =	vld.idx.msk [tilespmem:v42+s17+$0x0], $0xffff  }
0x1ad: {  	s18 =	simm.s32 $0x1D1E0;
	s22 =	simm.s32 $0x1ABA0;
	s21 =	simm.s32 $0x4;
	v26 =	vld.idx.msk [tilespmem:v62+s17+$0x0], $0xffff;
	[tilespmem:s15+$0x0] =	vst v21;
	v36 =	vmul.f32 v54, v63;
	v21 =	vadd.f32 v28, v53;
	v28 =	vshll.u32 v27, $0x10  }
.LBB2_3:
0x1ae: {  	v27 =	vld [tilespmem:s22+$0x10]  }
0x1af: {  	[tilespmem:$0x1FF20] =	vst v51;
	s11 =	sadd.s32 $0x40, s11;
	v53 =	vld [tilespmem:s22+$0x0]  }
0x1b0: {  	[tilespmem:$0x1FF40] =	vst v29;
	s14 =	sadd.s32 $0x40, s14;
	v29 =	vld [tilespmem:s11+$0x10]  }
0x1b1: {  	[tilespmem:$0x1FF60] =	vst v47;
	v47 =	vld [tilespmem:s14+$0x10]  }
0x1b2: {  	[tilespmem:$0x1FEA0] =	vst v28;
	v28 =	vsub.f32 v19, v28;
	v41 =	vld [tilespmem:s11+$0xFFFFFFF0];
	v51 =	vshll.u32 v25, $0x10;
	v0 =	vshll.u32 v20, $0x10  }
0x1b3: {  	[tilespmem:$0x1FF30] =	vst v46;
	v62 =	vld [tilespmem:s11+$0x0];
	v20 =	vand.u32 $0xFFFF0000, v20;
	v46 =	vshll.u32 v23, $0x10;
	v23 =	vand.u32 $0xFFFF0000, v23  }
0x1b4: {  	[tilespmem:s0+$0xFFFFFFE0] =	vst v21;
	v5 =	vld [tilespmem:s14+$0x0];
	v48 =	vshll.u32 v22, $0x10;
	v22 =	vand.u32 $0xFFFF0000, v22;
	v32 =	vsub.f32 v20, v0  }
0x1b5: {  	v49 =	vld [tilespmem:s22+$0xFFFFFFE0];
	v52 =	vshll.u32 v24, $0x10;
	v34 =	vsub.f32 v23, v46;
	v50 =	vsub.f32 v22, v48  }
0x1b6: {  	[tilespmem:$0x1FF70] =	vst v39;
	v40 =	vld [tilespmem:s11+$0xFFFFFFE0];
	v23 =	vand.u32 $0xFFFF0000, v25;
	v27 =	vadd.f32 $-5.000000000e-01, v27;
	v39 =	vadd.f32 $-5.000000000e-01, v53  }
0x1b7: {  	v4 =	vld [tilespmem:s14+$0xFFFFFFF0];
	v25 =	vand.u32 $0xFFFF0000, v24;
	v38 =	vsub.f32 v23, v51;
	v29 =	vadd.f32 $-5.000000000e-01, v29  }
0x1b8: {  	v54 =	vmul.f32 v28, v17;
	v25 =	vsub.f32 v25, v52;
	v28 =	vadd.f32 $-5.000000000e-01, v47  }
0x1b9: {  	v37 =	vld [tilespmem:s22+$0xFFFFFFF0];
	[tilespmem:$0x1FF90] =	vst v35;
	v43 =	vadd.f32 $-5.000000000e-01, v41;
	v35 =	vadd.f32 $-5.000000000e-01, v62  }
0x1ba: {  	[tilespmem:$0x1FF50] =	vst v36;
	v36 =	vadd.f32 $-5.000000000e-01, v5;
	v58 =	vadd.f32 v27, v27  }
0x1bb: {  	v59 =	vadd.f32 $-5.000000000e-01, v49;
	v40 =	vadd.f32 $-5.000000000e-01, v40  }
0x1bc: {  	v63 =	vmul.f32 v34, v17;
	v12 =	vadd.f32 v39, v39;
	v34 =	vadd.f32 $-5.000000000e-01, v4  }
0x1bd: {  	v27 =	vmul.f32 v32, v17;
	v29 =	vadd.f32 v29, v29;
	v42 =	vadd.f32 v28, v28  }
0x1be: {  	v28 =	vmul.f32 v50, v17;
	v17 =	vadd.f32 $-5.000000000e-01, v37;
	v43 =	vadd.f32 v43, v43  }
0x1bf: {  	v35 =	vadd.f32 v35, v35;
	v36 =	vadd.f32 v36, v36  }
0x1c0: {  	[tilespmem:$0x1FF80] =	vst v33;
	v41 =	vld.idx.msk [tilespmem:v16+s17+$0x0], $0xffff;
	v33 =	vadd.f32 $1.000000000e+00, v58;
	v16 =	vadd.f32 v59, v59  }
0x1c1: {  	v13 =	vld.idx.msk [tilespmem:v15+s17+$0x0], $0xffff;
	v1 =	vshll.u32 v26, $0x10;
	v15 =	vadd.f32 v40, v40;
	v6 =	vadd.f32 $1.000000000e+00, v29  }
0x1c2: {  	v12 =	vadd.f32 $1.000000000e+00, v12;
	v42 =	vadd.f32 $1.000000000e+00, v42;
	v33 =	vmul.f32 $5.000000000e-01, v33  }
0x1c3: {  	v34 =	vadd.f32 v34, v34;
	v29 =	vmul.f32 v38, v57;
	v37 =	vmul.f32 $5.000000000e-01, v6  }
0x1c4: {  	v44 =	vadd.f32 v17, v17;
	v42 =	vmul.f32 $5.000000000e-01, v42;
	v33 =	vmul.f32 $3.200000000e+01, v33  }
0x1c5: {  	v43 =	vadd.f32 $1.000000000e+00, v43;
	v35 =	vadd.f32 $1.000000000e+00, v35;
	v17 =	vmul.f32 $3.200000000e+01, v37  }
0x1c6: {  	[tilespmem:$0x1FEB0] =	vst v54;
	v36 =	vadd.f32 $1.000000000e+00, v36;
	v54 =	vmul.f32 $3.200000000e+01, v42;
	v58 =	vmax.f32 v33, $0.0e+00  }
0x1c7: {  	v16 =	vadd.f32 $1.000000000e+00, v16;
	v39 =	vmin.f32 v58, $3.200000000e+01;
	v17 =	vmax.f32 v17, $0.0e+00  }
0x1c8: {  	v37 =	vmax.f32 v54, $0.0e+00;
	v9 =	vmin.f32 v17, $3.200000000e+01;
	v17 =	vtrunc.f32 v39  }
0x1c9: {  	v37 =	vmin.f32 v37, $3.200000000e+01;
	v40 =	vcvt.f32.s32 v17;
	v17 =	vtrunc.f32 v9  }
0x1ca: {  	v15 =	vadd.f32 $1.000000000e+00, v15;
	v59 =	vtrunc.f32 v37;
	v47 =	vcvt.f32.s32 v17  }
0x1cb: {  	[tilespmem:$0x1FEF0] =	vst v48;
	v48 =	vld.idx.msk [tilespmem:v60+s17+$0x0], $0xffff;
	v12 =	vmul.f32 $5.000000000e-01, v12;
	v60 =	vcvt.f32.s32 v59;
	v17 =	vadd.s32 $0x1, v40  }
0x1cc: {  	v33 =	vld.idx.msk [tilespmem:v61+s17+$0x0], $0xffff;
	v45 =	vmul.u32 $0x21, v40;
	vm0 =	vlt.s32 v17, $0x20;
	v61 =	vadd.s32 $0x1, v47  }
0x1cd: {  	v49 =	vmul.u32 $0x441, v47;
	v17 =	vnsel vm0, $0x20, v17;
	vm12 =	vlt.s32 v61, $0x20  }
0x1ce: {  	v7 =	vld [tilespmem:s14+$0xFFFFFFE0];
	[tilespmem:$0x1FF10] =	vst v52;
	v62 =	vadd.s32 v60, v45;
	v42 =	vnsel vm12, $0x20, v61;
	v50 =	vmul.u32 $0x21, v17  }
0x1cf: {  	[tilespmem:$0x1FEE0] =	vst v63;
	v17 =	vadd.s32 v49, v62;
	v63 =	vadd.s32 v60, v49;
	v52 =	vmul.u32 $0x441, v42  }
0x1d0: {  	[tilespmem:$0x1FEC0] =	vst v0;
	v34 =	vadd.f32 $1.000000000e+00, v34;
	v0 =	vadd.f32 $1.000000000e+00, v44;
	v45 =	vadd.s32 v50, v63  }
0x1d1: {  	[tilespmem:$0x1FE90] =	vst v1;
	v43 =	vmul.f32 $5.000000000e-01, v43;
	v1 =	vadd.s32 v60, v50;
	v42 =	vadd.s32 v52, v62  }
0x1d2: {  	v35 =	vmul.f32 $5.000000000e-01, v35;
	v36 =	vmul.f32 $5.000000000e-01, v36;
	v44 =	vadd.s32 v52, v1  }
0x1d3: {  	v32 =	vld.idx.msk [tilespmem:v55+s17+$0x0], $0xffff;
	v38 =	vadd.f32 $-5.000000000e-01, v7;
	v16 =	vmul.f32 $5.000000000e-01, v16;
	v15 =	vmul.f32 $5.000000000e-01, v15  }
0x1d4: {  	v24 =	vand.u32 $0xFFFF0000, v13;
	v12 =	vmul.f32 $3.200000000e+01, v12;
	v34 =	vmul.f32 $5.000000000e-01, v34;
	v2 =	vld.idx.msk [tilespmem:v17+s3+$0x0], $0xffff  }
0x1d5: {  	v38 =	vadd.f32 v38, v38;
	v43 =	vmul.f32 $3.200000000e+01, v43;
	v16 =	vmul.f32 $3.200000000e+01, v16;
	v3 =	vld.idx.msk [tilespmem:v45+s3+$0x0], $0xffff  }
0x1d6: {  	v35 =	vmul.f32 $3.200000000e+01, v35;
	v15 =	vmul.f32 $3.200000000e+01, v15;
	v12 =	vmax.f32 v12, $0.0e+00;
	v4 =	vld.idx.msk [tilespmem:v42+s3+$0x0], $0xffff  }
0x1d7: {  	v55 =	vmin.f32 v12, $3.200000000e+01;
	v16 =	vmax.f32 v16, $0.0e+00;
	v40 =	vcvt.s32.f32 v40;
	v53 =	vld.idx.msk [tilespmem:v44+s3+$0x0], $0xffff  }
0x1d8: {  	[tilespmem:$0x1FED0] =	vst v46;
	v15 =	vmax.f32 v15, $0.0e+00;
	v46 =	vcvt.s32.f32 v60;
	v49 =	vmul.f32 $5.000000000e-01, v0  }
0x1d9: {  	v0 =	vcvt.s32.f32 v47;
	v54 =	vshll.u32 v2, $0x10;
	v5 =	vand.u32 $0xFFFF0000, v2  }
0x1da: {  	v50 =	vsub.f32 v37, v46;
	v6 =	vsub.f32 v5, v54;
	v7 =	vshll.u32 v3, $0x10  }
0x1db: {  	[tilespmem:$0x1FF00] =	vst v51;
	v51 =	vand.u32 $0xFFFF0000, v3;
	v8 =	vshll.u32 v4, $0x10;
	v52 =	vand.u32 $0xFFFF0000, v4  }
0x1dc: {  	v51 =	vsub.f32 v51, v7;
	v10 =	vshll.u32 v53, $0x10;
	v53 =	vand.u32 $0xFFFF0000, v53  }
0x1dd: {  	v49 =	vmul.f32 $3.200000000e+01, v49;
	v52 =	vsub.f32 v52, v8;
	v53 =	vsub.f32 v53, v10  }
0x1de: {  	v22 =	vmovc v57;
	v57 =	vmin.f32 v15, $3.200000000e+01;
	v37 =	vmul.f32 v50, v6;
	v51 =	vmul.f32 v50, v51  }
0x1df: {  	v63 =	vmax.f32 v43, $0.0e+00;
	v59 =	vmul.f32 v50, v52;
	v60 =	vmul.f32 v50, v53  }
0x1e0: {  	v43 =	vshll.u32 v13, $0x10;
	v37 =	vadd.f32 v54, v37;
	v61 =	vadd.f32 v7, v51  }
0x1e1: {  	v13 =	vtrunc.f32 v57;
	v62 =	vadd.f32 v8, v59;
	v52 =	vadd.f32 v10, v60  }
0x1e2: {  	v11 =	vmax.f32 v49, $0.0e+00;
	v49 =	vmin.f32 v16, $3.200000000e+01;
	v51 =	vsub.f32 v39, v40  }
0x1e3: {  	v46 =	vmin.f32 v11, $3.200000000e+01;
	v12 =	vsub.f32 v61, v37;
	v16 =	vsub.f32 v52, v62  }
0x1e4: {  	v1 =	vtrunc.f32 v49;
	v2 =	vtrunc.f32 v46  }
0x1e5: {  	v38 =	vadd.f32 $1.000000000e+00, v38;
	v12 =	vmul.f32 v12, v51;
	v15 =	vmul.f32 v16, v51  }
0x1e6: {  	v35 =	vmax.f32 v35, $0.0e+00;
	v54 =	vcvt.f32.s32 v2;
	v53 =	vcvt.f32.s32 v1  }
0x1e7: {  	v58 =	vmin.f32 v63, $3.200000000e+01;
	v12 =	vadd.f32 v12, v37;
	v15 =	vadd.f32 v15, v62  }
0x1e8: {  	v6 =	vadd.s32 $0x1, v54;
	v59 =	vmin.f32 v35, $3.200000000e+01;
	v4 =	vadd.s32 $0x1, v53  }
0x1e9: {  	vm2 =	vlt.s32 v6, $0x20;
	v52 =	vsub.f32 v9, v0;
	v3 =	vsub.f32 v15, v12  }
0x1ea: {  	v61 =	vcvt.f32.s32 v13;
	v13 =	vmul.f32 $3.200000000e+01, v36;
	vm13 =	vlt.s32 v4, $0x20  }
0x1eb: {  	v5 =	vtrunc.f32 v59;
	v35 =	vnsel vm13, $0x20, v4;
	v9 =	vmul.f32 v3, v52  }
0x1ec: {  	v13 =	vmax.f32 v13, $0.0e+00;
	v35 =	vmul.u32 $0x21, v35;
	v16 =	vmul.f32 $5.000000000e-01, v38  }
0x1ed: {  	v2 =	vmin.f32 v13, $3.200000000e+01;
	v13 =	vnsel vm2, $0x20, v6;
	v9 =	vadd.f32 v9, v12  }
0x1ee: {  	s7 =	sadd.s32 $0x40, s7;
	v37 =	vadd.s32 $0x1, v61;
	v62 =	vcvt.f32.s32 v5;
	v12 =	vmul.f32 $3.200000000e+01, v16  }
0x1ef: {  	vm1 =	vlt.s32 v37, $0x20;
	v15 =	vtrunc.f32 v55;
	v16 =	vmul.f32 $3.200000000e+01, v34;
	[tilespmem:s7+$0x10] =	vst v9  }
0x1f0: {  	v60 =	vcvt.f32.s32 v15;
	v15 =	vtrunc.f32 v58;
	v40 =	vmax.f32 v12, $0.0e+00;
	v12 =	vld.idx.msk [tilespmem:v17+s16+$0x0], $0xffff  }
0x1f1: {  	v37 =	vnsel vm1, $0x20, v37;
	v63 =	vcvt.f32.s32 v15;
	v15 =	vmax.f32 v16, $0.0e+00;
	v16 =	vld.idx.msk [tilespmem:v45+s16+$0x0], $0xffff  }
0x1f2: {  	v8 =	vmul.u32 $0x21, v13;
	v39 =	vadd.s32 $0x1, v62;
	v37 =	vmul.u32 $0x441, v37;
	v47 =	vld.idx.msk [tilespmem:v42+s16+$0x0], $0xffff  }
0x1f3: {  	vm15 =	vlt.s32 v39, $0x20;
	v3 =	vtrunc.f32 v2;
	v7 =	vadd.s32 $0x1, v60;
	v11 =	vld.idx.msk [tilespmem:v44+s16+$0x0], $0xffff  }
0x1f4: {  	v3 =	vcvt.f32.s32 v3;
	vm3 =	vlt.s32 v7, $0x20;
	v10 =	vmul.u32 $0x441, v63  }
0x1f5: {  	v21 =	vmovc v56;
	v9 =	vadd.s32 $0x1, v63;
	v56 =	vmin.f32 v40, $3.200000000e+01;
	v0 =	vmin.f32 v15, $3.200000000e+01  }
0x1f6: {  	v15 =	vnsel vm3, $0x20, v7;
	v34 =	vtrunc.f32 v56;
	v4 =	vshll.u32 v12, $0x10  }
0x1f7: {  	v12 =	vand.u32 $0xFFFF0000, v12;
	v5 =	vshll.u32 v16, $0x10;
	v16 =	vand.u32 $0xFFFF0000, v16  }
0x1f8: {  	[tilespmem:$0x1FFA0] =	vst v30;
	v30 =	vshll.u32 v47, $0x10;
	v38 =	vand.u32 $0xFFFF0000, v47;
	v47 =	vmovc v31;
	v31 =	vshll.u32 v11, $0x10  }
0x1f9: {  	v40 =	vand.u32 $0xFFFF0000, v11;
	v12 =	vsub.f32 v12, v4;
	v16 =	vsub.f32 v16, v5  }
0x1fa: {  	v36 =	vtrunc.f32 v0;
	v38 =	vsub.f32 v38, v30;
	v40 =	vsub.f32 v40, v31  }
0x1fb: {  	vm14 =	vlt.s32 v9, $0x20;
	v12 =	vmul.f32 v12, v50;
	v13 =	vmul.f32 v16, v50  }
0x1fc: {  	v9 =	vnsel vm14, $0x20, v9;
	v16 =	vmul.f32 v38, v50;
	v1 =	vmul.f32 v40, v50  }
0x1fd: {  	v14 =	vcvt.f32.s32 v34;
	v4 =	vadd.f32 v4, v12;
	v5 =	vadd.f32 v5, v13  }
0x1fe: {  	v11 =	vmul.u32 $0x441, v62;
	v12 =	vadd.f32 v30, v16;
	v13 =	vadd.f32 v31, v1  }
0x1ff: {  	v15 =	vmul.u32 $0x21, v15;
	v34 =	vmul.u32 $0x441, v9;
	v9 =	vadd.s32 v14, v35  }
0x200: {  	v7 =	vadd.s32 v3, v11;
	v5 =	vsub.f32 v5, v4;
	v13 =	vsub.f32 v13, v12  }
0x201: {  	v38 =	vmul.u32 $0x21, v54;
	v40 =	vadd.s32 v3, v15;
	v1 =	vcvt.f32.s32 v36  }
0x202: {  	v30 =	vmul.u32 $0x441, v61;
	v5 =	vmul.f32 v5, v51;
	v13 =	vmul.f32 v13, v51  }
0x203: {  	v31 =	vnsel vm15, $0x20, v39;
	v39 =	vmul.u32 $0x21, v60;
	v18 =	vadd.s32 v1, v10  }
0x204: {  	v4 =	vadd.f32 v5, v4;
	v36 =	vadd.f32 v13, v12;
	v12 =	vadd.s32 v1, v8  }
0x205: {  	v6 =	vadd.s32 v3, v39;
	v13 =	vadd.s32 v14, v30;
	v20 =	vadd.s32 v34, v12  }
0x206: {  	v39 =	vadd.s32 v35, v13;
	v35 =	vadd.s32 v8, v18;
	v5 =	vsub.f32 v36, v4  }
0x207: {  	v16 =	vmul.u32 $0x21, v53;
	v31 =	vmul.u32 $0x441, v31;
	v36 =	vadd.s32 v37, v9  }
0x208: {  	v19 =	vadd.s32 v15, v7;
	v60 =	vcvt.s32.f32 v60;
	v5 =	vmul.f32 v5, v52  }
0x209: {  	v16 =	vadd.s32 v14, v16;
	v38 =	vadd.s32 v1, v38;
	v23 =	vadd.s32 v31, v40  }
0x20a: {  	v40 =	vadd.s32 v30, v16;
	v15 =	vadd.s32 v31, v6;
	v4 =	vadd.f32 v5, v4;
	v8 =	vld.idx.msk [tilespmem:v20+s3+$0x0], $0xffff  }
0x20b: {  	s15 =	sadd.s32 $0x40, s15;
	v34 =	vadd.s32 v34, v38;
	v38 =	vadd.s32 v10, v38;
	v10 =	vcvt.s32.f32 v14;
	v13 =	vld.idx.msk [tilespmem:v35+s3+$0x0], $0xffff  }
0x20c: {  	v37 =	vadd.s32 v37, v16;
	v16 =	vadd.s32 v11, v6;
	v11 =	vcvt.s32.f32 v53;
	v6 =	vld.idx.msk [tilespmem:v36+s3+$0x0], $0xffff;
	[tilespmem:s15+$0x10] =	vst v4  }
0x20d: {  	v3 =	vcvt.s32.f32 v3;
	v1 =	vcvt.s32.f32 v1;
	v53 =	vshll.u32 v41, $0x10;
	v5 =	vld.idx.msk [tilespmem:v17+s17+$0x0], $0xffff  }
0x20e: {  	v49 =	vsub.f32 v49, v11;
	v11 =	vcvt.s32.f32 v62;
	v7 =	vld.idx.msk [tilespmem:v45+s17+$0x0], $0xffff;
	v17 =	vsub.f32 v56, v10  }
0x20f: {  	v56 =	vsub.f32 v0, v1;
	v45 =	vcvt.s32.f32 v54;
	v1 =	vld.idx.msk [tilespmem:v42+s17+$0x0], $0xffff;
	v54 =	vsub.f32 v2, v3  }
0x210: {  	v3 =	vld.idx.msk [tilespmem:v44+s17+$0x0], $0xffff;
	v42 =	vcvt.s32.f32 v61;
	v0 =	vcvt.s32.f32 v63;
	v44 =	vsub.f32 v59, v11  }
0x211: {  	v46 =	vsub.f32 v46, v45;
	v45 =	vsub.f32 v55, v60;
	v60 =	vand.u32 $0xFFFF0000, v41  }
0x212: {  	v41 =	vsub.f32 v57, v42;
	v42 =	vsub.f32 v58, v0;
	v55 =	vshll.u32 v48, $0x10  }
0x213: {  	v48 =	vand.u32 $0xFFFF0000, v48;
	v61 =	vshll.u32 v8, $0x10;
	v8 =	vand.u32 $0xFFFF0000, v8  }
0x214: {  	v62 =	vshll.u32 v13, $0x10;
	v13 =	vand.u32 $0xFFFF0000, v13;
	v31 =	vshll.u32 v6, $0x10  }
0x215: {  	v6 =	vand.u32 $0xFFFF0000, v6;
	v8 =	vsub.f32 v8, v61;
	v13 =	vsub.f32 v13, v62  }
0x216: {  	v58 =	vld.idx.msk [tilespmem:v15+s3+$0x0], $0xffff;
	v6 =	vsub.f32 v6, v31;
	v2 =	vshll.u32 v5, $0x10;
	v5 =	vand.u32 $0xFFFF0000, v5  }
0x217: {  	v11 =	vshll.u32 v7, $0x10;
	v7 =	vand.u32 $0xFFFF0000, v7;
	v14 =	vshll.u32 v1, $0x10  }
0x218: {  	v1 =	vand.u32 $0xFFFF0000, v1;
	v18 =	vshll.u32 v3, $0x10;
	v3 =	vand.u32 $0xFFFF0000, v3  }
0x219: {  	v0 =	vld.idx.msk [tilespmem:v23+s3+$0x0], $0xffff;
	v8 =	vmul.f32 v56, v8;
	v5 =	vsub.f32 v5, v2;
	v7 =	vsub.f32 v7, v11  }
0x21a: {  	v4 =	vld.idx.msk [tilespmem:v39+s3+$0x0], $0xffff;
	v13 =	vmul.f32 v56, v13;
	v1 =	vsub.f32 v1, v14;
	v3 =	vsub.f32 v3, v18  }
0x21b: {  	v10 =	vld.idx.msk [tilespmem:v37+s3+$0x0], $0xffff;
	v6 =	vmul.f32 v17, v6;
	v9 =	vshll.u32 v58, $0x10;
	v5 =	vmul.f32 v5, v50  }
0x21c: {  	v8 =	vadd.f32 v61, v8;
	v7 =	vmul.f32 v7, v50;
	v1 =	vmul.f32 v1, v50  }
0x21d: {  	v3 =	vmul.f32 v3, v50;
	v6 =	vadd.f32 v31, v6;
	v2 =	vadd.f32 v2, v5  }
0x21e: {  	v30 =	vld.idx.msk [tilespmem:v34+s3+$0x0], $0xffff;
	v63 =	vadd.f32 v11, v7;
	v11 =	vshll.u32 v0, $0x10;
	v1 =	vadd.f32 v14, v1  }
0x21f: {  	v7 =	vld.idx.msk [tilespmem:v16+s3+$0x0], $0xffff;
	v3 =	vadd.f32 v18, v3;
	v14 =	vshll.u32 v4, $0x10;
	v0 =	vand.u32 $0xFFFF0000, v0  }
0x220: {  	v4 =	vand.u32 $0xFFFF0000, v4;
	v18 =	vshll.u32 v10, $0x10;
	v0 =	vsub.f32 v0, v11  }
0x221: {  	v59 =	vld.idx.msk [tilespmem:v40+s3+$0x0], $0xffff;
	v10 =	vand.u32 $0xFFFF0000, v10;
	v4 =	vsub.f32 v4, v14;
	v5 =	vsub.f32 v63, v2  }
0x222: {  	v58 =	vand.u32 $0xFFFF0000, v58;
	v10 =	vsub.f32 v10, v18;
	v3 =	vsub.f32 v3, v1  }
0x223: {  	v50 =	vld.idx.msk [tilespmem:v38+s3+$0x0], $0xffff;
	v63 =	vshll.u32 v30, $0x10;
	v0 =	vmul.f32 v54, v0;
	v5 =	vmul.f32 v5, v51  }
0x224: {  	v4 =	vmul.f32 v17, v4;
	v3 =	vmul.f32 v3, v51;
	v12 =	vshll.u32 v7, $0x10  }
0x225: {  	v7 =	vand.u32 $0xFFFF0000, v7;
	v0 =	vadd.f32 v11, v0;
	v2 =	vadd.f32 v5, v2  }
0x226: {  	v57 =	vld.idx.msk [tilespmem:v19+s3+$0x0], $0xffff;
	v1 =	vadd.f32 v3, v1;
	v3 =	vshll.u32 v59, $0x10;
	v5 =	vand.u32 $0xFFFF0000, v59  }
0x227: {  	v30 =	vand.u32 $0xFFFF0000, v30;
	v7 =	vsub.f32 v7, v12;
	v5 =	vsub.f32 v5, v3  }
0x228: {  	v4 =	vadd.f32 v14, v4;
	v59 =	vshll.u32 v50, $0x10;
	v1 =	vsub.f32 v1, v2  }
0x229: {  	v50 =	vand.u32 $0xFFFF0000, v50;
	v7 =	vmul.f32 v54, v7;
	v5 =	vmul.f32 v17, v5  }
0x22a: {  	v1 =	vmul.f32 v1, v52;
	v52 =	vsub.f32 v58, v9;
	v58 =	vsub.f32 v50, v59  }
0x22b: {  	v51 =	vshll.u32 v57, $0x10;
	v50 =	vadd.f32 v62, v13;
	v7 =	vadd.f32 v12, v7  }
0x22c: {  	v57 =	vand.u32 $0xFFFF0000, v57;
	v3 =	vadd.f32 v3, v5;
	v1 =	vadd.f32 v1, v2  }
0x22d: {  	v13 =	vshll.u32 v33, $0x10;
	v2 =	vsub.f32 v30, v63;
	v30 =	vsub.f32 v57, v51  }
0x22e: {  	v12 =	vand.u32 $0xFFFF0000, v32;
	v57 =	vmul.f32 v17, v10;
	v31 =	vmul.f32 v54, v52  }
0x22f: {  	s19 =	sadd.s32 $0x40, s19;
	v10 =	vmul.f32 v56, v58;
	v4 =	vsub.f32 v4, v3;
	v30 =	vmul.f32 v54, v30  }
0x230: {  	[tilespmem:s19+$0x10] =	vst v1;
	v1 =	vadd.f32 v18, v57;
	v9 =	vadd.f32 v9, v31;
	v18 =	vand.u32 $0xFFFF0000, v33  }
0x231: {  	v52 =	vadd.f32 v59, v10;
	v10 =	vshll.u32 v32, $0x10;
	v32 =	vsub.f32 v48, v55  }
0x232: {  	v2 =	vmul.f32 v56, v2;
	v33 =	vsub.f32 v18, v13;
	v48 =	vsub.f32 v12, v10  }
0x233: {  	v4 =	vmul.f32 v4, v49;
	v14 =	vadd.f32 v51, v30;
	v6 =	vsub.f32 v6, v1  }
0x234: {  	v12 =	vld [tilespmem:$0x1FF00];
	v0 =	vsub.f32 v0, v9;
	v11 =	vsub.f32 v50, v52  }
0x235: {  	v2 =	vadd.f32 v63, v2;
	v3 =	vadd.f32 v4, v3;
	v6 =	vmul.f32 v6, v49  }
0x236: {  	v30 =	vld [tilespmem:$0x1FE90];
	v14 =	vsub.f32 v14, v7;
	v0 =	vmul.f32 v0, v45;
	v57 =	vmul.f32 v11, v46  }
0x237: {  	v8 =	vsub.f32 v8, v2;
	v1 =	vadd.f32 v6, v1  }
0x238: {  	v61 =	vmovc v15;
	v58 =	vmul.f32 v14, v45;
	v0 =	vadd.f32 v0, v9;
	v59 =	vadd.f32 v57, v52  }
0x239: {  	v15 =	vmovc v20;
	v8 =	vmul.f32 v8, v46;
	v52 =	vsub.f32 v60, v53;
	v20 =	vadd.f32 v12, v29  }
0x23a: {  	v26 =	vand.u32 $0xFFFF0000, v26;
	v62 =	vld [tilespmem:$0x1FEC0];
	v5 =	vadd.f32 v58, v7;
	v1 =	vsub.f32 v1, v3  }
0x23b: {  	v12 =	vld [tilespmem:$0x1FF10];
	v50 =	vsub.f32 v26, v30;
	v2 =	vadd.f32 v8, v2;
	v4 =	vmul.f32 v52, v21  }
0x23c: {  	v52 =	vmul.f32 v32, v21;
	v32 =	vld [tilespmem:$0x1FED0];
	v0 =	vsub.f32 v0, v5;
	v1 =	vmul.f32 v1, v41  }
0x23d: {  	v51 =	vsub.f32 v24, v43;
	v7 =	vmul.f32 v33, v21;
	v33 =	vld [tilespmem:$0x1FEE0];
	v6 =	vmul.f32 v50, v22  }
0x23e: {  	v50 =	vld [tilespmem:$0x1FEA0];
	v2 =	vsub.f32 v2, v59;
	v0 =	vmul.f32 v0, v44;
	v1 =	vadd.f32 v1, v3  }
0x23f: {  	v25 =	vmul.f32 v25, v22;
	v3 =	vmul.f32 v51, v22;
	v51 =	vld [tilespmem:$0x1FEB0]  }
0x240: {  	v2 =	vmul.f32 v2, v42;
	v0 =	vadd.f32 v0, v5;
	[tilespmem:s7+$0xFFFFFFE0] =	vst v1;
	v5 =	vmul.f32 v48, v21;
	v48 =	vld [tilespmem:$0x1FEF0]  }
0x241: {  	v8 =	vld.idx.msk [tilespmem:v40+s16+$0x0], $0xffff  }
0x242: {  	v12 =	vadd.f32 v12, v25;
	v2 =	vadd.f32 v2, v59;
	v63 =	vld.idx.msk [tilespmem:v39+s16+$0x0], $0xffff  }
0x243: {  	v25 =	vadd.f32 v55, v52;
	v55 =	vmov v23;
	v23 =	vadd.f32 v13, v7;
	v14 =	vld.idx.msk [tilespmem:v36+s16+$0x0], $0xffff  }
0x244: {  	v22 =	vadd.f32 v53, v4;
	[tilespmem:s7+$0xFFFFFFF0] =	vst v2;
	v18 =	vadd.f32 v50, v51;
	v50 =	vld.idx.msk [tilespmem:v37+s16+$0x0], $0xffff  }
0x245: {  	v60 =	vmov v19;
	v19 =	vadd.f32 v32, v33;
	v21 =	vadd.f32 v30, v6;
	v51 =	vld.idx.msk [tilespmem:v38+s16+$0x0], $0xffff  }
0x246: {  	v57 =	vmovc v56;
	v56 =	vmov v54;
	v24 =	vadd.f32 v43, v3;
	v2 =	vadd.f32 v62, v27;
	v52 =	vld.idx.msk [tilespmem:v35+s16+$0x0], $0xffff  }
0x247: {  	[tilespmem:s7+$0x0] =	vst v0;
	v26 =	vadd.f32 v10, v5;
	v54 =	vld.idx.msk [tilespmem:v34+s16+$0x0], $0xffff;
	v0 =	vadd.f32 v48, v28;
	v4 =	vshll.u32 v8, $0x10  }
0x248: {  	v59 =	vld.idx.msk [tilespmem:v15+s16+$0x0], $0xffff;
	v53 =	vand.u32 $0xFFFF0000, v8;
	v7 =	vshll.u32 v63, $0x10;
	v58 =	vand.u32 $0xFFFF0000, v63  }
0x249: {  	v13 =	vld.idx.msk [tilespmem:v16+s16+$0x0], $0xffff;
	v27 =	vshll.u32 v14, $0x10;
	v14 =	vand.u32 $0xFFFF0000, v14;
	v5 =	vsub.f32 v53, v4  }
0x24a: {  	v30 =	vld.idx.msk [tilespmem:v61+s16+$0x0], $0xffff;
	v8 =	vsub.f32 v58, v7;
	v14 =	vsub.f32 v14, v27;
	v62 =	vshll.u32 v50, $0x10  }
0x24b: {  	v11 =	vand.u32 $0xFFFF0000, v50;
	v29 =	vshll.u32 v51, $0x10;
	v3 =	vand.u32 $0xFFFF0000, v51  }
0x24c: {  	v31 =	vshll.u32 v52, $0x10;
	v1 =	vand.u32 $0xFFFF0000, v52;
	v33 =	vshll.u32 v54, $0x10  }
0x24d: {  	v28 =	vld.idx.msk [tilespmem:v60+s16+$0x0], $0xffff;
	v6 =	vand.u32 $0xFFFF0000, v54;
	v43 =	vshll.u32 v59, $0x10;
	v9 =	vand.u32 $0xFFFF0000, v59  }
0x24e: {  	v48 =	vshll.u32 v13, $0x10;
	v13 =	vand.u32 $0xFFFF0000, v13;
	v11 =	vsub.f32 v11, v62  }
0x24f: {  	v63 =	vld.idx.msk [tilespmem:v55+s16+$0x0], $0xffff;
	v51 =	vshll.u32 v30, $0x10;
	v3 =	vsub.f32 v3, v29;
	v1 =	vsub.f32 v1, v31  }
0x250: {  	v30 =	vand.u32 $0xFFFF0000, v30;
	v6 =	vsub.f32 v6, v33;
	v9 =	vsub.f32 v9, v43  }
0x251: {  	v13 =	vsub.f32 v13, v48;
	v30 =	vsub.f32 v30, v51  }
0x252: {  	v5 =	vmul.f32 v5, v17;
	v50 =	vshll.u32 v28, $0x10;
	v28 =	vand.u32 $0xFFFF0000, v28  }
0x253: {  	v8 =	vmul.f32 v8, v17;
	v14 =	vmul.f32 v14, v17;
	v28 =	vsub.f32 v28, v50  }
0x254: {  	v52 =	vshll.u32 v63, $0x10;
	v32 =	vand.u32 $0xFFFF0000, v63;
	v11 =	vmul.f32 v11, v17  }
0x255: {  	v4 =	vadd.f32 v4, v5;
	v3 =	vmul.f32 v3, v57;
	v1 =	vmul.f32 v1, v57  }
0x256: {  	v53 =	vadd.f32 v7, v8;
	v6 =	vmul.f32 v6, v57;
	v63 =	vadd.f32 v27, v14  }
0x257: {  	v54 =	vmul.f32 v9, v57;
	v32 =	vsub.f32 v32, v52;
	v58 =	vadd.f32 v62, v11  }
0x258: {  	v59 =	vmul.f32 v13, v56;
	v3 =	vadd.f32 v29, v3;
	v1 =	vadd.f32 v31, v1  }
0x259: {  	v13 =	vmul.f32 v30, v56;
	v6 =	vadd.f32 v33, v6;
	v7 =	vadd.f32 v43, v54  }
0x25a: {  	v62 =	vmul.f32 v28, v56;
	v9 =	vadd.f32 v48, v59;
	v5 =	vsub.f32 v53, v4  }
0x25b: {  	v31 =	vmovc v49;
	v13 =	vadd.f32 v51, v13;
	v14 =	vmul.f32 v32, v56;
	v11 =	vsub.f32 v63, v58  }
0x25c: {  	v10 =	vadd.f32 v50, v62;
	v1 =	vsub.f32 v1, v3;
	v5 =	vmul.f32 v5, v31  }
0x25d: {  	v7 =	vsub.f32 v7, v6;
	v14 =	vadd.f32 v52, v14;
	v11 =	vmul.f32 v11, v31  }
0x25e: {  	v10 =	vsub.f32 v10, v9;
	v4 =	vadd.f32 v5, v4  }
0x25f: {  	v1 =	vmul.f32 v1, v46;
	v14 =	vsub.f32 v14, v13;
	v8 =	vadd.f32 v11, v58;
	v58 =	vld [tilespmem:$0x1FF20]  }
0x260: {  	v12 =	vsub.f32 v12, v20;
	v51 =	vmul.f32 v7, v46;
	v52 =	vmul.f32 v10, v45  }
0x261: {  	v1 =	vadd.f32 v1, v3;
	v53 =	vmul.f32 v14, v45;
	v8 =	vsub.f32 v8, v4  }
0x262: {  	v5 =	vadd.f32 v51, v6;
	v54 =	vadd.f32 v52, v9;
	v52 =	vld [tilespmem:$0x1FF40]  }
0x263: {  	v62 =	vsub.f32 v24, v21;
	v3 =	vadd.f32 v53, v13;
	v53 =	vld [tilespmem:$0x1FF50];
	v8 =	vmul.f32 v8, v41  }
0x264: {  	v2 =	vsub.f32 v2, v18;
	v5 =	vsub.f32 v5, v1;
	v59 =	vmul.f32 v12, v58;
	v12 =	vld [tilespmem:$0x1FF30]  }
0x265: {  	v0 =	vsub.f32 v0, v19;
	v9 =	vmul.f32 v62, v58;
	v58 =	vld [tilespmem:$0x1FF70];
	v4 =	vadd.f32 v8, v4  }
0x266: {  	v2 =	vmul.f32 v2, v47;
	v5 =	vmul.f32 v5, v42;
	v3 =	vsub.f32 v3, v54;
	v62 =	vld [tilespmem:$0x1FF90]  }
0x267: {  	v0 =	vmul.f32 v0, v47;
	v48 =	vadd.f32 v59, v20;
	v59 =	vld [tilespmem:$0x1FF80];
	[tilespmem:s15+$0xFFFFFFE0] =	vst v4  }
0x268: {  	v2 =	vadd.f32 v2, v18;
	v1 =	vadd.f32 v5, v1;
	v3 =	vmul.f32 v3, v44;
	v4 =	vld.idx.msk [tilespmem:v40+s17+$0x0], $0xffff  }
0x269: {  	v32 =	vsub.f32 v26, v23;
	v63 =	vsub.f32 v25, v22;
	v20 =	vld.idx.msk [tilespmem:v39+s17+$0x0], $0xffff  }
0x26a: {  	v0 =	vadd.f32 v0, v19;
	[tilespmem:s15+$0xFFFFFFF0] =	vst v1;
	v3 =	vadd.f32 v3, v54;
	v54 =	vld [tilespmem:$0x1FF60]  }
0x26b: {  	s21 =	sadd.s32 $0x4, s21;
	v7 =	vadd.f32 v53, v52;
	v25 =	vld.idx.msk [tilespmem:v38+s17+$0x0], $0xffff;
	v33 =	vmul.f32 v63, v12;
	v43 =	vmul.f32 v32, v12  }
0x26c: {  	p1 =	slt.u32 s21, $0x4C;
	v0 =	vsub.f32 v0, v2;
	v49 =	vadd.f32 v9, v21;
	v63 =	vld [tilespmem:$0x1FFA0]  }
.Ltmp0:
0x26d: {  	v24 =	vld.idx.msk [tilespmem:v35+s17+$0x0], $0xffff;
	[tilespmem:s0+$0xFFFFFFF0] =	vst v7;
	v50 =	vadd.f32 v33, v22;
	v5 =	vadd.f32 v43, v23;
	(pc) =	sbr.rel @p1 .LBB2_3-.Ltmp0, $4  }
0x26e: {  	v47 =	vmovc v41;
	v30 =	vmovc v44;
	v51 =	vmov v46;
	v46 =	vmov v45;
	v6 =	vsub.f32 v49, v48;
	v26 =	vld.idx.msk [tilespmem:v34+s17+$0x0], $0xffff  }
0x26f: {  	v23 =	vld.idx.msk [tilespmem:v37+s17+$0x0], $0xffff;
	v1 =	vadd.f32 v62, v59;
	v5 =	vsub.f32 v5, v50;
	v0 =	vmul.f32 v0, v54  }
0x270: {  	v29 =	vmovc v48;
	v39 =	vmov v42;
	[tilespmem:s15+$0x0] =	vst v3;
	v22 =	vld.idx.msk [tilespmem:v36+s17+$0x0], $0xffff;
	v36 =	vmul.f32 v6, v58;
	v28 =	vshll.u32 v4, $0x10  }
0x271: {  	s22 =	sadd.s32 $0x40, s22;
	v19 =	vand.u32 $0xFFFF0000, v4;
	[tilespmem:s0+$0x0] =	vst v1;
	v33 =	vmovc v50;
	s0 =	smov.u32 s18;
	s18 =	smov.u32 s19;
	v35 =	vmul.f32 v5, v63;
	v21 =	vadd.f32 v0, v2  }
0x272: {  	_ =	sdelay $0x1  }
0x273: {  	v0 =	vsub.f32 v19, v28  }
0x274: {  	v1 =	vshll.u32 v20, $0x10;
	v2 =	vand.u32 $0xFFFF0000, v20;
	v8 =	vshll.u32 v25, $0x10  }
0x275: {  	v6 =	vld.idx.msk [tilespmem:v15+s17+$0x0], $0xffff;
	v9 =	vand.u32 $0xFFFF0000, v25;
	v12 =	vshll.u32 v24, $0x10;
	v13 =	vand.u32 $0xFFFF0000, v24  }
0x276: {  	v10 =	vld.idx.msk [tilespmem:v16+s17+$0x0], $0xffff;
	v2 =	vsub.f32 v2, v1;
	v9 =	vsub.f32 v9, v8;
	v14 =	vshll.u32 v26, $0x10  }
0x277: {  	v11 =	vld.idx.msk [tilespmem:v60+s17+$0x0], $0xffff;
	v16 =	vand.u32 $0xFFFF0000, v26;
	v13 =	vsub.f32 v13, v12;
	v3 =	vshll.u32 v23, $0x10  }
0x278: {  	v15 =	vld.idx.msk [tilespmem:v61+s17+$0x0], $0xffff;
	v4 =	vand.u32 $0xFFFF0000, v23;
	v0 =	vmul.f32 v0, v17;
	v16 =	vsub.f32 v16, v14  }
0x279: {  	v18 =	vld.idx.msk [tilespmem:v55+s17+$0x0], $0xffff;
	v4 =	vsub.f32 v4, v3;
	v5 =	vshll.u32 v22, $0x10;
	v7 =	vand.u32 $0xFFFF0000, v22  }
0x27a: {  	v2 =	vmul.f32 v2, v17;
	v13 =	vmul.f32 v13, v57;
	v7 =	vsub.f32 v7, v5  }
0x27b: {  	v16 =	vmul.f32 v16, v57;
	v0 =	vadd.f32 v28, v0;
	v4 =	vmul.f32 v4, v17  }
0x27c: {  	v19 =	vshll.u32 v10, $0x10;
	v10 =	vand.u32 $0xFFFF0000, v10;
	v20 =	vshll.u32 v11, $0x10  }
0x27d: {  	v11 =	vand.u32 $0xFFFF0000, v11;
	v22 =	vshll.u32 v15, $0x10;
	v15 =	vand.u32 $0xFFFF0000, v15  }
0x27e: {  	v23 =	vshll.u32 v18, $0x10;
	v18 =	vand.u32 $0xFFFF0000, v18;
	v1 =	vadd.f32 v1, v2  }
0x27f: {  	v59 =	vadd.f32 v12, v13;
	v7 =	vmul.f32 v7, v17;
	v10 =	vsub.f32 v10, v19  }
0x280: {  	v17 =	vshll.u32 v6, $0x10;
	v11 =	vsub.f32 v11, v20;
	v15 =	vsub.f32 v15, v22  }
0x281: {  	v6 =	vand.u32 $0xFFFF0000, v6;
	v18 =	vsub.f32 v18, v23;
	v60 =	vadd.f32 v14, v16  }
0x282: {  	v9 =	vmul.f32 v9, v57;
	v6 =	vsub.f32 v6, v17;
	v53 =	vadd.f32 v3, v4  }
0x283: {  	v1 =	vsub.f32 v1, v0;
	v10 =	vmul.f32 v10, v56;
	v54 =	vmul.f32 v11, v56  }
0x284: {  	v55 =	vadd.f32 v5, v7;
	v58 =	vmul.f32 v15, v56;
	v61 =	vmul.f32 v18, v56  }
0x285: {  	v6 =	vmul.f32 v6, v57;
	v57 =	vadd.f32 v8, v9;
	v10 =	vadd.f32 v19, v10  }
0x286: {  	v3 =	vadd.f32 v20, v54;
	v7 =	vadd.f32 v22, v58  }
0x287: {  	v11 =	vadd.f32 v23, v61;
	v4 =	vsub.f32 v55, v53  }
0x288: {  	v6 =	vadd.f32 v17, v6;
	v8 =	vsub.f32 v59, v57  }
0x289: {  	v1 =	vmul.f32 v1, v31;
	v3 =	vsub.f32 v3, v10;
	v11 =	vsub.f32 v11, v7  }
0x28a: {  	v4 =	vmul.f32 v4, v31;
	v6 =	vsub.f32 v6, v60;
	v8 =	vmul.f32 v8, v51  }
0x28b: {  	v0 =	vadd.f32 v1, v0;
	v3 =	vmul.f32 v3, v46;
	v62 =	vmul.f32 v11, v46  }
0x28c: {  	v2 =	vadd.f32 v4, v53;
	v6 =	vmul.f32 v6, v51;
	v63 =	vadd.f32 v8, v57  }
0x28d: {  	v3 =	vadd.f32 v3, v10;
	v1 =	vadd.f32 v62, v7  }
0x28e: {  	v2 =	vsub.f32 v2, v0;
	v9 =	vadd.f32 v6, v60  }
0x28f: {  	v1 =	vsub.f32 v1, v3  }
0x290: {  	v32 =	vadd.f32 v35, v33;
	v2 =	vmul.f32 v2, v47;
	v5 =	vsub.f32 v9, v63  }
0x291: {  	[tilespmem:s0+$0xFFFFFFE0] =	vst v21;
	v11 =	vadd.f32 v36, v29;
	v1 =	vmul.f32 v1, v30  }
0x292: {  	[tilespmem:s0+$0x0] =	vst v32;
	v0 =	vadd.f32 v2, v0;
	v5 =	vmul.f32 v5, v39  }
0x293: {  	[tilespmem:s0+$0xFFFFFFF0] =	vst v11;
	v34 =	vadd.f32 v1, v3  }
0x294: {  	[tilespmem:s18+$0xFFFFFFE0] =	vst v0;
	v33 =	vadd.f32 v5, v63  }
0x295: {  	[tilespmem:s18+$0x0] =	vst v34  }
0x296: {  	[tilespmem:s18+$0xFFFFFFF0] =	vst v33  }
0x297: {  	v0 =	vld [tilespmem:$0x1B000]  }
0x298: {  	v35 =	vld [tilespmem:$0x1B580]  }
0x299: {  	v2 =	vld [tilespmem:$0x1AA80];
	_ =	sdelay $0x2  }
0x29a: {  	v0 =	vadd.f32 $-5.000000000e-01, v0  }
0x29b: {  	v1 =	vadd.f32 $-5.000000000e-01, v35  }
0x29c: {  	v2 =	vadd.f32 $-5.000000000e-01, v2;
	v0 =	vadd.f32 v0, v0  }
0x29d: {  	v1 =	vadd.f32 v1, v1  }
0x29e: {  	v2 =	vadd.f32 v2, v2;
	v0 =	vadd.f32 $1.000000000e+00, v0  }
0x29f: {  	v1 =	vadd.f32 $1.000000000e+00, v1  }
0x2a0: {  	v2 =	vadd.f32 $1.000000000e+00, v2;
	v0 =	vmul.f32 $5.000000000e-01, v0  }
0x2a1: {  	v1 =	vmul.f32 $5.000000000e-01, v1  }
0x2a2: {  	v2 =	vmul.f32 $5.000000000e-01, v2;
	v0 =	vmul.f32 $3.200000000e+01, v0  }
0x2a3: {  	v1 =	vmul.f32 $3.200000000e+01, v1  }
0x2a4: {  	v2 =	vmul.f32 $3.200000000e+01, v2;
	v0 =	vmax.f32 v0, $0.0e+00  }
0x2a5: {  	v1 =	vmax.f32 v1, $0.0e+00;
	v0 =	vmin.f32 v0, $3.200000000e+01  }
0x2a6: {  	v2 =	vmax.f32 v2, $0.0e+00;
	v1 =	vmin.f32 v1, $3.200000000e+01;
	v36 =	vtrunc.f32 v0  }
0x2a7: {  	v2 =	vmin.f32 v2, $3.200000000e+01;
	v37 =	vtrunc.f32 v1;
	v3 =	vcvt.f32.s32 v36  }
0x2a8: {  	v38 =	vtrunc.f32 v2;
	v4 =	vcvt.f32.s32 v37  }
0x2a9: {  	v5 =	vcvt.f32.s32 v38;
	v39 =	vadd.s32 $0x1, v3  }
0x2aa: {  	v40 =	vadd.s32 $0x1, v4;
	v41 =	vmul.u32 $0x21, v3;
	vm0 =	vlt.s32 v39, $0x20  }
0x2ab: {  	v42 =	vmul.u32 $0x441, v4;
	vm13 =	vlt.s32 v40, $0x20;
	v6 =	vnsel vm0, $0x20, v39  }
0x2ac: {  	v7 =	vnsel vm13, $0x20, v40;
	v8 =	vadd.s32 v5, v41;
	v6 =	vmul.u32 $0x21, v6  }
0x2ad: {  	v9 =	vadd.s32 v5, v42;
	v7 =	vmul.u32 $0x441, v7;
	v43 =	vadd.s32 v42, v8  }
0x2ae: {  	v9 =	vadd.s32 v6, v9  }
0x2af: {  	v8 =	vadd.s32 v7, v8;
	v6 =	vadd.s32 v5, v6  }
0x2b0: {  	v6 =	vadd.s32 v7, v6;
	_ =	sdelay $0x1  }
0x2b1: {  	v44 =	vld.idx.msk [tilespmem:v43+s3+$0x0], $0xffff  }
0x2b2: {  	v45 =	vld.idx.msk [tilespmem:v9+s3+$0x0], $0xffff  }
0x2b3: {  	v12 =	vld.idx.msk [tilespmem:v8+s3+$0x0], $0xffff  }
0x2b4: {  	v13 =	vld.idx.msk [tilespmem:v6+s3+$0x0], $0xffff  }
0x2b5: {  	v5 =	vcvt.s32.f32 v5  }
0x2b6: {  	v46 =	vshll.u32 v44, $0x10;
	v7 =	vand.u32 $0xFFFF0000, v44  }
0x2b7: {  	v2 =	vsub.f32 v2, v5;
	v7 =	vsub.f32 v7, v46;
	v14 =	vshll.u32 v45, $0x10  }
0x2b8: {  	v11 =	vand.u32 $0xFFFF0000, v45;
	v15 =	vshll.u32 v12, $0x10;
	v12 =	vand.u32 $0xFFFF0000, v12  }
0x2b9: {  	v11 =	vsub.f32 v11, v14;
	v16 =	vshll.u32 v13, $0x10;
	v13 =	vand.u32 $0xFFFF0000, v13  }
0x2ba: {  	v12 =	vsub.f32 v12, v15;
	v13 =	vsub.f32 v13, v16  }
0x2bb: {  	v7 =	vmul.f32 v2, v7;
	v11 =	vmul.f32 v2, v11  }
0x2bc: {  	v12 =	vmul.f32 v2, v12;
	v13 =	vmul.f32 v2, v13  }
0x2bd: {  	v3 =	vcvt.s32.f32 v3;
	v5 =	vadd.f32 v46, v7;
	v47 =	vadd.f32 v14, v11  }
0x2be: {  	v48 =	vadd.f32 v15, v12;
	v12 =	vadd.f32 v16, v13  }
0x2bf: {  	v0 =	vsub.f32 v0, v3  }
0x2c0: {  	v49 =	vsub.f32 v47, v5;
	v50 =	vsub.f32 v12, v48;
	_ =	sdelay $0x1  }
0x2c1: {  	v3 =	vmul.f32 v49, v0;
	v7 =	vmul.f32 v50, v0;
	_ =	sdelay $0x1  }
0x2c2: {  	v4 =	vcvt.s32.f32 v4;
	v3 =	vadd.f32 v3, v5;
	v51 =	vadd.f32 v7, v48;
	_ =	sdelay $0x1  }
0x2c3: {  	v1 =	vsub.f32 v1, v4;
	v52 =	vsub.f32 v51, v3;
	_ =	sdelay $0x1  }
0x2c4: {  	v4 =	vmul.f32 v52, v1;
	_ =	sdelay $0x1  }
0x2c5: {  	v3 =	vadd.f32 v4, v3;
	_ =	sdelay $0x1  }
0x2c6: {  	[tilespmem:$0x1CB80] =	vst v3  }
0x2c7: {  	v3 =	vld.idx.msk [tilespmem:v43+s16+$0x0], $0xffff  }
0x2c8: {  	v53 =	vld.idx.msk [tilespmem:v9+s16+$0x0], $0xffff  }
0x2c9: {  	v54 =	vld.idx.msk [tilespmem:v8+s16+$0x0], $0xffff  }
0x2ca: {  	v55 =	vld.idx.msk [tilespmem:v6+s16+$0x0], $0xffff;
	_ =	sdelay $0x2  }
0x2cb: {  	v56 =	vshll.u32 v3, $0x10  }
0x2cc: {  	v3 =	vand.u32 $0xFFFF0000, v3;
	v12 =	vshll.u32 v53, $0x10;
	v4 =	vand.u32 $0xFFFF0000, v53  }
0x2cd: {  	v13 =	vshll.u32 v54, $0x10;
	v5 =	vand.u32 $0xFFFF0000, v54;
	v14 =	vshll.u32 v55, $0x10  }
0x2ce: {  	v7 =	vand.u32 $0xFFFF0000, v55;
	v3 =	vsub.f32 v3, v56;
	v4 =	vsub.f32 v4, v12  }
0x2cf: {  	v5 =	vsub.f32 v5, v13;
	v7 =	vsub.f32 v7, v14  }
0x2d0: {  	v3 =	vmul.f32 v3, v2;
	v4 =	vmul.f32 v4, v2  }
0x2d1: {  	v5 =	vmul.f32 v5, v2;
	v7 =	vmul.f32 v7, v2  }
0x2d2: {  	v3 =	vadd.f32 v56, v3;
	v4 =	vadd.f32 v12, v4  }
0x2d3: {  	v5 =	vadd.f32 v13, v5;
	v7 =	vadd.f32 v14, v7;
	_ =	sdelay $0x1  }
0x2d4: {  	v4 =	vsub.f32 v4, v3;
	v7 =	vsub.f32 v7, v5;
	_ =	sdelay $0x1  }
0x2d5: {  	v4 =	vmul.f32 v4, v0;
	v7 =	vmul.f32 v7, v0;
	_ =	sdelay $0x1  }
0x2d6: {  	v3 =	vadd.f32 v4, v3;
	v57 =	vadd.f32 v7, v5;
	_ =	sdelay $0x1  }
0x2d7: {  	v4 =	vsub.f32 v57, v3;
	_ =	sdelay $0x1  }
0x2d8: {  	v4 =	vmul.f32 v4, v1;
	_ =	sdelay $0x1  }
0x2d9: {  	v3 =	vadd.f32 v4, v3;
	_ =	sdelay $0x1  }
0x2da: {  	[tilespmem:$0x1D100] =	vst v3  }
0x2db: {  	v3 =	vld.idx.msk [tilespmem:v43+s17+$0x0], $0xffff  }
0x2dc: {  	v58 =	vld.idx.msk [tilespmem:v9+s17+$0x0], $0xffff  }
0x2dd: {  	v59 =	vld.idx.msk [tilespmem:v8+s17+$0x0], $0xffff  }
0x2de: {  	v6 =	vld.idx.msk [tilespmem:v6+s17+$0x0], $0xffff;
	_ =	sdelay $0x2  }
0x2df: {  	v60 =	vshll.u32 v3, $0x10  }
0x2e0: {  	v3 =	vand.u32 $0xFFFF0000, v3;
	v61 =	vshll.u32 v58, $0x10;
	v4 =	vand.u32 $0xFFFF0000, v58  }
0x2e1: {  	v62 =	vshll.u32 v59, $0x10;
	v5 =	vand.u32 $0xFFFF0000, v59;
	v63 =	vshll.u32 v6, $0x10  }
0x2e2: {  	v6 =	vand.u32 $0xFFFF0000, v6;
	v3 =	vsub.f32 v3, v60;
	v4 =	vsub.f32 v4, v61  }
0x2e3: {  	v5 =	vsub.f32 v5, v62;
	v6 =	vsub.f32 v6, v63  }
0x2e4: {  	v3 =	vmul.f32 v3, v2;
	v4 =	vmul.f32 v4, v2  }
0x2e5: {  	v5 =	vmul.f32 v5, v2;
	v2 =	vmul.f32 v6, v2  }
0x2e6: {  	v3 =	vadd.f32 v60, v3;
	v4 =	vadd.f32 v61, v4  }
0x2e7: {  	v5 =	vadd.f32 v62, v5;
	v2 =	vadd.f32 v63, v2;
	_ =	sdelay $0x1  }
0x2e8: {  	v4 =	vsub.f32 v4, v3;
	v2 =	vsub.f32 v2, v5;
	_ =	sdelay $0x1  }
0x2e9: {  	v4 =	vmul.f32 v4, v0;
	v0 =	vmul.f32 v2, v0;
	_ =	sdelay $0x1  }
0x2ea: {  	v8 =	vadd.f32 v4, v3;
	v0 =	vadd.f32 v0, v5;
	_ =	sdelay $0x1  }
0x2eb: {  	v0 =	vsub.f32 v0, v8;
	_ =	sdelay $0x1  }
0x2ec: {  	v0 =	vmul.f32 v0, v1;
	_ =	sdelay $0x1  }
0x2ed: {  	s11 =	sadd.s32 s4, s10;
	v0 =	vadd.f32 v0, v8  }
0x2ee: {  	s0 =	sshrl.u32 s11, $0x3  }
0x2ef: {  	s0 =	sadd.s32 s6, s0;
	[tilespmem:$0x1D680] =	vst v0  }
0x2f0: {  	[hbm4b:s0+s3] =	stream.linear.scatter [tilespmem:s25], [sflag:$0x3], $0x510, $0x38;
	[tilespmem:$0x1E780] =	vst v63  }
0x2f1: {  	s7 =	sadd.s32 $0x3F480, s0  }
0x2f2: {  	[hbm4b:s7+s3] =	stream.linear.scatter [tilespmem:s26], [sflag:$0x3], $0x510, $0x38;
	[tilespmem:$0x1E780] =	vst v63  }
0x2f3: {  	p1 =	seq.s32 s20, $0x18;
	s0 =	sadd.s32 $0x7E900, s0  }
0x2f4: {  	[hbm4b:s0+s3] =	stream.linear.scatter [tilespmem:s28], [sflag:$0x3], $0x510, $0x38;
	[tilespmem:$0x1E780] =	vst v63  }
0x2f5: {  	s0 =	sadd.s32 @!p1 s10, s13  }
0x2f6: {  	s0 =	sshrl.u32 @!p1 s0, $0x3  }
0x2f7: {  	s7 =	simm.s32 @!p1 $0x0;
	s10 =	simm.s32 @!p1 $0x1A580;
	s0 =	sadd.s32 @!p1 s2, s0  }
0x2f8: {  	[tilespmem:s10], [sflag:$0x1] =	stream.linear.gather @!p1 [hbm4b:s0+s7], $0x510, $0x38;
	[tilespmem:$0x1E780] =	vst v63  }
0x2f9: {  	s11 =	simm.s32 @!p1 $0x1AB00;
	s10 =	sadd.s32 @!p1 $0x3F480, s0  }
0x2fa: {  	[tilespmem:s11], [sflag:$0x1] =	stream.linear.gather @!p1 [hbm4b:s10+s7], $0x510, $0x38;
	[tilespmem:$0x1E780] =	vst v63  }
0x2fb: {  	s0 =	sadd.s32 @!p1 $0x7E900, s0;
	s10 =	simm.s32 @!p1 $0x1B080  }
0x2fc: {  	[tilespmem:s10], [sflag:$0x1] =	stream.linear.gather @!p1 [hbm4b:s0+s7], $0x510, $0x38;
	[tilespmem:$0x1E780] =	vst v63  }
0x2fd: {  	_ =	swait.ge [sflag:s29], $0x510  }
0x2fe: {  	[sflag:s29] =	ssyncset.done $0x0  }
0x2ff: {  	[sflag:s29] =	ssyncadd.s32 $0xFFFFFAF0  }
0x300: {  	_ =	swait.ge [sflag:s29], $0x510  }
0x301: {  	[sflag:s29] =	ssyncset.done $0x0  }
0x302: {  	[sflag:s29] =	ssyncadd.s32 $0xFFFFFAF0  }
0x303: {  	_ =	swait.ge [sflag:s29], $0x510  }
0x304: {  	[sflag:s29] =	ssyncset.done $0x0  }
0x305: {  	s0 =	simm.s32 @!p0 $0x4;
	[sflag:s29] =	ssyncadd.s32 $0xFFFFFAF0  }
0x306: {  	_ =	swait.ge @!p0 [sflag:s0], $0x510  }
0x307: {  	[sflag:s0] =	ssyncset.done @!p0 $0x0  }
0x308: {  	[sflag:s0] =	ssyncadd.s32 @!p0 $0xFFFFFAF0  }
0x309: {  	_ =	swait.ge @!p0 [sflag:s0], $0x510  }
0x30a: {  	[sflag:s0] =	ssyncset.done @!p0 $0x0  }
0x30b: {  	[sflag:s0] =	ssyncadd.s32 @!p0 $0xFFFFFAF0  }
0x30c: {  	_ =	swait.ge @!p0 [sflag:s0], $0x510  }
0x30d: {  	[sflag:s0] =	ssyncset.done @!p0 $0x0  }
0x30e: {  	s14 =	simm.s32 $0x1BBA0;
	[sflag:s0] =	ssyncadd.s32 @!p0 $0xFFFFFAF0  }
0x30f: {  	s15 =	simm.s32 $0x1C120;
	v9 =	vld [tilespmem:s14+$0x10]  }
0x310: {  	s18 =	simm.s32 $0x1B620;
	v10 =	vld [tilespmem:s15+$0x10]  }
0x311: {  	v11 =	vld [tilespmem:s18+$0x10]  }
0x312: {  	v32 =	vld [tilespmem:s14+$0xFFFFFFE0]  }
0x313: {  	v33 =	vld [tilespmem:s14+$0xFFFFFFF0]  }
0x314: {  	v34 =	vld [tilespmem:s14+$0x0]  }
0x315: {  	v35 =	vld [tilespmem:s15+$0xFFFFFFE0]  }
0x316: {  	v36 =	vld [tilespmem:s15+$0xFFFFFFF0]  }
0x317: {  	v37 =	vld [tilespmem:s15+$0x0]  }
0x318: {  	v16 =	vld [tilespmem:s18+$0xFFFFFFE0]  }
0x319: {  	v19 =	vld [tilespmem:s18+$0x0];
	v0 =	vadd.f32 $-5.000000000e-01, v9  }
0x31a: {  	v1 =	vadd.f32 $-5.000000000e-01, v10;
	v2 =	vadd.f32 $-5.000000000e-01, v11  }
0x31b: {  	v3 =	vadd.f32 $-5.000000000e-01, v32;
	v4 =	vadd.f32 $-5.000000000e-01, v33  }
0x31c: {  	v5 =	vadd.f32 $-5.000000000e-01, v34;
	v6 =	vadd.f32 $-5.000000000e-01, v35  }
0x31d: {  	v7 =	vadd.f32 $-5.000000000e-01, v36;
	v8 =	vadd.f32 $-5.000000000e-01, v37  }
0x31e: {  	v16 =	vadd.f32 $-5.000000000e-01, v16;
	v19 =	vadd.f32 $-5.000000000e-01, v19  }
0x31f: {  	v0 =	vadd.f32 v0, v0;
	v1 =	vadd.f32 v1, v1  }
0x320: {  	v2 =	vadd.f32 v2, v2;
	v3 =	vadd.f32 v3, v3  }
0x321: {  	v4 =	vadd.f32 v4, v4;
	v5 =	vadd.f32 v5, v5  }
0x322: {  	v6 =	vadd.f32 v6, v6;
	v0 =	vadd.f32 $1.000000000e+00, v0  }
0x323: {  	v12 =	vadd.f32 v7, v7;
	v1 =	vadd.f32 $1.000000000e+00, v1  }
0x324: {  	v13 =	vadd.f32 v8, v8;
	v2 =	vadd.f32 $1.000000000e+00, v2;
	v0 =	vmul.f32 $5.000000000e-01, v0  }
0x325: {  	v16 =	vadd.f32 v16, v16;
	v19 =	vadd.f32 v19, v19;
	v1 =	vmul.f32 $5.000000000e-01, v1  }
0x326: {  	v3 =	vadd.f32 $1.000000000e+00, v3;
	v2 =	vmul.f32 $5.000000000e-01, v2;
	v0 =	vmul.f32 $3.200000000e+01, v0  }
0x327: {  	v4 =	vadd.f32 $1.000000000e+00, v4;
	v5 =	vadd.f32 $1.000000000e+00, v5;
	v1 =	vmul.f32 $3.200000000e+01, v1  }
0x328: {  	v6 =	vadd.f32 $1.000000000e+00, v6;
	v2 =	vmul.f32 $3.200000000e+01, v2;
	v0 =	vmax.f32 v0, $0.0e+00  }
0x329: {  	v12 =	vadd.f32 $1.000000000e+00, v12;
	v1 =	vmax.f32 v1, $0.0e+00;
	v0 =	vmin.f32 v0, $3.200000000e+01  }
0x32a: {  	v2 =	vmax.f32 v2, $0.0e+00;
	v1 =	vmin.f32 v1, $3.200000000e+01;
	v38 =	vtrunc.f32 v0  }
0x32b: {  	v2 =	vmin.f32 v2, $3.200000000e+01;
	v40 =	vtrunc.f32 v1;
	v39 =	vcvt.f32.s32 v38  }
0x32c: {  	v13 =	vadd.f32 $1.000000000e+00, v13;
	v41 =	vtrunc.f32 v2;
	v14 =	vcvt.f32.s32 v40  }
0x32d: {  	v16 =	vadd.f32 $1.000000000e+00, v16;
	v15 =	vcvt.f32.s32 v41;
	v42 =	vadd.s32 $0x1, v39  }
0x32e: {  	v43 =	vadd.s32 $0x1, v14;
	v44 =	vmul.u32 $0x21, v39;
	vm14 =	vlt.s32 v42, $0x20  }
0x32f: {  	v45 =	vmul.u32 $0x441, v14;
	vm15 =	vlt.s32 v43, $0x20;
	v7 =	vnsel vm14, $0x20, v42  }
0x330: {  	v8 =	vnsel vm15, $0x20, v43;
	v46 =	vadd.s32 v15, v44;
	v17 =	vmul.u32 $0x21, v7  }
0x331: {  	v18 =	vld [tilespmem:s18+$0xFFFFFFF0];
	v10 =	vadd.s32 v15, v45;
	v8 =	vmul.u32 $0x441, v8;
	v9 =	vadd.s32 v45, v46  }
0x332: {  	v19 =	vadd.f32 $1.000000000e+00, v19;
	v3 =	vmul.f32 $5.000000000e-01, v3;
	v10 =	vadd.s32 v17, v10  }
0x333: {  	v4 =	vmul.f32 $5.000000000e-01, v4;
	v7 =	vadd.s32 v8, v46;
	v17 =	vadd.s32 v15, v17  }
0x334: {  	v6 =	vmul.f32 $5.000000000e-01, v6;
	v5 =	vmul.f32 $5.000000000e-01, v5;
	v8 =	vadd.s32 v8, v17  }
0x335: {  	v12 =	vmul.f32 $5.000000000e-01, v12;
	v13 =	vmul.f32 $5.000000000e-01, v13  }
0x336: {  	v16 =	vmul.f32 $5.000000000e-01, v16;
	v19 =	vmul.f32 $5.000000000e-01, v19;
	v17 =	vadd.f32 $-5.000000000e-01, v18;
	v18 =	vld.idx.msk [tilespmem:v9+s3+$0x0], $0xffff  }
0x337: {  	v3 =	vmul.f32 $3.200000000e+01, v3;
	v4 =	vmul.f32 $3.200000000e+01, v4;
	v20 =	vld.idx.msk [tilespmem:v10+s3+$0x0], $0xffff  }
0x338: {  	v23 =	vmul.f32 $3.200000000e+01, v6;
	v5 =	vmul.f32 $3.200000000e+01, v5;
	v21 =	vld.idx.msk [tilespmem:v7+s3+$0x0], $0xffff  }
0x339: {  	v26 =	vmul.f32 $3.200000000e+01, v13;
	v16 =	vmul.f32 $3.200000000e+01, v16;
	v22 =	vld.idx.msk [tilespmem:v8+s3+$0x0], $0xffff  }
0x33a: {  	v19 =	vmul.f32 $3.200000000e+01, v19;
	v3 =	vmax.f32 v3, $0.0e+00;
	v47 =	vcvt.s32.f32 v15  }
0x33b: {  	v15 =	vmul.f32 $3.200000000e+01, v12;
	v12 =	vshll.u32 v18, $0x10;
	v18 =	vand.u32 $0xFFFF0000, v18  }
0x33c: {  	v6 =	vsub.f32 v2, v47;
	v48 =	vsub.f32 v18, v12;
	v18 =	vshll.u32 v20, $0x10  }
0x33d: {  	v20 =	vand.u32 $0xFFFF0000, v20;
	v24 =	vshll.u32 v21, $0x10;
	v21 =	vand.u32 $0xFFFF0000, v21  }
0x33e: {  	v20 =	vsub.f32 v20, v18;
	v25 =	vshll.u32 v22, $0x10;
	v22 =	vand.u32 $0xFFFF0000, v22  }
0x33f: {  	v4 =	vmax.f32 v4, $0.0e+00;
	v13 =	vsub.f32 v21, v24;
	v21 =	vsub.f32 v22, v25  }
0x340: {  	v5 =	vmax.f32 v5, $0.0e+00;
	v2 =	vmul.f32 v6, v48;
	v20 =	vmul.f32 v6, v20  }
0x341: {  	v17 =	vadd.f32 v17, v17;
	v13 =	vmul.f32 v6, v13;
	v21 =	vmul.f32 v6, v21  }
0x342: {  	v11 =	vcvt.s32.f32 v39;
	v2 =	vadd.f32 v12, v2;
	v12 =	vadd.f32 v18, v20  }
0x343: {  	v49 =	vmax.f32 v23, $0.0e+00;
	v18 =	vadd.f32 v24, v13;
	v13 =	vadd.f32 v25, v21  }
0x344: {  	v16 =	vmax.f32 v16, $0.0e+00;
	v0 =	vsub.f32 v0, v11;
	v17 =	vadd.f32 $1.000000000e+00, v17  }
0x345: {  	v16 =	vmin.f32 v16, $3.200000000e+01;
	v20 =	vsub.f32 v12, v2;
	v21 =	vsub.f32 v13, v18  }
0x346: {  	v53 =	vmax.f32 v26, $0.0e+00;
	v32 =	vtrunc.f32 v16;
	v17 =	vmul.f32 $5.000000000e-01, v17  }
0x347: {  	v19 =	vmax.f32 v19, $0.0e+00;
	v50 =	vmul.f32 v20, v0;
	v51 =	vmul.f32 v21, v0  }
0x348: {  	v19 =	vmin.f32 v19, $3.200000000e+01;
	v14 =	vcvt.s32.f32 v14;
	v17 =	vmul.f32 $3.200000000e+01, v17  }
0x349: {  	v11 =	vmin.f32 v4, $3.200000000e+01;
	v4 =	vadd.f32 v50, v2;
	v52 =	vadd.f32 v51, v18  }
0x34a: {  	v38 =	vtrunc.f32 v19;
	v41 =	vcvt.f32.s32 v32;
	v17 =	vmax.f32 v17, $0.0e+00  }
0x34b: {  	v1 =	vsub.f32 v1, v14;
	v17 =	vmin.f32 v17, $3.200000000e+01;
	v2 =	vsub.f32 v52, v4  }
0x34c: {  	v13 =	vmin.f32 v3, $3.200000000e+01;
	v20 =	vmax.f32 v15, $0.0e+00;
	v21 =	vtrunc.f32 v11  }
0x34d: {  	v3 =	vmin.f32 v20, $3.200000000e+01;
	v20 =	vcvt.f32.s32 v21;
	v21 =	vmul.f32 v2, v1  }
0x34e: {  	v38 =	vcvt.f32.s32 v38;
	v37 =	vtrunc.f32 v17;
	v15 =	vmin.f32 v49, $3.200000000e+01  }
0x34f: {  	v54 =	vtrunc.f32 v15;
	v22 =	vtrunc.f32 v3;
	v4 =	vadd.f32 v21, v4  }
0x350: {  	s19 =	simm.s32 $0x1D720;
	v12 =	vmin.f32 v5, $3.200000000e+01;
	v29 =	vcvt.f32.s32 v54;
	v18 =	vtrunc.f32 v13  }
0x351: {  	v5 =	vcvt.f32.s32 v22;
	v14 =	vcvt.f32.s32 v18;
	v2 =	vmin.f32 v53, $3.200000000e+01;
	[tilespmem:s19+$0x10] =	vst v4  }
0x352: {  	v18 =	vtrunc.f32 v12;
	v23 =	vtrunc.f32 v2;
	v22 =	vld.idx.msk [tilespmem:v9+s16+$0x0], $0xffff  }
0x353: {  	v24 =	vadd.s32 $0x1, v20;
	v26 =	vadd.s32 $0x1, v29;
	v4 =	vcvt.f32.s32 v23;
	v23 =	vld.idx.msk [tilespmem:v10+s16+$0x0], $0xffff  }
0x354: {  	v59 =	vmul.u32 $0x441, v29;
	v60 =	vmul.u32 $0x21, v20;
	v18 =	vcvt.f32.s32 v18;
	v27 =	vld.idx.msk [tilespmem:v7+s16+$0x0], $0xffff  }
0x355: {  	vm1 =	vlt.s32 v24, $0x20;
	v28 =	vadd.s32 $0x1, v5;
	vm5 =	vlt.s32 v26, $0x20;
	v30 =	vld.idx.msk [tilespmem:v8+s16+$0x0], $0xffff  }
0x356: {  	v61 =	vmul.u32 $0x441, v5;
	v24 =	vnsel vm1, $0x20, v24;
	vm6 =	vlt.s32 v28, $0x20  }
0x357: {  	v26 =	vnsel vm5, $0x20, v26;
	v58 =	vmul.u32 $0x21, v14;
	v43 =	vadd.s32 v41, v59  }
0x358: {  	v25 =	vadd.s32 $0x1, v18;
	v24 =	vmul.u32 $0x21, v24;
	v55 =	vshll.u32 v22, $0x10  }
0x359: {  	v22 =	vand.u32 $0xFFFF0000, v22;
	v34 =	vshll.u32 v23, $0x10;
	v23 =	vand.u32 $0xFFFF0000, v23  }
0x35a: {  	v56 =	vshll.u32 v27, $0x10;
	v27 =	vand.u32 $0xFFFF0000, v27;
	v57 =	vshll.u32 v30, $0x10  }
0x35b: {  	v30 =	vand.u32 $0xFFFF0000, v30;
	v22 =	vsub.f32 v22, v55;
	v23 =	vsub.f32 v23, v34  }
0x35c: {  	v28 =	vnsel vm6, $0x20, v28;
	v27 =	vsub.f32 v27, v56;
	v30 =	vsub.f32 v30, v57  }
0x35d: {  	vm2 =	vlt.s32 v25, $0x20;
	v22 =	vmul.f32 v22, v6;
	v23 =	vmul.f32 v23, v6  }
0x35e: {  	v63 =	vmul.u32 $0x441, v28;
	v27 =	vmul.f32 v27, v6;
	v30 =	vmul.f32 v30, v6  }
0x35f: {  	v21 =	vadd.s32 $0x1, v14;
	v22 =	vadd.f32 v55, v22;
	v23 =	vadd.f32 v34, v23  }
0x360: {  	v25 =	vnsel vm2, $0x20, v25;
	v27 =	vadd.f32 v56, v27;
	v30 =	vadd.f32 v57, v30  }
0x361: {  	vm4 =	vlt.s32 v21, $0x20;
	v31 =	vadd.s32 $0x1, v4;
	v40 =	vmul.u32 $0x441, v4  }
0x362: {  	vm7 =	vlt.s32 v31, $0x20;
	v23 =	vsub.f32 v23, v22;
	v30 =	vsub.f32 v30, v27  }
0x363: {  	v25 =	vmul.u32 $0x21, v25;
	v21 =	vnsel vm4, $0x20, v21;
	v31 =	vnsel vm7, $0x20, v31  }
0x364: {  	v49 =	vadd.s32 v38, v40;
	v23 =	vmul.f32 v23, v0;
	v30 =	vmul.f32 v30, v0  }
0x365: {  	v21 =	vmul.u32 $0x21, v21;
	v42 =	vmul.u32 $0x441, v31;
	v53 =	vadd.s32 v25, v49  }
0x366: {  	v22 =	vadd.f32 v23, v22;
	v23 =	vadd.f32 v30, v27;
	v27 =	vmul.u32 $0x441, v26  }
0x367: {  	v34 =	vadd.s32 v21, v43;
	v30 =	vcvt.f32.s32 v37;
	v26 =	vadd.s32 v41, v21  }
0x368: {  	v31 =	vadd.s32 v41, v58;
	v23 =	vsub.f32 v23, v22;
	v32 =	vadd.s32 v27, v26  }
0x369: {  	v28 =	vadd.s32 v30, v24;
	v45 =	vadd.s32 v30, v61;
	v33 =	vadd.s32 v27, v31  }
0x36a: {  	v44 =	vadd.s32 v30, v60;
	v26 =	vadd.s32 v63, v28;
	v28 =	vadd.s32 v24, v45  }
0x36b: {  	v54 =	vld.idx.msk [tilespmem:v53+s3+$0x0], $0xffff;
	v57 =	vcvt.s32.f32 v38;
	v21 =	vcvt.s32.f32 v41;
	v27 =	vadd.s32 v63, v44  }
0x36c: {  	v62 =	vmul.u32 $0x21, v18;
	v56 =	vcvt.s32.f32 v14;
	v58 =	vld.idx.msk [tilespmem:v34+s3+$0x0], $0xffff;
	v23 =	vmul.f32 v23, v1  }
0x36d: {  	v14 =	vsub.f32 v16, v21;
	v16 =	vcvt.s32.f32 v20;
	v20 =	vsub.f32 v19, v57;
	v19 =	vld.idx.msk [tilespmem:v32+s3+$0x0], $0xffff  }
0x36e: {  	v39 =	vadd.s32 v38, v62;
	v48 =	vadd.s32 v38, v25;
	v22 =	vadd.f32 v23, v22;
	v60 =	vld.idx.msk [tilespmem:v33+s3+$0x0], $0xffff  }
0x36f: {  	s21 =	simm.s32 $0x1DCA0;
	v35 =	vadd.s32 v59, v31;
	v50 =	vadd.s32 v42, v48;
	v23 =	vadd.s32 v61, v44;
	v61 =	vld.idx.msk [tilespmem:v28+s3+$0x0], $0xffff  }
0x370: {  	v48 =	vshll.u32 v54, $0x10;
	v43 =	vand.u32 $0xFFFF0000, v54;
	[tilespmem:s21+$0x10] =	vst v22;
	v22 =	vcvt.s32.f32 v30;
	v62 =	vld.idx.msk [tilespmem:v27+s3+$0x0], $0xffff  }
0x371: {  	v43 =	vsub.f32 v43, v48;
	v31 =	vadd.s32 v42, v39;
	v24 =	vsub.f32 v13, v56;
	v9 =	vld.idx.msk [tilespmem:v9+s17+$0x0], $0xffff  }
0x372: {  	v13 =	vcvt.s32.f32 v29;
	v55 =	vld.idx.msk [tilespmem:v10+s17+$0x0], $0xffff;
	v22 =	vsub.f32 v17, v22;
	v17 =	vcvt.s32.f32 v18  }
0x373: {  	v29 =	vadd.s32 v40, v39;
	v25 =	vsub.f32 v11, v16;
	v36 =	vand.u32 $0xFFFF0000, v58;
	v7 =	vld.idx.msk [tilespmem:v7+s17+$0x0], $0xffff  }
0x374: {  	v18 =	vld.idx.msk [tilespmem:v8+s17+$0x0], $0xffff;
	v8 =	vsub.f32 v15, v13;
	v10 =	vsub.f32 v12, v17;
	v39 =	vshll.u32 v19, $0x10  }
0x375: {  	v19 =	vand.u32 $0xFFFF0000, v19;
	v56 =	vshll.u32 v60, $0x10;
	v38 =	vand.u32 $0xFFFF0000, v60  }
0x376: {  	v40 =	vand.u32 $0xFFFF0000, v61;
	v41 =	vand.u32 $0xFFFF0000, v62;
	v19 =	vsub.f32 v19, v39  }
0x377: {  	v12 =	vld.idx.msk [tilespmem:v26+s3+$0x0], $0xffff;
	v38 =	vsub.f32 v38, v56;
	v13 =	vshll.u32 v9, $0x10;
	v9 =	vand.u32 $0xFFFF0000, v9  }
0x378: {  	v16 =	vshll.u32 v55, $0x10;
	v17 =	vand.u32 $0xFFFF0000, v55;
	v21 =	vshll.u32 v7, $0x10  }
0x379: {  	v7 =	vand.u32 $0xFFFF0000, v7;
	v59 =	vshll.u32 v18, $0x10;
	v9 =	vsub.f32 v9, v13  }
0x37a: {  	v15 =	vld.idx.msk [tilespmem:v50+s3+$0x0], $0xffff;
	v17 =	vsub.f32 v17, v16;
	v18 =	vand.u32 $0xFFFF0000, v18;
	v7 =	vsub.f32 v7, v21  }
0x37b: {  	v19 =	vmul.f32 v14, v19;
	v38 =	vmul.f32 v14, v38;
	v18 =	vsub.f32 v18, v59  }
0x37c: {  	v9 =	vmul.f32 v9, v6;
	v17 =	vmul.f32 v17, v6;
	v63 =	vshll.u32 v12, $0x10  }
0x37d: {  	v7 =	vmul.f32 v7, v6;
	v12 =	vand.u32 $0xFFFF0000, v12;
	v19 =	vadd.f32 v39, v19  }
0x37e: {  	v38 =	vadd.f32 v56, v38;
	v6 =	vmul.f32 v18, v6;
	v12 =	vsub.f32 v12, v63  }
0x37f: {  	[tilespmem:$0x1FE40] =	vst v53;
	v9 =	vadd.f32 v13, v9;
	v13 =	vadd.f32 v16, v17;
	v16 =	vshll.u32 v15, $0x10  }
0x380: {  	v18 =	vld.idx.msk [tilespmem:v31+s3+$0x0], $0xffff;
	[tilespmem:$0x1FE50] =	vst v31;
	v7 =	vadd.f32 v21, v7;
	v21 =	vshll.u32 v58, $0x10;
	v15 =	vand.u32 $0xFFFF0000, v15  }
0x381: {  	v17 =	vld.idx.msk [tilespmem:v35+s3+$0x0], $0xffff;
	v58 =	vshll.u32 v61, $0x10;
	v19 =	vsub.f32 v19, v38;
	v6 =	vadd.f32 v59, v6  }
0x382: {  	v59 =	vshll.u32 v62, $0x10;
	v15 =	vsub.f32 v15, v16;
	v36 =	vsub.f32 v36, v21  }
0x383: {  	v40 =	vsub.f32 v40, v58;
	v12 =	vmul.f32 v22, v12;
	v13 =	vsub.f32 v13, v9  }
0x384: {  	v55 =	vld.idx.msk [tilespmem:v23+s3+$0x0], $0xffff;
	v41 =	vsub.f32 v41, v59;
	v19 =	vmul.f32 v19, v24;
	v15 =	vmul.f32 v20, v15  }
0x385: {  	v6 =	vsub.f32 v6, v7;
	v36 =	vmul.f32 v14, v36;
	v61 =	vmul.f32 v22, v40  }
0x386: {  	v30 =	vmovc v50;
	v57 =	vld.idx.msk [tilespmem:v29+s3+$0x0], $0xffff;
	v12 =	vadd.f32 v63, v12;
	v50 =	vshll.u32 v17, $0x10;
	v17 =	vand.u32 $0xFFFF0000, v17  }
0x387: {  	v63 =	vmul.f32 v20, v43;
	v49 =	vshll.u32 v18, $0x10;
	v17 =	vsub.f32 v17, v50  }
0x388: {  	v18 =	vand.u32 $0xFFFF0000, v18;
	v62 =	vmul.f32 v22, v41;
	v19 =	vadd.f32 v19, v38  }
0x389: {  	v13 =	vmul.f32 v13, v0;
	v60 =	vshll.u32 v55, $0x10;
	v17 =	vmul.f32 v14, v17  }
0x38a: {  	v37 =	vand.u32 $0xFFFF0000, v55;
	v18 =	vsub.f32 v18, v49;
	v21 =	vadd.f32 v21, v36  }
0x38b: {  	v52 =	vshll.u32 v57, $0x10;
	v37 =	vsub.f32 v37, v60;
	v17 =	vadd.f32 v50, v17  }
0x38c: {  	v45 =	vand.u32 $0xFFFF0000, v57;
	v15 =	vadd.f32 v16, v15;
	v16 =	vadd.f32 v58, v61  }
0x38d: {  	v39 =	vadd.f32 v48, v63;
	v37 =	vmul.f32 v22, v37;
	v21 =	vsub.f32 v21, v17  }
0x38e: {  	v0 =	vmul.f32 v6, v0;
	v45 =	vsub.f32 v45, v52;
	v36 =	vadd.f32 v59, v62  }
0x38f: {  	v9 =	vadd.f32 v13, v9;
	v37 =	vadd.f32 v60, v37;
	v21 =	vmul.f32 v21, v24  }
0x390: {  	v5 =	vcvt.s32.f32 v5;
	v0 =	vadd.f32 v0, v7;
	v12 =	vsub.f32 v12, v36  }
0x391: {  	v18 =	vmul.f32 v20, v18;
	v16 =	vsub.f32 v16, v37;
	v17 =	vadd.f32 v21, v17  }
0x392: {  	v11 =	vmul.f32 v20, v45;
	v0 =	vsub.f32 v0, v9;
	v12 =	vmul.f32 v12, v25  }
0x393: {  	v16 =	vmul.f32 v16, v25;
	v21 =	vadd.f32 v49, v18;
	v18 =	vsub.f32 v19, v17  }
0x394: {  	v43 =	vadd.f32 v52, v11;
	v11 =	vsub.f32 v3, v5  }
0x395: {  	v12 =	vadd.f32 v12, v36;
	v16 =	vadd.f32 v16, v37;
	v44 =	vmul.f32 v18, v8  }
0x396: {  	v15 =	vsub.f32 v15, v21;
	v19 =	vsub.f32 v39, v43  }
0x397: {  	[tilespmem:$0x1FE70] =	vst v8;
	v47 =	vsub.f32 v12, v16;
	v12 =	vadd.f32 v44, v17  }
0x398: {  	[tilespmem:$0x1FE80] =	vst v11;
	v45 =	vmul.f32 v15, v10;
	v46 =	vmul.f32 v19, v10  }
0x399: {  	v0 =	vmul.f32 v0, v1;
	v6 =	vmul.f32 v47, v11;
	[tilespmem:s19+$0xFFFFFFE0] =	vst v12  }
0x39a: {  	v4 =	vcvt.s32.f32 v4;
	v3 =	vadd.f32 v45, v21;
	v5 =	vadd.f32 v46, v43;
	v48 =	vld.idx.msk [tilespmem:v35+s16+$0x0], $0xffff  }
0x39b: {  	v0 =	vadd.f32 v0, v9;
	v49 =	vadd.f32 v6, v16;
	v50 =	vld.idx.msk [tilespmem:v34+s16+$0x0], $0xffff  }
0x39c: {  	v19 =	vsub.f32 v2, v4;
	v3 =	vsub.f32 v3, v5;
	v51 =	vld.idx.msk [tilespmem:v33+s16+$0x0], $0xffff  }
0x39d: {  	[tilespmem:s19+$0xFFFFFFF0] =	vst v49;
	v52 =	vld.idx.msk [tilespmem:v32+s16+$0x0], $0xffff  }
0x39e: {  	[tilespmem:$0x1FE60] =	vst v0;
	v3 =	vmul.f32 v3, v19  }
0x39f: {  	v0 =	vld.idx.msk [tilespmem:v23+s16+$0x0], $0xffff  }
0x3a0: {  	v54 =	vld.idx.msk [tilespmem:v28+s16+$0x0], $0xffff;
	v3 =	vadd.f32 v3, v5;
	v55 =	vshll.u32 v48, $0x10  }
0x3a1: {  	v56 =	vld.idx.msk [tilespmem:v27+s16+$0x0], $0xffff;
	v2 =	vand.u32 $0xFFFF0000, v48;
	v12 =	vshll.u32 v50, $0x10;
	v6 =	vand.u32 $0xFFFF0000, v50  }
0x3a2: {  	v57 =	vld.idx.msk [tilespmem:v26+s16+$0x0], $0xffff;
	v13 =	vshll.u32 v51, $0x10;
	v1 =	vand.u32 $0xFFFF0000, v51;
	v16 =	vshll.u32 v52, $0x10  }
0x3a3: {  	v4 =	vand.u32 $0xFFFF0000, v52;
	v2 =	vsub.f32 v2, v55;
	v6 =	vsub.f32 v6, v12  }
0x3a4: {  	v1 =	vsub.f32 v1, v13;
	v4 =	vsub.f32 v4, v16  }
0x3a5: {  	v58 =	vshll.u32 v0, $0x10;
	v0 =	vand.u32 $0xFFFF0000, v0;
	v60 =	vshll.u32 v54, $0x10  }
0x3a6: {  	[tilespmem:s19+$0x0] =	vst v3;
	v5 =	vand.u32 $0xFFFF0000, v54;
	v62 =	vshll.u32 v56, $0x10;
	v9 =	vand.u32 $0xFFFF0000, v56  }
0x3a7: {  	v15 =	vld.idx.msk [tilespmem:v29+s16+$0x0], $0xffff;
	v63 =	vshll.u32 v57, $0x10;
	v3 =	vand.u32 $0xFFFF0000, v57;
	v0 =	vsub.f32 v0, v58  }
0x3a8: {  	v17 =	vld.idx.msk [tilespmem:v53+s16+$0x0], $0xffff;
	v5 =	vsub.f32 v5, v60;
	v2 =	vmul.f32 v2, v14;
	v6 =	vmul.f32 v6, v14  }
0x3a9: {  	v59 =	vld.idx.msk [tilespmem:v31+s16+$0x0], $0xffff;
	v9 =	vsub.f32 v9, v62;
	v1 =	vmul.f32 v1, v14;
	v4 =	vmul.f32 v4, v14  }
0x3aa: {  	s11 =	simm.s32 $0x1B660;
	v61 =	vld.idx.msk [tilespmem:v30+s16+$0x0], $0xffff;
	v3 =	vsub.f32 v3, v63;
	v0 =	vmul.f32 v0, v22;
	v5 =	vmul.f32 v5, v22  }
0x3ab: {  	v54 =	vld [tilespmem:s11+$0x10];
	v52 =	vmul.f32 v9, v22;
	v2 =	vadd.f32 v55, v2;
	v6 =	vadd.f32 v12, v6  }
0x3ac: {  	v3 =	vmul.f32 v3, v22;
	v1 =	vadd.f32 v13, v1;
	v4 =	vadd.f32 v16, v4  }
0x3ad: {  	v48 =	vshll.u32 v15, $0x10;
	v15 =	vand.u32 $0xFFFF0000, v15;
	v49 =	vshll.u32 v17, $0x10  }
0x3ae: {  	v17 =	vand.u32 $0xFFFF0000, v17;
	v50 =	vshll.u32 v59, $0x10;
	v0 =	vadd.f32 v58, v0  }
0x3af: {  	v37 =	vand.u32 $0xFFFF0000, v59;
	v5 =	vadd.f32 v60, v5;
	v7 =	vadd.f32 v62, v52  }
0x3b0: {  	s22 =	simm.s32 $0x1BBE0;
	v51 =	vshll.u32 v61, $0x10;
	v3 =	vadd.f32 v63, v3;
	v59 =	vadd.f32 $-5.000000000e-01, v54  }
0x3b1: {  	v16 =	vld [tilespmem:s22+$0x10];
	v39 =	vand.u32 $0xFFFF0000, v61;
	v15 =	vsub.f32 v15, v48;
	v17 =	vsub.f32 v17, v49  }
0x3b2: {  	v37 =	vsub.f32 v37, v50;
	v39 =	vsub.f32 v39, v51  }
0x3b3: {  	v6 =	vsub.f32 v6, v2;
	v4 =	vsub.f32 v4, v1;
	v53 =	vmul.f32 v15, v20  }
0x3b4: {  	v5 =	vsub.f32 v5, v0;
	v12 =	vmul.f32 v17, v20;
	v13 =	vmul.f32 v37, v20  }
0x3b5: {  	v3 =	vsub.f32 v3, v7;
	v15 =	vmul.f32 v39, v20;
	v6 =	vmul.f32 v6, v24  }
0x3b6: {  	s10 =	simm.s32 $0x1C160;
	v4 =	vmul.f32 v4, v24;
	v56 =	vadd.f32 $-5.000000000e-01, v16;
	v9 =	vadd.f32 v48, v53  }
0x3b7: {  	v17 =	vld [tilespmem:s10+$0x10];
	v5 =	vmul.f32 v5, v25;
	v12 =	vadd.f32 v49, v12;
	v13 =	vadd.f32 v50, v13  }
0x3b8: {  	v62 =	vld [tilespmem:s10+$0xFFFFFFE0];
	v3 =	vmul.f32 v3, v25;
	v15 =	vadd.f32 v51, v15;
	v2 =	vadd.f32 v6, v2  }
0x3b9: {  	v1 =	vadd.f32 v4, v1;
	v0 =	vadd.f32 v5, v0  }
0x3ba: {  	v3 =	vadd.f32 v3, v7;
	v5 =	vadd.f32 v56, v56  }
0x3bb: {  	v12 =	vsub.f32 v12, v9;
	v15 =	vsub.f32 v15, v13  }
0x3bc: {  	v1 =	vsub.f32 v1, v2;
	v58 =	vadd.f32 $-5.000000000e-01, v17  }
0x3bd: {  	v5 =	vadd.f32 $1.000000000e+00, v5;
	v17 =	vadd.f32 $-5.000000000e-01, v62  }
0x3be: {  	v53 =	vld [tilespmem:s10+$0x0];
	v3 =	vsub.f32 v3, v0;
	v55 =	vmul.f32 v12, v10;
	v57 =	vmul.f32 v15, v10  }
0x3bf: {  	v12 =	vld [tilespmem:s22+$0xFFFFFFE0];
	v1 =	vmul.f32 v1, v8;
	v7 =	vadd.f32 v58, v58;
	v17 =	vadd.f32 v17, v17  }
0x3c0: {  	v15 =	vld [tilespmem:s22+$0x0];
	v3 =	vmul.f32 v3, v11;
	v4 =	vadd.f32 v55, v9;
	v6 =	vadd.f32 v57, v13  }
0x3c1: {  	v5 =	vmul.f32 $5.000000000e-01, v5;
	v9 =	vadd.f32 v59, v59;
	v13 =	vld [tilespmem:s22+$0xFFFFFFF0];
	v45 =	vadd.f32 v1, v2  }
0x3c2: {  	v47 =	vld [tilespmem:s10+$0xFFFFFFF0];
	v7 =	vadd.f32 $1.000000000e+00, v7;
	v37 =	vadd.f32 v3, v0  }
0x3c3: {  	v61 =	vmul.f32 $3.200000000e+01, v5;
	v17 =	vadd.f32 $1.000000000e+00, v17;
	v9 =	vadd.f32 $1.000000000e+00, v9  }
0x3c4: {  	v6 =	vsub.f32 v6, v4;
	v7 =	vmul.f32 $5.000000000e-01, v7;
	v63 =	vadd.f32 $-5.000000000e-01, v12  }
0x3c5: {  	v2 =	vmax.f32 v61, $0.0e+00;
	v12 =	vadd.f32 $-5.000000000e-01, v15;
	v61 =	vadd.f32 $-5.000000000e-01, v53  }
0x3c6: {  	v17 =	vmul.f32 $5.000000000e-01, v17;
	v60 =	vmul.f32 $5.000000000e-01, v9;
	v48 =	vadd.f32 $-5.000000000e-01, v13  }
0x3c7: {  	v46 =	vmul.f32 $3.200000000e+01, v7;
	v7 =	vadd.f32 $-5.000000000e-01, v47;
	v62 =	vadd.f32 v63, v63  }
0x3c8: {  	v13 =	vmin.f32 v2, $3.200000000e+01;
	v12 =	vadd.f32 v12, v12;
	v40 =	vadd.f32 v61, v61  }
0x3c9: {  	v1 =	vmul.f32 $3.200000000e+01, v60;
	v50 =	vtrunc.f32 v13;
	v49 =	vmax.f32 v46, $0.0e+00  }
0x3ca: {  	v17 =	vmul.f32 $3.200000000e+01, v17;
	v16 =	vcvt.f32.s32 v50;
	v5 =	vmin.f32 v49, $3.200000000e+01  }
0x3cb: {  	v9 =	vadd.f32 v48, v48;
	v1 =	vmax.f32 v1, $0.0e+00;
	v51 =	vtrunc.f32 v5  }
0x3cc: {  	v12 =	vadd.f32 $1.000000000e+00, v12;
	v15 =	vmin.f32 v1, $3.200000000e+01;
	v36 =	vcvt.f32.s32 v51  }
0x3cd: {  	v54 =	vadd.s32 $0x1, v16;
	v56 =	vmul.u32 $0x21, v16;
	v52 =	vtrunc.f32 v15  }
0x3ce: {  	vm8 =	vlt.s32 v54, $0x20;
	v38 =	vcvt.f32.s32 v52;
	v55 =	vadd.s32 $0x1, v36  }
0x3cf: {  	v0 =	vnsel vm8, $0x20, v54;
	v57 =	vmul.u32 $0x441, v36;
	vm9 =	vlt.s32 v55, $0x20  }
0x3d0: {  	v58 =	vmul.u32 $0x21, v0;
	v39 =	vadd.s32 v38, v56;
	v2 =	vnsel vm9, $0x20, v55  }
0x3d1: {  	v11 =	vadd.s32 v57, v39;
	v60 =	vadd.s32 v38, v57;
	v59 =	vmul.u32 $0x441, v2  }
0x3d2: {  	v48 =	vmul.f32 v6, v19;
	v40 =	vadd.f32 $1.000000000e+00, v40;
	v8 =	vadd.s32 v58, v60  }
0x3d3: {  	v18 =	vmovc v10;
	v53 =	vld [tilespmem:s11+$0xFFFFFFF0];
	v9 =	vadd.f32 $1.000000000e+00, v9;
	v52 =	vadd.s32 v38, v58;
	v10 =	vadd.s32 v59, v39  }
0x3d4: {  	v63 =	vld [tilespmem:s11+$0xFFFFFFE0];
	v12 =	vmul.f32 $5.000000000e-01, v12;
	v16 =	vcvt.s32.f32 v16;
	v3 =	vadd.s32 v59, v52  }
0x3d5: {  	v40 =	vmul.f32 $5.000000000e-01, v40;
	v54 =	vld [tilespmem:s11+$0x0];
	v9 =	vmul.f32 $5.000000000e-01, v9  }
0x3d6: {  	v7 =	vadd.f32 v7, v7;
	v48 =	vadd.f32 v48, v4;
	v12 =	vmul.f32 $3.200000000e+01, v12;
	v56 =	vld.idx.msk [tilespmem:v11+s3+$0x0], $0xffff  }
0x3d7: {  	v46 =	vsub.f32 v13, v16;
	v40 =	vmul.f32 $3.200000000e+01, v40;
	v9 =	vmul.f32 $3.200000000e+01, v9;
	v57 =	vld.idx.msk [tilespmem:v8+s3+$0x0], $0xffff  }
0x3d8: {  	v55 =	vadd.f32 $1.000000000e+00, v62;
	v38 =	vcvt.s32.f32 v38;
	v58 =	vadd.f32 $1.000000000e+00, v7;
	v60 =	vld.idx.msk [tilespmem:v10+s3+$0x0], $0xffff  }
0x3d9: {  	v12 =	vmax.f32 v12, $0.0e+00;
	v59 =	vadd.f32 $-5.000000000e-01, v63;
	v39 =	vadd.f32 $-5.000000000e-01, v53;
	v61 =	vld.idx.msk [tilespmem:v3+s3+$0x0], $0xffff  }
0x3da: {  	v21 =	vmovc v30;
	v30 =	vmin.f32 v12, $3.200000000e+01;
	v41 =	vadd.f32 $-5.000000000e-01, v54;
	v31 =	vsub.f32 v15, v38  }
0x3db: {  	v7 =	vadd.f32 v59, v59;
	v39 =	vadd.f32 v39, v39;
	v62 =	vshll.u32 v56, $0x10  }
0x3dc: {  	v43 =	vand.u32 $0xFFFF0000, v56;
	v63 =	vshll.u32 v57, $0x10;
	v0 =	vand.u32 $0xFFFF0000, v57  }
0x3dd: {  	v15 =	vsub.f32 v43, v62;
	v43 =	vsub.f32 v0, v63;
	v1 =	vshll.u32 v60, $0x10  }
0x3de: {  	v44 =	vand.u32 $0xFFFF0000, v60;
	v2 =	vshll.u32 v61, $0x10;
	v49 =	vand.u32 $0xFFFF0000, v61  }
0x3df: {  	v9 =	vmax.f32 v9, $0.0e+00;
	v44 =	vsub.f32 v44, v1;
	v49 =	vsub.f32 v49, v2  }
0x3e0: {  	v7 =	vadd.f32 $1.000000000e+00, v7;
	v15 =	vmul.f32 v31, v15;
	v43 =	vmul.f32 v31, v43  }
0x3e1: {  	v39 =	vadd.f32 $1.000000000e+00, v39;
	v44 =	vmul.f32 v31, v44;
	v49 =	vmul.f32 v31, v49  }
0x3e2: {  	v42 =	vmul.f32 $5.000000000e-01, v55;
	v15 =	vadd.f32 v62, v15;
	v38 =	vadd.f32 v63, v43  }
0x3e3: {  	v6 =	vmul.f32 $5.000000000e-01, v58;
	v53 =	vadd.f32 v1, v44;
	v54 =	vadd.f32 v2, v49  }
0x3e4: {  	v58 =	vmax.f32 v17, $0.0e+00;
	v42 =	vmul.f32 $3.200000000e+01, v42;
	v7 =	vmul.f32 $5.000000000e-01, v7  }
0x3e5: {  	v39 =	vmul.f32 $5.000000000e-01, v39;
	v13 =	vsub.f32 v38, v15;
	v16 =	vsub.f32 v54, v53  }
0x3e6: {  	v17 =	vmax.f32 v40, $0.0e+00;
	v56 =	vmul.f32 $3.200000000e+01, v6;
	v57 =	vcvt.s32.f32 v36  }
0x3e7: {  	v55 =	vadd.f32 v41, v41;
	v13 =	vmul.f32 v13, v46;
	v16 =	vmul.f32 v16, v46  }
0x3e8: {  	v51 =	vmin.f32 v17, $3.200000000e+01;
	v7 =	vmul.f32 $3.200000000e+01, v7;
	v39 =	vmul.f32 $3.200000000e+01, v39  }
0x3e9: {  	v12 =	vmax.f32 v56, $0.0e+00;
	v13 =	vadd.f32 v13, v15;
	v15 =	vadd.f32 v16, v53  }
0x3ea: {  	v36 =	vsub.f32 v5, v57;
	v50 =	vmin.f32 v12, $3.200000000e+01;
	v7 =	vmax.f32 v7, $0.0e+00  }
0x3eb: {  	v12 =	vtrunc.f32 v30;
	v7 =	vmin.f32 v7, $3.200000000e+01;
	v15 =	vsub.f32 v15, v13  }
0x3ec: {  	v62 =	vtrunc.f32 v50;
	v38 =	vadd.f32 $1.000000000e+00, v55;
	v49 =	vmin.f32 v58, $3.200000000e+01  }
0x3ed: {  	v55 =	vcvt.f32.s32 v62;
	v2 =	vmax.f32 v39, $0.0e+00;
	v15 =	vmul.f32 v15, v36  }
0x3ee: {  	v61 =	vtrunc.f32 v49;
	v4 =	vmin.f32 v2, $3.200000000e+01;
	v38 =	vmul.f32 $5.000000000e-01, v38  }
0x3ef: {  	v2 =	vtrunc.f32 v7;
	v54 =	vcvt.f32.s32 v61;
	v13 =	vadd.f32 v15, v13  }
0x3f0: {  	s7 =	simm.s32 $0x1D760;
	v44 =	vtrunc.f32 v4;
	v63 =	vmul.f32 $3.200000000e+01, v38;
	v16 =	vmax.f32 v42, $0.0e+00  }
0x3f1: {  	v53 =	vcvt.f32.s32 v12;
	v6 =	vmin.f32 v16, $3.200000000e+01;
	v16 =	vmin.f32 v9, $3.200000000e+01;
	[tilespmem:s7+$0x10] =	vst v13  }
0x3f2: {  	v44 =	vcvt.f32.s32 v44;
	v5 =	vmul.u32 $0x441, v54;
	v60 =	vtrunc.f32 v16;
	v12 =	vld.idx.msk [tilespmem:v11+s16+$0x0], $0xffff  }
0x3f3: {  	v9 =	vmax.f32 v63, $0.0e+00;
	v1 =	vadd.s32 $0x1, v53;
	v52 =	vcvt.f32.s32 v60;
	v17 =	vld.idx.msk [tilespmem:v8+s16+$0x0], $0xffff  }
0x3f4: {  	v59 =	vtrunc.f32 v6;
	v57 =	vmin.f32 v9, $3.200000000e+01;
	vm12 =	vlt.s32 v1, $0x20;
	v41 =	vld.idx.msk [tilespmem:v10+s16+$0x0], $0xffff  }
0x3f5: {  	v1 =	vnsel vm12, $0x20, v1;
	v42 =	vadd.s32 $0x1, v52;
	v15 =	vcvt.f32.s32 v59;
	v0 =	vld.idx.msk [tilespmem:v3+s16+$0x0], $0xffff  }
0x3f6: {  	vm11 =	vlt.s32 v42, $0x20;
	v59 =	vadd.s32 $0x1, v55;
	v13 =	vtrunc.f32 v51  }
0x3f7: {  	vm14 =	vlt.s32 v59, $0x20;
	v40 =	vadd.s32 $0x1, v15;
	v56 =	vcvt.f32.s32 v13  }
0x3f8: {  	vm10 =	vlt.s32 v40, $0x20;
	v13 =	vadd.s32 $0x1, v54;
	v60 =	vshll.u32 v12, $0x10  }
0x3f9: {  	v12 =	vand.u32 $0xFFFF0000, v12;
	v61 =	vshll.u32 v17, $0x10;
	v17 =	vand.u32 $0xFFFF0000, v17  }
0x3fa: {  	v62 =	vshll.u32 v41, $0x10;
	v41 =	vand.u32 $0xFFFF0000, v41;
	v58 =	vshll.u32 v0, $0x10  }
0x3fb: {  	v38 =	vand.u32 $0xFFFF0000, v0;
	v12 =	vsub.f32 v12, v60;
	v17 =	vsub.f32 v17, v61  }
0x3fc: {  	v40 =	vnsel vm10, $0x20, v40;
	v41 =	vsub.f32 v41, v62;
	v38 =	vsub.f32 v38, v58  }
0x3fd: {  	vm13 =	vlt.s32 v13, $0x20;
	v12 =	vmul.f32 v12, v31;
	v17 =	vmul.f32 v17, v31  }
0x3fe: {  	v39 =	vadd.s32 $0x1, v56;
	v41 =	vmul.f32 v41, v31;
	v38 =	vmul.f32 v38, v31  }
0x3ff: {  	v40 =	vmul.u32 $0x21, v40;
	v12 =	vadd.f32 v60, v12;
	v17 =	vadd.f32 v61, v17  }
0x400: {  	v13 =	vnsel vm13, $0x20, v13;
	v41 =	vadd.f32 v62, v41;
	v38 =	vadd.f32 v58, v38  }
0x401: {  	vm15 =	vlt.s32 v39, $0x20;
	v13 =	vmul.u32 $0x441, v13;
	v0 =	vnsel vm11, $0x20, v42  }
0x402: {  	v42 =	vmul.u32 $0x21, v15;
	v63 =	vsub.f32 v17, v12;
	v17 =	vsub.f32 v38, v41  }
0x403: {  	v58 =	vtrunc.f32 v57;
	v60 =	vmul.u32 $0x21, v1;
	v61 =	vnsel vm15, $0x20, v39  }
0x404: {  	v62 =	vmul.u32 $0x21, v52;
	v9 =	vmul.f32 v63, v46;
	v17 =	vmul.f32 v17, v46  }
0x405: {  	v39 =	vcvt.f32.s32 v2;
	v1 =	vmul.u32 $0x21, v53;
	v52 =	vcvt.s32.f32 v52  }
0x406: {  	v38 =	vnsel vm14, $0x20, v59;
	v9 =	vadd.f32 v9, v12;
	v12 =	vadd.f32 v17, v41  }
0x407: {  	v43 =	vadd.s32 v39, v5;
	v47 =	vadd.s32 v39, v40;
	v42 =	vadd.s32 v39, v42  }
0x408: {  	v59 =	vadd.s32 v5, v42;
	v63 =	vmul.u32 $0x441, v55;
	v12 =	vsub.f32 v12, v9  }
0x409: {  	v17 =	vmul.u32 $0x21, v0;
	v0 =	vmul.u32 $0x441, v56;
	v41 =	vadd.s32 v40, v43  }
0x40a: {  	v40 =	vadd.s32 v13, v47;
	v43 =	vadd.s32 v13, v42;
	v12 =	vmul.f32 v12, v36  }
0x40b: {  	v5 =	vadd.s32 v44, v63;
	v56 =	vcvt.s32.f32 v56;
	v42 =	vadd.s32 v44, v17  }
0x40c: {  	v2 =	vadd.f32 v12, v9;
	v12 =	vmul.u32 $0x441, v38;
	v38 =	vcvt.f32.s32 v58  }
0x40d: {  	v58 =	vadd.s32 v17, v5;
	v17 =	vadd.s32 v44, v62;
	v44 =	vcvt.s32.f32 v44  }
0x40e: {  	v5 =	vadd.s32 v12, v42;
	v62 =	vadd.s32 v12, v17;
	v47 =	vadd.s32 v38, v0  }
0x40f: {  	s14 =	simm.s32 $0x1DCE0;
	v42 =	vadd.s32 v63, v17;
	v17 =	vmul.u32 $0x441, v61;
	v63 =	vcvt.s32.f32 v39  }
0x410: {  	[tilespmem:s14+$0x10] =	vst v2;
	v61 =	vcvt.s32.f32 v54;
	v12 =	vadd.s32 v60, v47;
	v47 =	vadd.s32 v38, v60  }
0x411: {  	v60 =	vadd.s32 v38, v1;
	v11 =	vld.idx.msk [tilespmem:v11+s17+$0x0], $0xffff;
	v38 =	vcvt.s32.f32 v38;
	v9 =	vadd.s32 v17, v47  }
0x412: {  	v8 =	vld.idx.msk [tilespmem:v8+s17+$0x0], $0xffff;
	v47 =	vcvt.s32.f32 v15;
	v13 =	vadd.s32 v17, v60;
	v17 =	vsub.f32 v7, v63  }
0x413: {  	v10 =	vld.idx.msk [tilespmem:v10+s17+$0x0], $0xffff;
	v7 =	vsub.f32 v4, v44;
	v4 =	vsub.f32 v16, v52;
	v63 =	vcvt.s32.f32 v55  }
0x414: {  	v15 =	vmovc v5;
	v44 =	vld.idx.msk [tilespmem:v3+s17+$0x0], $0xffff;
	v1 =	vsub.f32 v6, v47;
	v6 =	vsub.f32 v57, v38;
	v57 =	vcvt.s32.f32 v53  }
0x415: {  	v16 =	vadd.s32 v0, v60;
	v47 =	vsub.f32 v49, v61;
	v3 =	vsub.f32 v50, v63  }
0x416: {  	v5 =	vsub.f32 v30, v57;
	v30 =	vsub.f32 v51, v56;
	v60 =	vshll.u32 v11, $0x10  }
0x417: {  	v57 =	vld.idx.msk [tilespmem:v40+s3+$0x0], $0xffff;
	v11 =	vand.u32 $0xFFFF0000, v11;
	v61 =	vshll.u32 v8, $0x10;
	v8 =	vand.u32 $0xFFFF0000, v8  }
0x418: {  	v0 =	vld.idx.msk [tilespmem:v41+s3+$0x0], $0xffff;
	v51 =	vshll.u32 v10, $0x10;
	v10 =	vand.u32 $0xFFFF0000, v10;
	v11 =	vsub.f32 v11, v60  }
0x419: {  	v63 =	vld.idx.msk [tilespmem:v15+s3+$0x0], $0xffff;
	v8 =	vsub.f32 v8, v61;
	v53 =	vshll.u32 v44, $0x10;
	v44 =	vand.u32 $0xFFFF0000, v44  }
0x41a: {  	v52 =	vld.idx.msk [tilespmem:v9+s3+$0x0], $0xffff;
	v10 =	vsub.f32 v10, v51;
	v44 =	vsub.f32 v44, v53  }
0x41b: {  	v11 =	vmul.f32 v11, v31;
	v8 =	vmul.f32 v8, v31  }
0x41c: {  	v2 =	vld.idx.msk [tilespmem:v43+s3+$0x0], $0xffff;
	v10 =	vmul.f32 v10, v31;
	v44 =	vmul.f32 v44, v31;
	v55 =	vshll.u32 v57, $0x10  }
0x41d: {  	v38 =	vand.u32 $0xFFFF0000, v57;
	v11 =	vadd.f32 v60, v11;
	v8 =	vadd.f32 v61, v8  }
0x41e: {  	v49 =	vadd.f32 v51, v10;
	v51 =	vand.u32 $0xFFFF0000, v0;
	v57 =	vshll.u32 v63, $0x10  }
0x41f: {  	v39 =	vld.idx.msk [tilespmem:v58+s3+$0x0], $0xffff;
	v50 =	vand.u32 $0xFFFF0000, v63;
	v61 =	vshll.u32 v52, $0x10;
	v10 =	vadd.f32 v53, v44  }
0x420: {  	v44 =	vshll.u32 v0, $0x10;
	v38 =	vsub.f32 v38, v55;
	v52 =	vand.u32 $0xFFFF0000, v52  }
0x421: {  	v60 =	vld.idx.msk [tilespmem:v62+s3+$0x0], $0xffff;
	v53 =	vshll.u32 v2, $0x10;
	v8 =	vsub.f32 v8, v11;
	v50 =	vsub.f32 v50, v57  }
0x422: {  	v63 =	vand.u32 $0xFFFF0000, v2;
	v52 =	vsub.f32 v52, v61;
	v51 =	vsub.f32 v51, v44  }
0x423: {  	v56 =	vld.idx.msk [tilespmem:v12+s3+$0x0], $0xffff;
	v54 =	vsub.f32 v63, v53;
	v38 =	vmul.f32 v17, v38;
	v8 =	vmul.f32 v8, v46  }
0x424: {  	v0 =	vand.u32 $0xFFFF0000, v39;
	v50 =	vmul.f32 v7, v50;
	v52 =	vmul.f32 v6, v52  }
0x425: {  	v51 =	vmul.f32 v17, v51;
	v54 =	vmul.f32 v17, v54;
	v38 =	vadd.f32 v55, v38  }
0x426: {  	v31 =	vmovc v1;
	v2 =	vand.u32 $0xFFFF0000, v60;
	v1 =	vadd.f32 v8, v11;
	v8 =	vshll.u32 v39, $0x10  }
0x427: {  	v39 =	vshll.u32 v60, $0x10;
	v50 =	vadd.f32 v57, v50;
	v52 =	vadd.f32 v61, v52  }
0x428: {  	v60 =	vld.idx.msk [tilespmem:v13+s3+$0x0], $0xffff;
	v44 =	vadd.f32 v44, v51;
	v53 =	vadd.f32 v53, v54;
	v51 =	vshll.u32 v56, $0x10  }
0x429: {  	[tilespmem:s21+$0xFFFFFFE0] =	vst v45;
	v57 =	vld.idx.msk [tilespmem:v42+s3+$0x0], $0xffff;
	v61 =	vand.u32 $0xFFFF0000, v56;
	v11 =	vsub.f32 v0, v8;
	v55 =	vsub.f32 v2, v39  }
0x42a: {  	v34 =	vld.idx.msk [tilespmem:v34+s17+$0x0], $0xffff;
	v54 =	vsub.f32 v61, v51;
	v38 =	vsub.f32 v38, v53  }
0x42b: {  	v0 =	vld.idx.msk [tilespmem:v59+s3+$0x0], $0xffff;
	v11 =	vmul.f32 v7, v11;
	v2 =	vmul.f32 v7, v55  }
0x42c: {  	v10 =	vsub.f32 v10, v49;
	v54 =	vmul.f32 v6, v54;
	v38 =	vmul.f32 v38, v31  }
0x42d: {  	v32 =	vld.idx.msk [tilespmem:v32+s17+$0x0], $0xffff;
	v8 =	vadd.f32 v8, v11;
	v39 =	vadd.f32 v39, v2;
	v61 =	vshll.u32 v60, $0x10  }
0x42e: {  	v60 =	vand.u32 $0xFFFF0000, v60;
	v63 =	vshll.u32 v57, $0x10;
	v2 =	vand.u32 $0xFFFF0000, v57  }
0x42f: {  	v33 =	vld.idx.msk [tilespmem:v33+s17+$0x0], $0xffff;
	v51 =	vadd.f32 v51, v54;
	v57 =	vshll.u32 v34, $0x10;
	v34 =	vand.u32 $0xFFFF0000, v34  }
0x430: {  	v55 =	vshll.u32 v0, $0x10;
	v60 =	vsub.f32 v60, v61;
	v45 =	vsub.f32 v2, v63  }
0x431: {  	[tilespmem:s21+$0xFFFFFFF0] =	vst v37;
	v11 =	vld.idx.msk [tilespmem:v16+s3+$0x0], $0xffff;
	v0 =	vand.u32 $0xFFFF0000, v0;
	v34 =	vsub.f32 v34, v57;
	v37 =	vadd.f32 v38, v53  }
0x432: {  	v38 =	vshll.u32 v32, $0x10;
	v32 =	vand.u32 $0xFFFF0000, v32;
	v56 =	vsub.f32 v0, v55  }
0x433: {  	[tilespmem:s21+$0x0] =	vst v48;
	v10 =	vmul.f32 v10, v46;
	v50 =	vsub.f32 v50, v39;
	v32 =	vsub.f32 v32, v38  }
0x434: {  	v29 =	vld.idx.msk [tilespmem:v29+s17+$0x0], $0xffff;
	v0 =	vmul.f32 v6, v60;
	v45 =	vmul.f32 v7, v45;
	v60 =	vshll.u32 v33, $0x10  }
0x435: {  	v33 =	vand.u32 $0xFFFF0000, v33;
	v34 =	vmul.f32 v34, v14;
	v56 =	vmul.f32 v17, v56  }
0x436: {  	v28 =	vld.idx.msk [tilespmem:v28+s17+$0x0], $0xffff;
	v33 =	vsub.f32 v33, v60;
	v50 =	vmul.f32 v50, v4;
	v2 =	vshll.u32 v11, $0x10  }
0x437: {  	v11 =	vand.u32 $0xFFFF0000, v11;
	v54 =	vadd.f32 v61, v0;
	v45 =	vadd.f32 v63, v45  }
0x438: {  	v63 =	vld.idx.msk [tilespmem:v23+s17+$0x0], $0xffff;
	v0 =	vmul.f32 v32, v14;
	v23 =	vadd.f32 v10, v49;
	v55 =	vadd.f32 v55, v56  }
0x439: {  	v10 =	vshll.u32 v29, $0x10;
	v34 =	vadd.f32 v57, v34;
	v11 =	vsub.f32 v11, v2  }
0x43a: {  	v29 =	vand.u32 $0xFFFF0000, v29;
	v52 =	vsub.f32 v52, v54;
	v53 =	vsub.f32 v44, v55  }
0x43b: {  	v32 =	vadd.f32 v50, v39;
	v50 =	vshll.u32 v28, $0x10;
	v11 =	vmul.f32 v6, v11  }
0x43c: {  	v8 =	vsub.f32 v8, v45;
	v52 =	vmul.f32 v52, v5;
	v39 =	vmul.f32 v53, v31;
	v53 =	vld [tilespmem:$0x1FE40]  }
0x43d: {  	v27 =	vld.idx.msk [tilespmem:v27+s17+$0x0], $0xffff;
	v28 =	vand.u32 $0xFFFF0000, v28;
	v29 =	vsub.f32 v29, v10;
	v11 =	vadd.f32 v2, v11  }
0x43e: {  	v28 =	vsub.f32 v28, v50;
	v8 =	vmul.f32 v8, v4;
	v44 =	vadd.f32 v52, v54;
	v54 =	vld [tilespmem:$0x1FE50]  }
0x43f: {  	v46 =	vshll.u32 v63, $0x10;
	v2 =	vand.u32 $0xFFFF0000, v63;
	v63 =	vsub.f32 v51, v11  }
0x440: {  	v0 =	vadd.f32 v38, v0;
	v29 =	vmul.f32 v29, v20;
	v39 =	vadd.f32 v39, v55  }
0x441: {  	v26 =	vld.idx.msk [tilespmem:v26+s17+$0x0], $0xffff;
	v28 =	vmul.f32 v28, v22;
	v8 =	vadd.f32 v8, v45;
	v48 =	vmul.f32 v63, v5  }
0x442: {  	v2 =	vsub.f32 v2, v46;
	v45 =	vshll.u32 v27, $0x10;
	v37 =	vsub.f32 v37, v39  }
0x443: {  	v27 =	vand.u32 $0xFFFF0000, v27;
	v32 =	vsub.f32 v32, v8;
	v11 =	vadd.f32 v48, v11  }
0x444: {  	v10 =	vadd.f32 v10, v29;
	v27 =	vsub.f32 v27, v45;
	v37 =	vmul.f32 v37, v47;
	v51 =	vld.idx.msk [tilespmem:v53+s17+$0x0], $0xffff  }
0x445: {  	v2 =	vmul.f32 v2, v22;
	v32 =	vmul.f32 v32, v3;
	v53 =	vld.idx.msk [tilespmem:v21+s17+$0x0], $0xffff;
	v44 =	vsub.f32 v44, v11  }
0x446: {  	v48 =	vshll.u32 v26, $0x10;
	v26 =	vand.u32 $0xFFFF0000, v26;
	v37 =	vadd.f32 v37, v39;
	v63 =	vld.idx.msk [tilespmem:v54+s17+$0x0], $0xffff  }
0x447: {  	v28 =	vadd.f32 v50, v28;
	v26 =	vsub.f32 v26, v48;
	v44 =	vmul.f32 v44, v30  }
0x448: {  	v27 =	vmul.f32 v27, v22;
	v2 =	vadd.f32 v46, v2;
	v8 =	vadd.f32 v32, v8;
	[tilespmem:s7+$0xFFFFFFE0] =	vst v37  }
0x449: {  	v22 =	vmul.f32 v26, v22;
	v52 =	vld.idx.msk [tilespmem:v41+s16+$0x0], $0xffff;
	v11 =	vadd.f32 v44, v11;
	v39 =	vshll.u32 v51, $0x10  }
0x44a: {  	v55 =	vmovc v9;
	v38 =	vld.idx.msk [tilespmem:v43+s16+$0x0], $0xffff;
	v49 =	vand.u32 $0xFFFF0000, v51;
	v44 =	vshll.u32 v53, $0x10;
	v9 =	vand.u32 $0xFFFF0000, v53  }
0x44b: {  	v53 =	vld.idx.msk [tilespmem:v40+s16+$0x0], $0xffff;
	v32 =	vshll.u32 v63, $0x10;
	v63 =	vand.u32 $0xFFFF0000, v63;
	v49 =	vsub.f32 v49, v39  }
0x44c: {  	v37 =	vld.idx.msk [tilespmem:v59+s16+$0x0], $0xffff;
	v51 =	vsub.f32 v9, v44;
	v26 =	vsub.f32 v63, v32  }
0x44d: {  	v27 =	vadd.f32 v45, v27;
	[tilespmem:s7+$0xFFFFFFF0] =	vst v8;
	v22 =	vadd.f32 v48, v22;
	v49 =	vmul.f32 v49, v20  }
0x44e: {  	v46 =	vld.idx.msk [tilespmem:v62+s16+$0x0], $0xffff;
	v54 =	vand.u32 $0xFFFF0000, v52;
	v26 =	vmul.f32 v26, v20;
	v20 =	vmul.f32 v51, v20  }
0x44f: {  	v63 =	vld.idx.msk [tilespmem:v42+s16+$0x0], $0xffff;
	v29 =	vadd.f32 v39, v49;
	v49 =	vshll.u32 v38, $0x10;
	v38 =	vand.u32 $0xFFFF0000, v38  }
0x450: {  	v50 =	vshll.u32 v53, $0x10;
	v8 =	vand.u32 $0xFFFF0000, v53;
	v26 =	vadd.f32 v32, v26  }
0x451: {  	v32 =	vshll.u32 v37, $0x10;
	v37 =	vand.u32 $0xFFFF0000, v37;
	v20 =	vadd.f32 v44, v20  }
0x452: {  	v39 =	vld.idx.msk [tilespmem:v58+s16+$0x0], $0xffff;
	v44 =	vshll.u32 v52, $0x10;
	v38 =	vsub.f32 v38, v49;
	v8 =	vsub.f32 v8, v50  }
0x453: {  	v37 =	vsub.f32 v37, v32;
	v48 =	vsub.f32 v54, v44  }
0x454: {  	v51 =	vshll.u32 v63, $0x10;
	v45 =	vand.u32 $0xFFFF0000, v63;
	v54 =	vshll.u32 v46, $0x10  }
0x455: {  	[tilespmem:s7+$0x0] =	vst v11;
	v63 =	vld.idx.msk [tilespmem:v15+s16+$0x0], $0xffff;
	v46 =	vand.u32 $0xFFFF0000, v46;
	v45 =	vsub.f32 v45, v51;
	v38 =	vmul.f32 v38, v17  }
0x456: {  	v52 =	vld.idx.msk [tilespmem:v16+s16+$0x0], $0xffff;
	v46 =	vsub.f32 v46, v54;
	v8 =	vmul.f32 v8, v17;
	v37 =	vmul.f32 v37, v17  }
0x457: {  	v48 =	vmul.f32 v48, v17;
	v53 =	vshll.u32 v39, $0x10;
	v39 =	vand.u32 $0xFFFF0000, v39  }
0x458: {  	v45 =	vmul.f32 v45, v7;
	v38 =	vadd.f32 v49, v38;
	v8 =	vadd.f32 v50, v8  }
0x459: {  	v49 =	vld.idx.msk [tilespmem:v13+s16+$0x0], $0xffff;
	v46 =	vmul.f32 v46, v7;
	v39 =	vsub.f32 v39, v53;
	v32 =	vadd.f32 v32, v37  }
0x45a: {  	v44 =	vadd.f32 v44, v48;
	v48 =	vshll.u32 v63, $0x10;
	v11 =	vand.u32 $0xFFFF0000, v63  }
0x45b: {  	v63 =	vshll.u32 v52, $0x10;
	v52 =	vand.u32 $0xFFFF0000, v52;
	v45 =	vadd.f32 v51, v45;
	v51 =	vld.idx.msk [tilespmem:v55+s16+$0x0], $0xffff  }
0x45c: {  	v35 =	vld.idx.msk [tilespmem:v35+s17+$0x0], $0xffff;
	v46 =	vadd.f32 v54, v46;
	v52 =	vsub.f32 v52, v63  }
0x45d: {  	v8 =	vsub.f32 v8, v38;
	v39 =	vmul.f32 v39, v7;
	v11 =	vsub.f32 v11, v48  }
0x45e: {  	v54 =	vshll.u32 v49, $0x10;
	v49 =	vand.u32 $0xFFFF0000, v49;
	v52 =	vmul.f32 v52, v6  }
0x45f: {  	v39 =	vadd.f32 v53, v39;
	v11 =	vmul.f32 v11, v7;
	v9 =	vsub.f32 v49, v54  }
0x460: {  	v49 =	vadd.f32 v63, v52;
	v63 =	vshll.u32 v51, $0x10;
	v51 =	vand.u32 $0xFFFF0000, v51  }
0x461: {  	v56 =	vshll.u32 v35, $0x10;
	v11 =	vadd.f32 v48, v11;
	v51 =	vsub.f32 v51, v63  }
0x462: {  	v35 =	vand.u32 $0xFFFF0000, v35;
	v44 =	vsub.f32 v44, v32;
	v8 =	vmul.f32 v8, v31  }
0x463: {  	v39 =	vsub.f32 v39, v45;
	v11 =	vsub.f32 v11, v46;
	v51 =	vmul.f32 v51, v6  }
0x464: {  	v35 =	vsub.f32 v35, v56;
	v23 =	vsub.f32 v23, v1;
	v37 =	vld.idx.msk [tilespmem:v12+s16+$0x0], $0xffff;
	v44 =	vmul.f32 v44, v31  }
0x465: {  	v8 =	vadd.f32 v8, v38;
	v39 =	vmul.f32 v39, v4;
	v11 =	vmul.f32 v11, v4  }
0x466: {  	v33 =	vmul.f32 v33, v14;
	v32 =	vadd.f32 v44, v32;
	v50 =	vadd.f32 v63, v51  }
0x467: {  	v11 =	vadd.f32 v11, v46;
	v51 =	vmov v4;
	v4 =	vadd.f32 v39, v45  }
0x468: {  	v33 =	vadd.f32 v60, v33;
	v35 =	vmul.f32 v35, v14;
	v8 =	vsub.f32 v8, v32  }
0x469: {  	v53 =	vshll.u32 v37, $0x10;
	v37 =	vand.u32 $0xFFFF0000, v37;
	v11 =	vsub.f32 v11, v4  }
0x46a: {  	v0 =	vsub.f32 v0, v33;
	v37 =	vsub.f32 v37, v53;
	v8 =	vmul.f32 v8, v47  }
0x46b: {  	v35 =	vadd.f32 v56, v35;
	v22 =	vsub.f32 v22, v27;
	v11 =	vmul.f32 v11, v3  }
0x46c: {  	v48 =	vmul.f32 v9, v6;
	v37 =	vmul.f32 v37, v6;
	v8 =	vadd.f32 v8, v32  }
0x46d: {  	v34 =	vsub.f32 v34, v35;
	v22 =	vmul.f32 v22, v25;
	v11 =	vadd.f32 v11, v4  }
0x46e: {  	v23 =	vmul.f32 v23, v36;
	v48 =	vadd.f32 v54, v48;
	v37 =	vadd.f32 v53, v37;
	[tilespmem:s14+$0xFFFFFFE0] =	vst v8  }
0x46f: {  	v22 =	vadd.f32 v22, v27;
	v29 =	vsub.f32 v29, v10;
	v27 =	vld.idx.msk [tilespmem:v59+s17+$0x0], $0xffff;
	[tilespmem:s14+$0xFFFFFFF0] =	vst v11  }
0x470: {  	v14 =	vmul.f32 v0, v24;
	v37 =	vsub.f32 v37, v49;
	v50 =	vsub.f32 v50, v48;
	v59 =	vld [tilespmem:$0x1FE60]  }
0x471: {  	v34 =	vmul.f32 v34, v24;
	v20 =	vsub.f32 v20, v26;
	v24 =	vmul.f32 v29, v18  }
0x472: {  	v14 =	vadd.f32 v14, v33;
	v37 =	vmul.f32 v37, v5;
	v52 =	vmul.f32 v50, v5  }
0x473: {  	v28 =	vsub.f32 v28, v2;
	v20 =	vmul.f32 v20, v18;
	v33 =	vadd.f32 v24, v10  }
0x474: {  	s0 =	simm.s32 $0x1E220;
	v37 =	vadd.f32 v37, v49;
	v0 =	vadd.f32 v52, v48  }
0x475: {  	v24 =	vadd.f32 v20, v26;
	v26 =	vadd.f32 v23, v1;
	[tilespmem:s0+$0x10] =	vst v59  }
0x476: {  	s18 =	simm.s32 $0x1E260;
	v28 =	vmul.f32 v28, v25;
	v25 =	vsub.f32 v0, v37;
	v0 =	vld [tilespmem:$0x1FE70]  }
0x477: {  	v53 =	vadd.f32 v34, v35;
	v20 =	vld.idx.msk [tilespmem:v41+s17+$0x0], $0xffff;
	[tilespmem:s18+$0x10] =	vst v26  }
0x478: {  	v29 =	vadd.f32 v28, v2;
	v63 =	vld [tilespmem:$0x1FE80]  }
0x479: {  	v24 =	vsub.f32 v24, v33;
	v14 =	vsub.f32 v14, v53;
	v23 =	vld.idx.msk [tilespmem:v43+s17+$0x0], $0xffff;
	v25 =	vmul.f32 v25, v30  }
0x47a: {  	v61 =	vmov v13;
	v57 =	vmov v7;
	v54 =	vsub.f32 v22, v29;
	v22 =	vld.idx.msk [tilespmem:v40+s17+$0x0], $0xffff  }
0x47b: {  	v35 =	vmul.f32 v24, v19;
	v24 =	vld.idx.msk [tilespmem:v58+s17+$0x0], $0xffff;
	v21 =	vadd.f32 v25, v37;
	v28 =	vmul.f32 v14, v0  }
0x47c: {  	v60 =	vmovc v12;
	v56 =	vmovc v6;
	v46 =	vmov v5;
	v39 =	vmov v3;
	v19 =	vand.u32 $0xFFFF0000, v27;
	v25 =	vld.idx.msk [tilespmem:v42+s17+$0x0], $0xffff  }
0x47d: {  	s15 =	simm.s32 $0x1E260;
	s19 =	simm.s32 $0x4;
	s21 =	simm.s32 $0x1BC20;
	v26 =	vld.idx.msk [tilespmem:v62+s17+$0x0], $0xffff;
	[tilespmem:s14+$0x0] =	vst v21;
	v36 =	vmul.f32 v54, v63;
	v21 =	vadd.f32 v28, v53;
	v28 =	vshll.u32 v27, $0x10  }
.LBB2_5:
0x47e: {  	v27 =	vld [tilespmem:s21+$0x10]  }
0x47f: {  	[tilespmem:$0x1FDB0] =	vst v51;
	s10 =	sadd.s32 $0x40, s10;
	v53 =	vld [tilespmem:s21+$0x0]  }
0x480: {  	[tilespmem:$0x1FDD0] =	vst v29;
	s11 =	sadd.s32 $0x40, s11;
	v29 =	vld [tilespmem:s10+$0x10]  }
0x481: {  	[tilespmem:$0x1FDF0] =	vst v47;
	v47 =	vld [tilespmem:s11+$0x10]  }
0x482: {  	[tilespmem:$0x1FD30] =	vst v28;
	v28 =	vsub.f32 v19, v28;
	v41 =	vld [tilespmem:s10+$0xFFFFFFF0];
	v51 =	vshll.u32 v25, $0x10;
	v0 =	vshll.u32 v20, $0x10  }
0x483: {  	[tilespmem:$0x1FDC0] =	vst v46;
	v62 =	vld [tilespmem:s10+$0x0];
	v20 =	vand.u32 $0xFFFF0000, v20;
	v46 =	vshll.u32 v23, $0x10;
	v23 =	vand.u32 $0xFFFF0000, v23  }
0x484: {  	[tilespmem:s0+$0xFFFFFFE0] =	vst v21;
	v5 =	vld [tilespmem:s11+$0x0];
	v48 =	vshll.u32 v22, $0x10;
	v22 =	vand.u32 $0xFFFF0000, v22;
	v32 =	vsub.f32 v20, v0  }
0x485: {  	v49 =	vld [tilespmem:s21+$0xFFFFFFE0];
	v52 =	vshll.u32 v24, $0x10;
	v34 =	vsub.f32 v23, v46;
	v50 =	vsub.f32 v22, v48  }
0x486: {  	[tilespmem:$0x1FE00] =	vst v39;
	v40 =	vld [tilespmem:s10+$0xFFFFFFE0];
	v23 =	vand.u32 $0xFFFF0000, v25;
	v27 =	vadd.f32 $-5.000000000e-01, v27;
	v39 =	vadd.f32 $-5.000000000e-01, v53  }
0x487: {  	v4 =	vld [tilespmem:s11+$0xFFFFFFF0];
	v25 =	vand.u32 $0xFFFF0000, v24;
	v38 =	vsub.f32 v23, v51;
	v29 =	vadd.f32 $-5.000000000e-01, v29  }
0x488: {  	v54 =	vmul.f32 v28, v17;
	v25 =	vsub.f32 v25, v52;
	v28 =	vadd.f32 $-5.000000000e-01, v47  }
0x489: {  	v37 =	vld [tilespmem:s21+$0xFFFFFFF0];
	[tilespmem:$0x1FE20] =	vst v35;
	v43 =	vadd.f32 $-5.000000000e-01, v41;
	v35 =	vadd.f32 $-5.000000000e-01, v62  }
0x48a: {  	[tilespmem:$0x1FDE0] =	vst v36;
	v36 =	vadd.f32 $-5.000000000e-01, v5;
	v58 =	vadd.f32 v27, v27  }
0x48b: {  	v59 =	vadd.f32 $-5.000000000e-01, v49;
	v40 =	vadd.f32 $-5.000000000e-01, v40  }
0x48c: {  	v63 =	vmul.f32 v34, v17;
	v12 =	vadd.f32 v39, v39;
	v34 =	vadd.f32 $-5.000000000e-01, v4  }
0x48d: {  	v27 =	vmul.f32 v32, v17;
	v29 =	vadd.f32 v29, v29;
	v42 =	vadd.f32 v28, v28  }
0x48e: {  	v28 =	vmul.f32 v50, v17;
	v17 =	vadd.f32 $-5.000000000e-01, v37;
	v43 =	vadd.f32 v43, v43  }
0x48f: {  	v35 =	vadd.f32 v35, v35;
	v36 =	vadd.f32 v36, v36  }
0x490: {  	[tilespmem:$0x1FE10] =	vst v33;
	v41 =	vld.idx.msk [tilespmem:v16+s17+$0x0], $0xffff;
	v33 =	vadd.f32 $1.000000000e+00, v58;
	v16 =	vadd.f32 v59, v59  }
0x491: {  	v13 =	vld.idx.msk [tilespmem:v15+s17+$0x0], $0xffff;
	v1 =	vshll.u32 v26, $0x10;
	v15 =	vadd.f32 v40, v40;
	v6 =	vadd.f32 $1.000000000e+00, v29  }
0x492: {  	v12 =	vadd.f32 $1.000000000e+00, v12;
	v42 =	vadd.f32 $1.000000000e+00, v42;
	v33 =	vmul.f32 $5.000000000e-01, v33  }
0x493: {  	v34 =	vadd.f32 v34, v34;
	v29 =	vmul.f32 v38, v57;
	v37 =	vmul.f32 $5.000000000e-01, v6  }
0x494: {  	v44 =	vadd.f32 v17, v17;
	v42 =	vmul.f32 $5.000000000e-01, v42;
	v33 =	vmul.f32 $3.200000000e+01, v33  }
0x495: {  	v43 =	vadd.f32 $1.000000000e+00, v43;
	v35 =	vadd.f32 $1.000000000e+00, v35;
	v17 =	vmul.f32 $3.200000000e+01, v37  }
0x496: {  	[tilespmem:$0x1FD40] =	vst v54;
	v36 =	vadd.f32 $1.000000000e+00, v36;
	v54 =	vmul.f32 $3.200000000e+01, v42;
	v58 =	vmax.f32 v33, $0.0e+00  }
0x497: {  	v16 =	vadd.f32 $1.000000000e+00, v16;
	v39 =	vmin.f32 v58, $3.200000000e+01;
	v17 =	vmax.f32 v17, $0.0e+00  }
0x498: {  	v37 =	vmax.f32 v54, $0.0e+00;
	v9 =	vmin.f32 v17, $3.200000000e+01;
	v17 =	vtrunc.f32 v39  }
0x499: {  	v37 =	vmin.f32 v37, $3.200000000e+01;
	v40 =	vcvt.f32.s32 v17;
	v17 =	vtrunc.f32 v9  }
0x49a: {  	v15 =	vadd.f32 $1.000000000e+00, v15;
	v59 =	vtrunc.f32 v37;
	v47 =	vcvt.f32.s32 v17  }
0x49b: {  	[tilespmem:$0x1FD80] =	vst v48;
	v48 =	vld.idx.msk [tilespmem:v60+s17+$0x0], $0xffff;
	v12 =	vmul.f32 $5.000000000e-01, v12;
	v60 =	vcvt.f32.s32 v59;
	v17 =	vadd.s32 $0x1, v40  }
0x49c: {  	v33 =	vld.idx.msk [tilespmem:v61+s17+$0x0], $0xffff;
	v45 =	vmul.u32 $0x21, v40;
	vm0 =	vlt.s32 v17, $0x20;
	v61 =	vadd.s32 $0x1, v47  }
0x49d: {  	v49 =	vmul.u32 $0x441, v47;
	v17 =	vnsel vm0, $0x20, v17;
	vm12 =	vlt.s32 v61, $0x20  }
0x49e: {  	v7 =	vld [tilespmem:s11+$0xFFFFFFE0];
	[tilespmem:$0x1FDA0] =	vst v52;
	v62 =	vadd.s32 v60, v45;
	v42 =	vnsel vm12, $0x20, v61;
	v50 =	vmul.u32 $0x21, v17  }
0x49f: {  	[tilespmem:$0x1FD70] =	vst v63;
	v17 =	vadd.s32 v49, v62;
	v63 =	vadd.s32 v60, v49;
	v52 =	vmul.u32 $0x441, v42  }
0x4a0: {  	[tilespmem:$0x1FD50] =	vst v0;
	v34 =	vadd.f32 $1.000000000e+00, v34;
	v0 =	vadd.f32 $1.000000000e+00, v44;
	v45 =	vadd.s32 v50, v63  }
0x4a1: {  	[tilespmem:$0x1FD20] =	vst v1;
	v43 =	vmul.f32 $5.000000000e-01, v43;
	v1 =	vadd.s32 v60, v50;
	v42 =	vadd.s32 v52, v62  }
0x4a2: {  	v35 =	vmul.f32 $5.000000000e-01, v35;
	v36 =	vmul.f32 $5.000000000e-01, v36;
	v44 =	vadd.s32 v52, v1  }
0x4a3: {  	v32 =	vld.idx.msk [tilespmem:v55+s17+$0x0], $0xffff;
	v38 =	vadd.f32 $-5.000000000e-01, v7;
	v16 =	vmul.f32 $5.000000000e-01, v16;
	v15 =	vmul.f32 $5.000000000e-01, v15  }
0x4a4: {  	v24 =	vand.u32 $0xFFFF0000, v13;
	v12 =	vmul.f32 $3.200000000e+01, v12;
	v34 =	vmul.f32 $5.000000000e-01, v34;
	v2 =	vld.idx.msk [tilespmem:v17+s3+$0x0], $0xffff  }
0x4a5: {  	v38 =	vadd.f32 v38, v38;
	v43 =	vmul.f32 $3.200000000e+01, v43;
	v16 =	vmul.f32 $3.200000000e+01, v16;
	v3 =	vld.idx.msk [tilespmem:v45+s3+$0x0], $0xffff  }
0x4a6: {  	v35 =	vmul.f32 $3.200000000e+01, v35;
	v15 =	vmul.f32 $3.200000000e+01, v15;
	v12 =	vmax.f32 v12, $0.0e+00;
	v4 =	vld.idx.msk [tilespmem:v42+s3+$0x0], $0xffff  }
0x4a7: {  	v55 =	vmin.f32 v12, $3.200000000e+01;
	v16 =	vmax.f32 v16, $0.0e+00;
	v40 =	vcvt.s32.f32 v40;
	v53 =	vld.idx.msk [tilespmem:v44+s3+$0x0], $0xffff  }
0x4a8: {  	[tilespmem:$0x1FD60] =	vst v46;
	v15 =	vmax.f32 v15, $0.0e+00;
	v46 =	vcvt.s32.f32 v60;
	v49 =	vmul.f32 $5.000000000e-01, v0  }
0x4a9: {  	v0 =	vcvt.s32.f32 v47;
	v54 =	vshll.u32 v2, $0x10;
	v5 =	vand.u32 $0xFFFF0000, v2  }
0x4aa: {  	v50 =	vsub.f32 v37, v46;
	v6 =	vsub.f32 v5, v54;
	v7 =	vshll.u32 v3, $0x10  }
0x4ab: {  	[tilespmem:$0x1FD90] =	vst v51;
	v51 =	vand.u32 $0xFFFF0000, v3;
	v8 =	vshll.u32 v4, $0x10;
	v52 =	vand.u32 $0xFFFF0000, v4  }
0x4ac: {  	v51 =	vsub.f32 v51, v7;
	v10 =	vshll.u32 v53, $0x10;
	v53 =	vand.u32 $0xFFFF0000, v53  }
0x4ad: {  	v49 =	vmul.f32 $3.200000000e+01, v49;
	v52 =	vsub.f32 v52, v8;
	v53 =	vsub.f32 v53, v10  }
0x4ae: {  	v22 =	vmovc v57;
	v57 =	vmin.f32 v15, $3.200000000e+01;
	v37 =	vmul.f32 v50, v6;
	v51 =	vmul.f32 v50, v51  }
0x4af: {  	v63 =	vmax.f32 v43, $0.0e+00;
	v59 =	vmul.f32 v50, v52;
	v60 =	vmul.f32 v50, v53  }
0x4b0: {  	v43 =	vshll.u32 v13, $0x10;
	v37 =	vadd.f32 v54, v37;
	v61 =	vadd.f32 v7, v51  }
0x4b1: {  	v13 =	vtrunc.f32 v57;
	v62 =	vadd.f32 v8, v59;
	v52 =	vadd.f32 v10, v60  }
0x4b2: {  	v11 =	vmax.f32 v49, $0.0e+00;
	v49 =	vmin.f32 v16, $3.200000000e+01;
	v51 =	vsub.f32 v39, v40  }
0x4b3: {  	v46 =	vmin.f32 v11, $3.200000000e+01;
	v12 =	vsub.f32 v61, v37;
	v16 =	vsub.f32 v52, v62  }
0x4b4: {  	v1 =	vtrunc.f32 v49;
	v2 =	vtrunc.f32 v46  }
0x4b5: {  	v38 =	vadd.f32 $1.000000000e+00, v38;
	v12 =	vmul.f32 v12, v51;
	v15 =	vmul.f32 v16, v51  }
0x4b6: {  	v35 =	vmax.f32 v35, $0.0e+00;
	v54 =	vcvt.f32.s32 v2;
	v53 =	vcvt.f32.s32 v1  }
0x4b7: {  	v58 =	vmin.f32 v63, $3.200000000e+01;
	v12 =	vadd.f32 v12, v37;
	v15 =	vadd.f32 v15, v62  }
0x4b8: {  	v6 =	vadd.s32 $0x1, v54;
	v59 =	vmin.f32 v35, $3.200000000e+01;
	v4 =	vadd.s32 $0x1, v53  }
0x4b9: {  	vm2 =	vlt.s32 v6, $0x20;
	v52 =	vsub.f32 v9, v0;
	v3 =	vsub.f32 v15, v12  }
0x4ba: {  	v61 =	vcvt.f32.s32 v13;
	v13 =	vmul.f32 $3.200000000e+01, v36;
	vm13 =	vlt.s32 v4, $0x20  }
0x4bb: {  	v5 =	vtrunc.f32 v59;
	v35 =	vnsel vm13, $0x20, v4;
	v9 =	vmul.f32 v3, v52  }
0x4bc: {  	v13 =	vmax.f32 v13, $0.0e+00;
	v35 =	vmul.u32 $0x21, v35;
	v16 =	vmul.f32 $5.000000000e-01, v38  }
0x4bd: {  	v2 =	vmin.f32 v13, $3.200000000e+01;
	v13 =	vnsel vm2, $0x20, v6;
	v9 =	vadd.f32 v9, v12  }
0x4be: {  	s7 =	sadd.s32 $0x40, s7;
	v37 =	vadd.s32 $0x1, v61;
	v62 =	vcvt.f32.s32 v5;
	v12 =	vmul.f32 $3.200000000e+01, v16  }
0x4bf: {  	vm1 =	vlt.s32 v37, $0x20;
	v15 =	vtrunc.f32 v55;
	v16 =	vmul.f32 $3.200000000e+01, v34;
	[tilespmem:s7+$0x10] =	vst v9  }
0x4c0: {  	v60 =	vcvt.f32.s32 v15;
	v15 =	vtrunc.f32 v58;
	v40 =	vmax.f32 v12, $0.0e+00;
	v12 =	vld.idx.msk [tilespmem:v17+s16+$0x0], $0xffff  }
0x4c1: {  	v37 =	vnsel vm1, $0x20, v37;
	v63 =	vcvt.f32.s32 v15;
	v15 =	vmax.f32 v16, $0.0e+00;
	v16 =	vld.idx.msk [tilespmem:v45+s16+$0x0], $0xffff  }
0x4c2: {  	v8 =	vmul.u32 $0x21, v13;
	v39 =	vadd.s32 $0x1, v62;
	v37 =	vmul.u32 $0x441, v37;
	v47 =	vld.idx.msk [tilespmem:v42+s16+$0x0], $0xffff  }
0x4c3: {  	vm15 =	vlt.s32 v39, $0x20;
	v3 =	vtrunc.f32 v2;
	v7 =	vadd.s32 $0x1, v60;
	v11 =	vld.idx.msk [tilespmem:v44+s16+$0x0], $0xffff  }
0x4c4: {  	v3 =	vcvt.f32.s32 v3;
	vm3 =	vlt.s32 v7, $0x20;
	v10 =	vmul.u32 $0x441, v63  }
0x4c5: {  	v21 =	vmovc v56;
	v9 =	vadd.s32 $0x1, v63;
	v56 =	vmin.f32 v40, $3.200000000e+01;
	v0 =	vmin.f32 v15, $3.200000000e+01  }
0x4c6: {  	v15 =	vnsel vm3, $0x20, v7;
	v34 =	vtrunc.f32 v56;
	v4 =	vshll.u32 v12, $0x10  }
0x4c7: {  	v12 =	vand.u32 $0xFFFF0000, v12;
	v5 =	vshll.u32 v16, $0x10;
	v16 =	vand.u32 $0xFFFF0000, v16  }
0x4c8: {  	[tilespmem:$0x1FE30] =	vst v30;
	v30 =	vshll.u32 v47, $0x10;
	v38 =	vand.u32 $0xFFFF0000, v47;
	v47 =	vmovc v31;
	v31 =	vshll.u32 v11, $0x10  }
0x4c9: {  	v40 =	vand.u32 $0xFFFF0000, v11;
	v12 =	vsub.f32 v12, v4;
	v16 =	vsub.f32 v16, v5  }
0x4ca: {  	v36 =	vtrunc.f32 v0;
	v38 =	vsub.f32 v38, v30;
	v40 =	vsub.f32 v40, v31  }
0x4cb: {  	vm14 =	vlt.s32 v9, $0x20;
	v12 =	vmul.f32 v12, v50;
	v13 =	vmul.f32 v16, v50  }
0x4cc: {  	v9 =	vnsel vm14, $0x20, v9;
	v16 =	vmul.f32 v38, v50;
	v1 =	vmul.f32 v40, v50  }
0x4cd: {  	v14 =	vcvt.f32.s32 v34;
	v4 =	vadd.f32 v4, v12;
	v5 =	vadd.f32 v5, v13  }
0x4ce: {  	v11 =	vmul.u32 $0x441, v62;
	v12 =	vadd.f32 v30, v16;
	v13 =	vadd.f32 v31, v1  }
0x4cf: {  	v15 =	vmul.u32 $0x21, v15;
	v34 =	vmul.u32 $0x441, v9;
	v9 =	vadd.s32 v14, v35  }
0x4d0: {  	v7 =	vadd.s32 v3, v11;
	v5 =	vsub.f32 v5, v4;
	v13 =	vsub.f32 v13, v12  }
0x4d1: {  	v38 =	vmul.u32 $0x21, v54;
	v40 =	vadd.s32 v3, v15;
	v1 =	vcvt.f32.s32 v36  }
0x4d2: {  	v30 =	vmul.u32 $0x441, v61;
	v5 =	vmul.f32 v5, v51;
	v13 =	vmul.f32 v13, v51  }
0x4d3: {  	v31 =	vnsel vm15, $0x20, v39;
	v39 =	vmul.u32 $0x21, v60;
	v18 =	vadd.s32 v1, v10  }
0x4d4: {  	v4 =	vadd.f32 v5, v4;
	v36 =	vadd.f32 v13, v12;
	v12 =	vadd.s32 v1, v8  }
0x4d5: {  	v6 =	vadd.s32 v3, v39;
	v13 =	vadd.s32 v14, v30;
	v20 =	vadd.s32 v34, v12  }
0x4d6: {  	v39 =	vadd.s32 v35, v13;
	v35 =	vadd.s32 v8, v18;
	v5 =	vsub.f32 v36, v4  }
0x4d7: {  	v16 =	vmul.u32 $0x21, v53;
	v31 =	vmul.u32 $0x441, v31;
	v36 =	vadd.s32 v37, v9  }
0x4d8: {  	v19 =	vadd.s32 v15, v7;
	v60 =	vcvt.s32.f32 v60;
	v5 =	vmul.f32 v5, v52  }
0x4d9: {  	v16 =	vadd.s32 v14, v16;
	v38 =	vadd.s32 v1, v38;
	v23 =	vadd.s32 v31, v40  }
0x4da: {  	v40 =	vadd.s32 v30, v16;
	v15 =	vadd.s32 v31, v6;
	v4 =	vadd.f32 v5, v4;
	v8 =	vld.idx.msk [tilespmem:v20+s3+$0x0], $0xffff  }
0x4db: {  	s14 =	sadd.s32 $0x40, s14;
	v34 =	vadd.s32 v34, v38;
	v38 =	vadd.s32 v10, v38;
	v10 =	vcvt.s32.f32 v14;
	v13 =	vld.idx.msk [tilespmem:v35+s3+$0x0], $0xffff  }
0x4dc: {  	v37 =	vadd.s32 v37, v16;
	v16 =	vadd.s32 v11, v6;
	v11 =	vcvt.s32.f32 v53;
	v6 =	vld.idx.msk [tilespmem:v36+s3+$0x0], $0xffff;
	[tilespmem:s14+$0x10] =	vst v4  }
0x4dd: {  	v3 =	vcvt.s32.f32 v3;
	v1 =	vcvt.s32.f32 v1;
	v53 =	vshll.u32 v41, $0x10;
	v5 =	vld.idx.msk [tilespmem:v17+s17+$0x0], $0xffff  }
0x4de: {  	v49 =	vsub.f32 v49, v11;
	v11 =	vcvt.s32.f32 v62;
	v7 =	vld.idx.msk [tilespmem:v45+s17+$0x0], $0xffff;
	v17 =	vsub.f32 v56, v10  }
0x4df: {  	v56 =	vsub.f32 v0, v1;
	v45 =	vcvt.s32.f32 v54;
	v1 =	vld.idx.msk [tilespmem:v42+s17+$0x0], $0xffff;
	v54 =	vsub.f32 v2, v3  }
0x4e0: {  	v3 =	vld.idx.msk [tilespmem:v44+s17+$0x0], $0xffff;
	v42 =	vcvt.s32.f32 v61;
	v0 =	vcvt.s32.f32 v63;
	v44 =	vsub.f32 v59, v11  }
0x4e1: {  	v46 =	vsub.f32 v46, v45;
	v45 =	vsub.f32 v55, v60;
	v60 =	vand.u32 $0xFFFF0000, v41  }
0x4e2: {  	v41 =	vsub.f32 v57, v42;
	v42 =	vsub.f32 v58, v0;
	v55 =	vshll.u32 v48, $0x10  }
0x4e3: {  	v48 =	vand.u32 $0xFFFF0000, v48;
	v61 =	vshll.u32 v8, $0x10;
	v8 =	vand.u32 $0xFFFF0000, v8  }
0x4e4: {  	v62 =	vshll.u32 v13, $0x10;
	v13 =	vand.u32 $0xFFFF0000, v13;
	v31 =	vshll.u32 v6, $0x10  }
0x4e5: {  	v6 =	vand.u32 $0xFFFF0000, v6;
	v8 =	vsub.f32 v8, v61;
	v13 =	vsub.f32 v13, v62  }
0x4e6: {  	v58 =	vld.idx.msk [tilespmem:v15+s3+$0x0], $0xffff;
	v6 =	vsub.f32 v6, v31;
	v2 =	vshll.u32 v5, $0x10;
	v5 =	vand.u32 $0xFFFF0000, v5  }
0x4e7: {  	v11 =	vshll.u32 v7, $0x10;
	v7 =	vand.u32 $0xFFFF0000, v7;
	v14 =	vshll.u32 v1, $0x10  }
0x4e8: {  	v1 =	vand.u32 $0xFFFF0000, v1;
	v18 =	vshll.u32 v3, $0x10;
	v3 =	vand.u32 $0xFFFF0000, v3  }
0x4e9: {  	v0 =	vld.idx.msk [tilespmem:v23+s3+$0x0], $0xffff;
	v8 =	vmul.f32 v56, v8;
	v5 =	vsub.f32 v5, v2;
	v7 =	vsub.f32 v7, v11  }
0x4ea: {  	v4 =	vld.idx.msk [tilespmem:v39+s3+$0x0], $0xffff;
	v13 =	vmul.f32 v56, v13;
	v1 =	vsub.f32 v1, v14;
	v3 =	vsub.f32 v3, v18  }
0x4eb: {  	v10 =	vld.idx.msk [tilespmem:v37+s3+$0x0], $0xffff;
	v6 =	vmul.f32 v17, v6;
	v9 =	vshll.u32 v58, $0x10;
	v5 =	vmul.f32 v5, v50  }
0x4ec: {  	v8 =	vadd.f32 v61, v8;
	v7 =	vmul.f32 v7, v50;
	v1 =	vmul.f32 v1, v50  }
0x4ed: {  	v3 =	vmul.f32 v3, v50;
	v6 =	vadd.f32 v31, v6;
	v2 =	vadd.f32 v2, v5  }
0x4ee: {  	v30 =	vld.idx.msk [tilespmem:v34+s3+$0x0], $0xffff;
	v63 =	vadd.f32 v11, v7;
	v11 =	vshll.u32 v0, $0x10;
	v1 =	vadd.f32 v14, v1  }
0x4ef: {  	v7 =	vld.idx.msk [tilespmem:v16+s3+$0x0], $0xffff;
	v3 =	vadd.f32 v18, v3;
	v14 =	vshll.u32 v4, $0x10;
	v0 =	vand.u32 $0xFFFF0000, v0  }
0x4f0: {  	v4 =	vand.u32 $0xFFFF0000, v4;
	v18 =	vshll.u32 v10, $0x10;
	v0 =	vsub.f32 v0, v11  }
0x4f1: {  	v59 =	vld.idx.msk [tilespmem:v40+s3+$0x0], $0xffff;
	v10 =	vand.u32 $0xFFFF0000, v10;
	v4 =	vsub.f32 v4, v14;
	v5 =	vsub.f32 v63, v2  }
0x4f2: {  	v58 =	vand.u32 $0xFFFF0000, v58;
	v10 =	vsub.f32 v10, v18;
	v3 =	vsub.f32 v3, v1  }
0x4f3: {  	v50 =	vld.idx.msk [tilespmem:v38+s3+$0x0], $0xffff;
	v63 =	vshll.u32 v30, $0x10;
	v0 =	vmul.f32 v54, v0;
	v5 =	vmul.f32 v5, v51  }
0x4f4: {  	v4 =	vmul.f32 v17, v4;
	v3 =	vmul.f32 v3, v51;
	v12 =	vshll.u32 v7, $0x10  }
0x4f5: {  	v7 =	vand.u32 $0xFFFF0000, v7;
	v0 =	vadd.f32 v11, v0;
	v2 =	vadd.f32 v5, v2  }
0x4f6: {  	v57 =	vld.idx.msk [tilespmem:v19+s3+$0x0], $0xffff;
	v1 =	vadd.f32 v3, v1;
	v3 =	vshll.u32 v59, $0x10;
	v5 =	vand.u32 $0xFFFF0000, v59  }
0x4f7: {  	v30 =	vand.u32 $0xFFFF0000, v30;
	v7 =	vsub.f32 v7, v12;
	v5 =	vsub.f32 v5, v3  }
0x4f8: {  	v4 =	vadd.f32 v14, v4;
	v59 =	vshll.u32 v50, $0x10;
	v1 =	vsub.f32 v1, v2  }
0x4f9: {  	v50 =	vand.u32 $0xFFFF0000, v50;
	v7 =	vmul.f32 v54, v7;
	v5 =	vmul.f32 v17, v5  }
0x4fa: {  	v1 =	vmul.f32 v1, v52;
	v52 =	vsub.f32 v58, v9;
	v58 =	vsub.f32 v50, v59  }
0x4fb: {  	v51 =	vshll.u32 v57, $0x10;
	v50 =	vadd.f32 v62, v13;
	v7 =	vadd.f32 v12, v7  }
0x4fc: {  	v57 =	vand.u32 $0xFFFF0000, v57;
	v3 =	vadd.f32 v3, v5;
	v1 =	vadd.f32 v1, v2  }
0x4fd: {  	v13 =	vshll.u32 v33, $0x10;
	v2 =	vsub.f32 v30, v63;
	v30 =	vsub.f32 v57, v51  }
0x4fe: {  	v12 =	vand.u32 $0xFFFF0000, v32;
	v57 =	vmul.f32 v17, v10;
	v31 =	vmul.f32 v54, v52  }
0x4ff: {  	s18 =	sadd.s32 $0x40, s18;
	v10 =	vmul.f32 v56, v58;
	v4 =	vsub.f32 v4, v3;
	v30 =	vmul.f32 v54, v30  }
0x500: {  	[tilespmem:s18+$0x10] =	vst v1;
	v1 =	vadd.f32 v18, v57;
	v9 =	vadd.f32 v9, v31;
	v18 =	vand.u32 $0xFFFF0000, v33  }
0x501: {  	v52 =	vadd.f32 v59, v10;
	v10 =	vshll.u32 v32, $0x10;
	v32 =	vsub.f32 v48, v55  }
0x502: {  	v2 =	vmul.f32 v56, v2;
	v33 =	vsub.f32 v18, v13;
	v48 =	vsub.f32 v12, v10  }
0x503: {  	v4 =	vmul.f32 v4, v49;
	v14 =	vadd.f32 v51, v30;
	v6 =	vsub.f32 v6, v1  }
0x504: {  	v12 =	vld [tilespmem:$0x1FD90];
	v0 =	vsub.f32 v0, v9;
	v11 =	vsub.f32 v50, v52  }
0x505: {  	v2 =	vadd.f32 v63, v2;
	v3 =	vadd.f32 v4, v3;
	v6 =	vmul.f32 v6, v49  }
0x506: {  	v30 =	vld [tilespmem:$0x1FD20];
	v14 =	vsub.f32 v14, v7;
	v0 =	vmul.f32 v0, v45;
	v57 =	vmul.f32 v11, v46  }
0x507: {  	v8 =	vsub.f32 v8, v2;
	v1 =	vadd.f32 v6, v1  }
0x508: {  	v61 =	vmovc v15;
	v58 =	vmul.f32 v14, v45;
	v0 =	vadd.f32 v0, v9;
	v59 =	vadd.f32 v57, v52  }
0x509: {  	v15 =	vmovc v20;
	v8 =	vmul.f32 v8, v46;
	v52 =	vsub.f32 v60, v53;
	v20 =	vadd.f32 v12, v29  }
0x50a: {  	v26 =	vand.u32 $0xFFFF0000, v26;
	v62 =	vld [tilespmem:$0x1FD50];
	v5 =	vadd.f32 v58, v7;
	v1 =	vsub.f32 v1, v3  }
0x50b: {  	v12 =	vld [tilespmem:$0x1FDA0];
	v50 =	vsub.f32 v26, v30;
	v2 =	vadd.f32 v8, v2;
	v4 =	vmul.f32 v52, v21  }
0x50c: {  	v52 =	vmul.f32 v32, v21;
	v32 =	vld [tilespmem:$0x1FD60];
	v0 =	vsub.f32 v0, v5;
	v1 =	vmul.f32 v1, v41  }
0x50d: {  	v51 =	vsub.f32 v24, v43;
	v7 =	vmul.f32 v33, v21;
	v33 =	vld [tilespmem:$0x1FD70];
	v6 =	vmul.f32 v50, v22  }
0x50e: {  	v50 =	vld [tilespmem:$0x1FD30];
	v2 =	vsub.f32 v2, v59;
	v0 =	vmul.f32 v0, v44;
	v1 =	vadd.f32 v1, v3  }
0x50f: {  	v25 =	vmul.f32 v25, v22;
	v3 =	vmul.f32 v51, v22;
	v51 =	vld [tilespmem:$0x1FD40]  }
0x510: {  	v2 =	vmul.f32 v2, v42;
	v0 =	vadd.f32 v0, v5;
	[tilespmem:s7+$0xFFFFFFE0] =	vst v1;
	v5 =	vmul.f32 v48, v21;
	v48 =	vld [tilespmem:$0x1FD80]  }
0x511: {  	v8 =	vld.idx.msk [tilespmem:v40+s16+$0x0], $0xffff  }
0x512: {  	v12 =	vadd.f32 v12, v25;
	v2 =	vadd.f32 v2, v59;
	v63 =	vld.idx.msk [tilespmem:v39+s16+$0x0], $0xffff  }
0x513: {  	v25 =	vadd.f32 v55, v52;
	v55 =	vmov v23;
	v23 =	vadd.f32 v13, v7;
	v14 =	vld.idx.msk [tilespmem:v36+s16+$0x0], $0xffff  }
0x514: {  	v22 =	vadd.f32 v53, v4;
	[tilespmem:s7+$0xFFFFFFF0] =	vst v2;
	v18 =	vadd.f32 v50, v51;
	v50 =	vld.idx.msk [tilespmem:v37+s16+$0x0], $0xffff  }
0x515: {  	v60 =	vmov v19;
	v19 =	vadd.f32 v32, v33;
	v21 =	vadd.f32 v30, v6;
	v51 =	vld.idx.msk [tilespmem:v38+s16+$0x0], $0xffff  }
0x516: {  	v57 =	vmovc v56;
	v56 =	vmov v54;
	v24 =	vadd.f32 v43, v3;
	v2 =	vadd.f32 v62, v27;
	v52 =	vld.idx.msk [tilespmem:v35+s16+$0x0], $0xffff  }
0x517: {  	[tilespmem:s7+$0x0] =	vst v0;
	v26 =	vadd.f32 v10, v5;
	v54 =	vld.idx.msk [tilespmem:v34+s16+$0x0], $0xffff;
	v0 =	vadd.f32 v48, v28;
	v4 =	vshll.u32 v8, $0x10  }
0x518: {  	v59 =	vld.idx.msk [tilespmem:v15+s16+$0x0], $0xffff;
	v53 =	vand.u32 $0xFFFF0000, v8;
	v7 =	vshll.u32 v63, $0x10;
	v58 =	vand.u32 $0xFFFF0000, v63  }
0x519: {  	v13 =	vld.idx.msk [tilespmem:v16+s16+$0x0], $0xffff;
	v27 =	vshll.u32 v14, $0x10;
	v14 =	vand.u32 $0xFFFF0000, v14;
	v5 =	vsub.f32 v53, v4  }
0x51a: {  	v30 =	vld.idx.msk [tilespmem:v61+s16+$0x0], $0xffff;
	v8 =	vsub.f32 v58, v7;
	v14 =	vsub.f32 v14, v27;
	v62 =	vshll.u32 v50, $0x10  }
0x51b: {  	v11 =	vand.u32 $0xFFFF0000, v50;
	v29 =	vshll.u32 v51, $0x10;
	v3 =	vand.u32 $0xFFFF0000, v51  }
0x51c: {  	v31 =	vshll.u32 v52, $0x10;
	v1 =	vand.u32 $0xFFFF0000, v52;
	v33 =	vshll.u32 v54, $0x10  }
0x51d: {  	v28 =	vld.idx.msk [tilespmem:v60+s16+$0x0], $0xffff;
	v6 =	vand.u32 $0xFFFF0000, v54;
	v43 =	vshll.u32 v59, $0x10;
	v9 =	vand.u32 $0xFFFF0000, v59  }
0x51e: {  	v48 =	vshll.u32 v13, $0x10;
	v13 =	vand.u32 $0xFFFF0000, v13;
	v11 =	vsub.f32 v11, v62  }
0x51f: {  	v63 =	vld.idx.msk [tilespmem:v55+s16+$0x0], $0xffff;
	v51 =	vshll.u32 v30, $0x10;
	v3 =	vsub.f32 v3, v29;
	v1 =	vsub.f32 v1, v31  }
0x520: {  	v30 =	vand.u32 $0xFFFF0000, v30;
	v6 =	vsub.f32 v6, v33;
	v9 =	vsub.f32 v9, v43  }
0x521: {  	v13 =	vsub.f32 v13, v48;
	v30 =	vsub.f32 v30, v51  }
0x522: {  	v5 =	vmul.f32 v5, v17;
	v50 =	vshll.u32 v28, $0x10;
	v28 =	vand.u32 $0xFFFF0000, v28  }
0x523: {  	v8 =	vmul.f32 v8, v17;
	v14 =	vmul.f32 v14, v17;
	v28 =	vsub.f32 v28, v50  }
0x524: {  	v52 =	vshll.u32 v63, $0x10;
	v32 =	vand.u32 $0xFFFF0000, v63;
	v11 =	vmul.f32 v11, v17  }
0x525: {  	v4 =	vadd.f32 v4, v5;
	v3 =	vmul.f32 v3, v57;
	v1 =	vmul.f32 v1, v57  }
0x526: {  	v53 =	vadd.f32 v7, v8;
	v6 =	vmul.f32 v6, v57;
	v63 =	vadd.f32 v27, v14  }
0x527: {  	v54 =	vmul.f32 v9, v57;
	v32 =	vsub.f32 v32, v52;
	v58 =	vadd.f32 v62, v11  }
0x528: {  	v59 =	vmul.f32 v13, v56;
	v3 =	vadd.f32 v29, v3;
	v1 =	vadd.f32 v31, v1  }
0x529: {  	v13 =	vmul.f32 v30, v56;
	v6 =	vadd.f32 v33, v6;
	v7 =	vadd.f32 v43, v54  }
0x52a: {  	v62 =	vmul.f32 v28, v56;
	v9 =	vadd.f32 v48, v59;
	v5 =	vsub.f32 v53, v4  }
0x52b: {  	v31 =	vmovc v49;
	v13 =	vadd.f32 v51, v13;
	v14 =	vmul.f32 v32, v56;
	v11 =	vsub.f32 v63, v58  }
0x52c: {  	v10 =	vadd.f32 v50, v62;
	v1 =	vsub.f32 v1, v3;
	v5 =	vmul.f32 v5, v31  }
0x52d: {  	v7 =	vsub.f32 v7, v6;
	v14 =	vadd.f32 v52, v14;
	v11 =	vmul.f32 v11, v31  }
0x52e: {  	v10 =	vsub.f32 v10, v9;
	v4 =	vadd.f32 v5, v4  }
0x52f: {  	v1 =	vmul.f32 v1, v46;
	v14 =	vsub.f32 v14, v13;
	v8 =	vadd.f32 v11, v58;
	v58 =	vld [tilespmem:$0x1FDB0]  }
0x530: {  	v12 =	vsub.f32 v12, v20;
	v51 =	vmul.f32 v7, v46;
	v52 =	vmul.f32 v10, v45  }
0x531: {  	v1 =	vadd.f32 v1, v3;
	v53 =	vmul.f32 v14, v45;
	v8 =	vsub.f32 v8, v4  }
0x532: {  	v5 =	vadd.f32 v51, v6;
	v54 =	vadd.f32 v52, v9;
	v52 =	vld [tilespmem:$0x1FDD0]  }
0x533: {  	v62 =	vsub.f32 v24, v21;
	v3 =	vadd.f32 v53, v13;
	v53 =	vld [tilespmem:$0x1FDE0];
	v8 =	vmul.f32 v8, v41  }
0x534: {  	v2 =	vsub.f32 v2, v18;
	v5 =	vsub.f32 v5, v1;
	v59 =	vmul.f32 v12, v58;
	v12 =	vld [tilespmem:$0x1FDC0]  }
0x535: {  	v0 =	vsub.f32 v0, v19;
	v9 =	vmul.f32 v62, v58;
	v58 =	vld [tilespmem:$0x1FE00];
	v4 =	vadd.f32 v8, v4  }
0x536: {  	v2 =	vmul.f32 v2, v47;
	v5 =	vmul.f32 v5, v42;
	v3 =	vsub.f32 v3, v54;
	v62 =	vld [tilespmem:$0x1FE20]  }
0x537: {  	v0 =	vmul.f32 v0, v47;
	v48 =	vadd.f32 v59, v20;
	v59 =	vld [tilespmem:$0x1FE10];
	[tilespmem:s14+$0xFFFFFFE0] =	vst v4  }
0x538: {  	v2 =	vadd.f32 v2, v18;
	v1 =	vadd.f32 v5, v1;
	v3 =	vmul.f32 v3, v44;
	v4 =	vld.idx.msk [tilespmem:v40+s17+$0x0], $0xffff  }
0x539: {  	v32 =	vsub.f32 v26, v23;
	v63 =	vsub.f32 v25, v22;
	v20 =	vld.idx.msk [tilespmem:v39+s17+$0x0], $0xffff  }
0x53a: {  	v0 =	vadd.f32 v0, v19;
	[tilespmem:s14+$0xFFFFFFF0] =	vst v1;
	v3 =	vadd.f32 v3, v54;
	v54 =	vld [tilespmem:$0x1FDF0]  }
0x53b: {  	s19 =	sadd.s32 $0x4, s19;
	v7 =	vadd.f32 v53, v52;
	v25 =	vld.idx.msk [tilespmem:v38+s17+$0x0], $0xffff;
	v33 =	vmul.f32 v63, v12;
	v43 =	vmul.f32 v32, v12  }
0x53c: {  	p0 =	slt.u32 s19, $0x4C;
	v0 =	vsub.f32 v0, v2;
	v49 =	vadd.f32 v9, v21;
	v63 =	vld [tilespmem:$0x1FE30]  }
.Ltmp1:
0x53d: {  	v24 =	vld.idx.msk [tilespmem:v35+s17+$0x0], $0xffff;
	[tilespmem:s0+$0xFFFFFFF0] =	vst v7;
	v50 =	vadd.f32 v33, v22;
	v5 =	vadd.f32 v43, v23;
	(pc) =	sbr.rel @p0 .LBB2_5-.Ltmp1, $4  }
0x53e: {  	v47 =	vmovc v41;
	v30 =	vmovc v44;
	v51 =	vmov v46;
	v46 =	vmov v45;
	v6 =	vsub.f32 v49, v48;
	v26 =	vld.idx.msk [tilespmem:v34+s17+$0x0], $0xffff  }
0x53f: {  	v23 =	vld.idx.msk [tilespmem:v37+s17+$0x0], $0xffff;
	v1 =	vadd.f32 v62, v59;
	v5 =	vsub.f32 v5, v50;
	v0 =	vmul.f32 v0, v54  }
0x540: {  	v29 =	vmovc v48;
	v39 =	vmov v42;
	[tilespmem:s14+$0x0] =	vst v3;
	v22 =	vld.idx.msk [tilespmem:v36+s17+$0x0], $0xffff;
	v36 =	vmul.f32 v6, v58;
	v28 =	vshll.u32 v4, $0x10  }
0x541: {  	s21 =	sadd.s32 $0x40, s21;
	v19 =	vand.u32 $0xFFFF0000, v4;
	[tilespmem:s0+$0x0] =	vst v1;
	v33 =	vmovc v50;
	s0 =	smov.u32 s15;
	s15 =	smov.u32 s18;
	v35 =	vmul.f32 v5, v63;
	v21 =	vadd.f32 v0, v2  }
0x542: {  	_ =	sdelay $0x1  }
0x543: {  	v0 =	vsub.f32 v19, v28;
	v1 =	vshll.u32 v20, $0x10;
	v2 =	vand.u32 $0xFFFF0000, v20  }
0x544: {  	v8 =	vshll.u32 v25, $0x10;
	v9 =	vand.u32 $0xFFFF0000, v25;
	v12 =	vshll.u32 v24, $0x10  }
0x545: {  	v6 =	vld.idx.msk [tilespmem:v15+s17+$0x0], $0xffff;
	v13 =	vand.u32 $0xFFFF0000, v24;
	v2 =	vsub.f32 v2, v1;
	v9 =	vsub.f32 v9, v8  }
0x546: {  	v10 =	vld.idx.msk [tilespmem:v16+s17+$0x0], $0xffff;
	v14 =	vshll.u32 v26, $0x10;
	v50 =	vand.u32 $0xFFFF0000, v26;
	v13 =	vsub.f32 v13, v12  }
0x547: {  	v11 =	vld.idx.msk [tilespmem:v60+s17+$0x0], $0xffff;
	v3 =	vshll.u32 v23, $0x10;
	v4 =	vand.u32 $0xFFFF0000, v23;
	v0 =	vmul.f32 v0, v17  }
0x548: {  	v49 =	vld.idx.msk [tilespmem:v61+s17+$0x0], $0xffff;
	v16 =	vsub.f32 v50, v14;
	v4 =	vsub.f32 v4, v3;
	v5 =	vshll.u32 v22, $0x10  }
0x549: {  	v7 =	vand.u32 $0xFFFF0000, v22;
	v2 =	vmul.f32 v2, v17;
	v9 =	vmul.f32 v9, v57  }
0x54a: {  	v18 =	vld.idx.msk [tilespmem:v55+s17+$0x0], $0xffff;
	v13 =	vmul.f32 v13, v57;
	v7 =	vsub.f32 v7, v5;
	v16 =	vmul.f32 v16, v57  }
0x54b: {  	v0 =	vadd.f32 v28, v0;
	v4 =	vmul.f32 v4, v17;
	v52 =	vshll.u32 v6, $0x10  }
0x54c: {  	v6 =	vand.u32 $0xFFFF0000, v6;
	v53 =	vshll.u32 v10, $0x10;
	v10 =	vand.u32 $0xFFFF0000, v10  }
0x54d: {  	v54 =	vshll.u32 v11, $0x10;
	v11 =	vand.u32 $0xFFFF0000, v11;
	v55 =	vshll.u32 v49, $0x10  }
0x54e: {  	v15 =	vand.u32 $0xFFFF0000, v49;
	v1 =	vadd.f32 v1, v2;
	v62 =	vadd.f32 v8, v9  }
0x54f: {  	v58 =	vshll.u32 v18, $0x10;
	v13 =	vadd.f32 v12, v13;
	v6 =	vsub.f32 v6, v52  }
0x550: {  	v18 =	vand.u32 $0xFFFF0000, v18;
	v10 =	vsub.f32 v10, v53;
	v11 =	vsub.f32 v11, v54  }
0x551: {  	v7 =	vmul.f32 v7, v17;
	v15 =	vsub.f32 v15, v55;
	v18 =	vsub.f32 v18, v58  }
0x552: {  	v59 =	vadd.f32 v3, v4;
	v1 =	vsub.f32 v1, v0;
	v6 =	vmul.f32 v6, v57  }
0x553: {  	v8 =	vsub.f32 v13, v62;
	v10 =	vmul.f32 v10, v56;
	v60 =	vmul.f32 v11, v56  }
0x554: {  	v61 =	vadd.f32 v5, v7;
	v63 =	vmul.f32 v15, v56;
	v15 =	vadd.f32 v14, v16  }
0x555: {  	v16 =	vmul.f32 v18, v56;
	v6 =	vadd.f32 v52, v6;
	v10 =	vadd.f32 v53, v10  }
0x556: {  	v3 =	vadd.f32 v54, v60;
	v7 =	vadd.f32 v55, v63  }
0x557: {  	v11 =	vadd.f32 v58, v16;
	v4 =	vsub.f32 v61, v59  }
0x558: {  	v1 =	vmul.f32 v1, v31;
	v6 =	vsub.f32 v6, v15;
	v3 =	vsub.f32 v3, v10  }
0x559: {  	v8 =	vmul.f32 v8, v51;
	v4 =	vmul.f32 v4, v31;
	v11 =	vsub.f32 v11, v7  }
0x55a: {  	v0 =	vadd.f32 v1, v0;
	v6 =	vmul.f32 v6, v51;
	v3 =	vmul.f32 v3, v46  }
0x55b: {  	v18 =	vadd.f32 v8, v62;
	v17 =	vmul.f32 v11, v46;
	v2 =	vadd.f32 v4, v59  }
0x55c: {  	v19 =	vadd.f32 v6, v15;
	v3 =	vadd.f32 v3, v10  }
0x55d: {  	v1 =	vadd.f32 v17, v7;
	v2 =	vsub.f32 v2, v0  }
0x55e: {  	v5 =	vsub.f32 v19, v18  }
0x55f: {  	v20 =	vadd.f32 v36, v29;
	v1 =	vsub.f32 v1, v3;
	v2 =	vmul.f32 v2, v47  }
0x560: {  	[tilespmem:s0+$0xFFFFFFE0] =	vst v21;
	v22 =	vadd.f32 v35, v33;
	v5 =	vmul.f32 v5, v39  }
0x561: {  	[tilespmem:s0+$0xFFFFFFF0] =	vst v20;
	v1 =	vmul.f32 v1, v30;
	v0 =	vadd.f32 v2, v0  }
0x562: {  	[tilespmem:s0+$0x0] =	vst v22;
	v23 =	vadd.f32 v5, v18  }
0x563: {  	[tilespmem:s15+$0xFFFFFFE0] =	vst v0;
	v24 =	vadd.f32 v1, v3  }
0x564: {  	[tilespmem:s15+$0xFFFFFFF0] =	vst v23  }
0x565: {  	[tilespmem:s15+$0x0] =	vst v24  }
0x566: {  	v0 =	vld [tilespmem:$0x1C080]  }
0x567: {  	v25 =	vld [tilespmem:$0x1C600]  }
0x568: {  	v2 =	vld [tilespmem:$0x1BB00];
	_ =	sdelay $0x2  }
0x569: {  	v0 =	vadd.f32 $-5.000000000e-01, v0  }
0x56a: {  	v1 =	vadd.f32 $-5.000000000e-01, v25  }
0x56b: {  	v2 =	vadd.f32 $-5.000000000e-01, v2;
	v0 =	vadd.f32 v0, v0  }
0x56c: {  	v1 =	vadd.f32 v1, v1  }
0x56d: {  	v2 =	vadd.f32 v2, v2;
	v0 =	vadd.f32 $1.000000000e+00, v0  }
0x56e: {  	v1 =	vadd.f32 $1.000000000e+00, v1  }
0x56f: {  	v2 =	vadd.f32 $1.000000000e+00, v2;
	v0 =	vmul.f32 $5.000000000e-01, v0  }
0x570: {  	v1 =	vmul.f32 $5.000000000e-01, v1  }
0x571: {  	v2 =	vmul.f32 $5.000000000e-01, v2;
	v0 =	vmul.f32 $3.200000000e+01, v0  }
0x572: {  	v1 =	vmul.f32 $3.200000000e+01, v1  }
0x573: {  	v2 =	vmul.f32 $3.200000000e+01, v2;
	v0 =	vmax.f32 v0, $0.0e+00  }
0x574: {  	v1 =	vmax.f32 v1, $0.0e+00;
	v0 =	vmin.f32 v0, $3.200000000e+01  }
0x575: {  	v2 =	vmax.f32 v2, $0.0e+00;
	v1 =	vmin.f32 v1, $3.200000000e+01;
	v26 =	vtrunc.f32 v0  }
0x576: {  	v2 =	vmin.f32 v2, $3.200000000e+01;
	v27 =	vtrunc.f32 v1;
	v3 =	vcvt.f32.s32 v26  }
0x577: {  	v28 =	vtrunc.f32 v2;
	v4 =	vcvt.f32.s32 v27  }
0x578: {  	v5 =	vcvt.f32.s32 v28;
	v29 =	vadd.s32 $0x1, v3  }
0x579: {  	v30 =	vadd.s32 $0x1, v4;
	v31 =	vmul.u32 $0x21, v3;
	vm0 =	vlt.s32 v29, $0x20  }
0x57a: {  	v32 =	vmul.u32 $0x441, v4;
	vm15 =	vlt.s32 v30, $0x20;
	v6 =	vnsel vm0, $0x20, v29  }
0x57b: {  	v7 =	vnsel vm15, $0x20, v30;
	v8 =	vadd.s32 v5, v31;
	v6 =	vmul.u32 $0x21, v6  }
0x57c: {  	v9 =	vadd.s32 v5, v32;
	v7 =	vmul.u32 $0x441, v7;
	v33 =	vadd.s32 v32, v8  }
0x57d: {  	v9 =	vadd.s32 v6, v9  }
0x57e: {  	v8 =	vadd.s32 v7, v8;
	v6 =	vadd.s32 v5, v6  }
0x57f: {  	v6 =	vadd.s32 v7, v6;
	_ =	sdelay $0x1  }
0x580: {  	v34 =	vld.idx.msk [tilespmem:v33+s3+$0x0], $0xffff  }
0x581: {  	v35 =	vld.idx.msk [tilespmem:v9+s3+$0x0], $0xffff  }
0x582: {  	v36 =	vld.idx.msk [tilespmem:v8+s3+$0x0], $0xffff  }
0x583: {  	v37 =	vld.idx.msk [tilespmem:v6+s3+$0x0], $0xffff  }
0x584: {  	v5 =	vcvt.s32.f32 v5  }
0x585: {  	v38 =	vshll.u32 v34, $0x10;
	v7 =	vand.u32 $0xFFFF0000, v34  }
0x586: {  	v2 =	vsub.f32 v2, v5;
	v7 =	vsub.f32 v7, v38;
	v39 =	vshll.u32 v35, $0x10  }
0x587: {  	v11 =	vand.u32 $0xFFFF0000, v35;
	v40 =	vshll.u32 v36, $0x10;
	v12 =	vand.u32 $0xFFFF0000, v36  }
0x588: {  	v11 =	vsub.f32 v11, v39;
	v41 =	vshll.u32 v37, $0x10;
	v13 =	vand.u32 $0xFFFF0000, v37  }
0x589: {  	v12 =	vsub.f32 v12, v40;
	v13 =	vsub.f32 v13, v41  }
0x58a: {  	v7 =	vmul.f32 v2, v7;
	v11 =	vmul.f32 v2, v11  }
0x58b: {  	v12 =	vmul.f32 v2, v12;
	v13 =	vmul.f32 v2, v13  }
0x58c: {  	v3 =	vcvt.s32.f32 v3;
	v5 =	vadd.f32 v38, v7;
	v42 =	vadd.f32 v39, v11  }
0x58d: {  	v43 =	vadd.f32 v40, v12;
	v44 =	vadd.f32 v41, v13  }
0x58e: {  	v0 =	vsub.f32 v0, v3  }
0x58f: {  	v45 =	vsub.f32 v42, v5;
	v46 =	vsub.f32 v44, v43;
	_ =	sdelay $0x1  }
0x590: {  	v3 =	vmul.f32 v45, v0;
	v7 =	vmul.f32 v46, v0;
	_ =	sdelay $0x1  }
0x591: {  	v4 =	vcvt.s32.f32 v4;
	v3 =	vadd.f32 v3, v5;
	v47 =	vadd.f32 v7, v43;
	_ =	sdelay $0x1  }
0x592: {  	v1 =	vsub.f32 v1, v4;
	v48 =	vsub.f32 v47, v3;
	_ =	sdelay $0x1  }
0x593: {  	v4 =	vmul.f32 v48, v1;
	_ =	sdelay $0x1  }
0x594: {  	v3 =	vadd.f32 v4, v3;
	_ =	sdelay $0x1  }
0x595: {  	[tilespmem:$0x1DC00] =	vst v3  }
0x596: {  	v3 =	vld.idx.msk [tilespmem:v33+s16+$0x0], $0xffff  }
0x597: {  	v49 =	vld.idx.msk [tilespmem:v9+s16+$0x0], $0xffff  }
0x598: {  	v50 =	vld.idx.msk [tilespmem:v8+s16+$0x0], $0xffff  }
0x599: {  	v51 =	vld.idx.msk [tilespmem:v6+s16+$0x0], $0xffff;
	_ =	sdelay $0x2  }
0x59a: {  	v52 =	vshll.u32 v3, $0x10  }
0x59b: {  	v3 =	vand.u32 $0xFFFF0000, v3;
	v53 =	vshll.u32 v49, $0x10;
	v4 =	vand.u32 $0xFFFF0000, v49  }
0x59c: {  	v54 =	vshll.u32 v50, $0x10;
	v5 =	vand.u32 $0xFFFF0000, v50;
	v55 =	vshll.u32 v51, $0x10  }
0x59d: {  	v7 =	vand.u32 $0xFFFF0000, v51;
	v3 =	vsub.f32 v3, v52;
	v4 =	vsub.f32 v4, v53  }
0x59e: {  	v5 =	vsub.f32 v5, v54;
	v7 =	vsub.f32 v7, v55  }
0x59f: {  	v3 =	vmul.f32 v3, v2;
	v4 =	vmul.f32 v4, v2  }
0x5a0: {  	v5 =	vmul.f32 v5, v2;
	v7 =	vmul.f32 v7, v2  }
0x5a1: {  	v3 =	vadd.f32 v52, v3;
	v4 =	vadd.f32 v53, v4  }
0x5a2: {  	v5 =	vadd.f32 v54, v5;
	v7 =	vadd.f32 v55, v7;
	_ =	sdelay $0x1  }
0x5a3: {  	v4 =	vsub.f32 v4, v3;
	v7 =	vsub.f32 v7, v5;
	_ =	sdelay $0x1  }
0x5a4: {  	v4 =	vmul.f32 v4, v0;
	v7 =	vmul.f32 v7, v0;
	_ =	sdelay $0x1  }
0x5a5: {  	v3 =	vadd.f32 v4, v3;
	v56 =	vadd.f32 v7, v5;
	_ =	sdelay $0x1  }
0x5a6: {  	v4 =	vsub.f32 v56, v3;
	_ =	sdelay $0x1  }
0x5a7: {  	v4 =	vmul.f32 v4, v1;
	_ =	sdelay $0x1  }
0x5a8: {  	v3 =	vadd.f32 v4, v3;
	_ =	sdelay $0x1  }
0x5a9: {  	[tilespmem:$0x1E180] =	vst v3  }
0x5aa: {  	v3 =	vld.idx.msk [tilespmem:v33+s17+$0x0], $0xffff  }
0x5ab: {  	v57 =	vld.idx.msk [tilespmem:v9+s17+$0x0], $0xffff  }
0x5ac: {  	v58 =	vld.idx.msk [tilespmem:v8+s17+$0x0], $0xffff  }
0x5ad: {  	v6 =	vld.idx.msk [tilespmem:v6+s17+$0x0], $0xffff;
	_ =	sdelay $0x2  }
0x5ae: {  	v59 =	vshll.u32 v3, $0x10  }
0x5af: {  	v3 =	vand.u32 $0xFFFF0000, v3;
	v60 =	vshll.u32 v57, $0x10;
	v4 =	vand.u32 $0xFFFF0000, v57  }
0x5b0: {  	v61 =	vshll.u32 v58, $0x10;
	v5 =	vand.u32 $0xFFFF0000, v58;
	v62 =	vshll.u32 v6, $0x10  }
0x5b1: {  	v6 =	vand.u32 $0xFFFF0000, v6;
	v3 =	vsub.f32 v3, v59;
	v4 =	vsub.f32 v4, v60  }
0x5b2: {  	v5 =	vsub.f32 v5, v61;
	v6 =	vsub.f32 v6, v62  }
0x5b3: {  	v3 =	vmul.f32 v3, v2;
	v4 =	vmul.f32 v4, v2  }
0x5b4: {  	v5 =	vmul.f32 v5, v2;
	v2 =	vmul.f32 v6, v2  }
0x5b5: {  	v3 =	vadd.f32 v59, v3;
	v4 =	vadd.f32 v60, v4  }
0x5b6: {  	v5 =	vadd.f32 v61, v5;
	v2 =	vadd.f32 v62, v2;
	_ =	sdelay $0x1  }
0x5b7: {  	v4 =	vsub.f32 v4, v3;
	v2 =	vsub.f32 v2, v5;
	_ =	sdelay $0x1  }
0x5b8: {  	v4 =	vmul.f32 v4, v0;
	v0 =	vmul.f32 v2, v0;
	_ =	sdelay $0x1  }
0x5b9: {  	v63 =	vadd.f32 v4, v3;
	v0 =	vadd.f32 v0, v5;
	_ =	sdelay $0x1  }
0x5ba: {  	v0 =	vsub.f32 v0, v63;
	_ =	sdelay $0x1  }
0x5bb: {  	v0 =	vmul.f32 v0, v1;
	_ =	sdelay $0x1  }
0x5bc: {  	v0 =	vadd.f32 v0, v63  }
0x5bd: {  	s20 =	sadd.s32 $0x1, s20  }
0x5be: {  	s19 =	sadd.s32 s6, s5;
	p0 =	sne.s32 s20, $0x19;
	[tilespmem:$0x1E700] =	vst v0  }
0x5bf: {  	[hbm4b:s19+s3] =	stream.linear.scatter [tilespmem:s30], [sflag:$0x4], $0x510, $0x38;
	[tilespmem:$0x1E780] =	vst v63  }
.Ltmp2:
0x5c0: {  	_ = 	snop;
	(pc) =	sbr.rel @p0 .LBB2_2-.Ltmp2, $4  }
0x5c1: {  	s21 =	sadd.s32 s6, s8  }
0x5c2: {  	[hbm4b:s21+s3] =	stream.linear.scatter [tilespmem:s31], [sflag:$0x4], $0x510, $0x38;
	[tilespmem:$0x1E780] =	vst v63  }
0x5c3: {  	s22 =	sadd.s32 s6, s9  }
0x5c4: {  	[hbm4b:s22+s3] =	stream.linear.scatter [tilespmem:s1], [sflag:$0x4], $0x510, $0x38;
	[tilespmem:$0x1E780] =	vst v63  }
0x5c5: {  	s0 =	simm.s32 $0x3  }
0x5c6: {  	_ =	swait.ge [sflag:s0], $0x510  }
0x5c7: {  	[sflag:s0] =	ssyncset.done $0x0  }
0x5c8: {  	[sflag:s0] =	ssyncadd.s32 $0xFFFFFAF0  }
0x5c9: {  	_ =	swait.ge [sflag:s0], $0x510  }
0x5ca: {  	[sflag:s0] =	ssyncset.done $0x0  }
0x5cb: {  	[sflag:s0] =	ssyncadd.s32 $0xFFFFFAF0  }
0x5cc: {  	_ =	swait.ge [sflag:s0], $0x510  }
0x5cd: {  	[sflag:s0] =	ssyncset.done $0x0  }
0x5ce: {  	s5 =	simm.s32 $0x4;
	[sflag:s0] =	ssyncadd.s32 $0xFFFFFAF0  }
0x5cf: {  	_ =	swait.ge [sflag:s5], $0x510  }
0x5d0: {  	[sflag:s5] =	ssyncset.done $0x0  }
0x5d1: {  	[sflag:s5] =	ssyncadd.s32 $0xFFFFFAF0  }
0x5d2: {  	_ =	swait.ge [sflag:s5], $0x510  }
0x5d3: {  	[sflag:s5] =	ssyncset.done $0x0  }
0x5d4: {  	[sflag:s5] =	ssyncadd.s32 $0xFFFFFAF0  }
0x5d5: {  	_ =	swait.ge [sflag:s5], $0x510  }
0x5d6: {  	s7 =	rddreg [dreg:$0xa]  }
0x5d7: {  	s22 =	rddreg [dreg:$0x9];
	s7 =	sadd.s32 $0x1, s7  }
0x5d8: {  	p0 =	sne.s32 s7, s22  }
.Ltmp3:
0x5d9: {  	_ = 	snop;
	(pc) =	sbr.rel @p0 .LBB2_1-.Ltmp3, $3  }
0x5da: {  	_ =	sdelay $0x1  }
0x5db: {  	[sflag:s5] =	ssyncset.done $0x0  }
0x5dc: {  	[sflag:s5] =	ssyncadd.s32 $0xFFFFFAF0  }
0x5dd: {  	_ =	sfence.sel $0x180000  }
0x5de: {  	[bflag:$0x0] =	sbarrier.arrive $0xFFFF  }
0x5df: {  	_ =	strace $0x90000047  }
0x5e0: {  	s0 =	stileid.u32;
	[bflag:$0x2] =	sbarrier.arrive $0xFFFF  }
0x5e1: {  	p0 =	sne.s32 s0, $0x0;
	s0 =	rddreg [dreg:$0x2]  }
0x5e2: {  	s0 =	sadd.s32 @!p0 $0x100000, s0  }
0x5e3: {  	[sflag:s0] =	ssyncadd.tile.s32 @!p0 $0x1;
	_ =	shalt  }
.Lfunc_end2:
_tile_overlayer_lowered:
.L_overlay_start_2:
0x5e4: {  	(tag) =	ssettag $0x2  }
0x5e5: {  	s0 =	rddreg [dreg:$0x0];
	s2 =	stileid.u32  }
0x5e6: {  	s1 =	rddreg [dreg:$0x1];
	p0 =	sne.s32 s2, $0x0  }
0x5e7: {  	s3 =	rddreg [dreg:$0x2];
	[bflag:$0x3] =	sbarrier.arrive $0xFFFF;
	s2 =	simm.s32 @!p0 $0x1C05  }
0x5e8: {  	[timem:s3], [sflag:s2] =	dma.local @!p0 [hbm:s0], s1  }
0x5e9: {  	s0 =	simm.s32 @!p0 $0x5  }
0x5ea: {  	_ =	swait.ge @!p0 [sflag:s0], s1  }
0x5eb: {  	s1 =	ssub.s32 @!p0 $0x0, s1;
	[sflag:s0] =	ssyncset.done @!p0 $0x0  }
0x5ec: {  	[sflag:s0] =	ssyncadd.s32 @!p0 s1  }
0x5ed: {  	[bflag:$0x3] =	sbarrier.arrive $0xFFFF  }
0x5ee: {  	_ =	shalt  }

</sc_bundles>
